<compile_context>
chip_gen: v7x
topology: tpu7x:2x2x1
jax: 0.10.2.dev20260603
libtpu: 0.0.44.dev20260713+nightly
codegen_flags: <defaults>
</compile_context>

<pallas_src>
import functools

import jax
import jax.numpy as jnp
from jax import lax
from jax.experimental import pallas as pl
from jax.experimental.pallas import tpu as pltpu
from jax.experimental.pallas import tpu_sc as plsc

NUM_EXPERTS = 64
TOP_K = 2
BLOCK_S = 4096

B = 4
S = 8192
N_WORKERS = 32
CHUNK = (B * S) // N_WORKERS
CHUNKS_PER_BATCH = S // CHUNK


def _gate_body(x_ref, w_ref, logits_ref):
    x = x_ref[0]
    w = w_ref[...]
    logits_ref[0] = jax.lax.dot_general(
        w, x, (((1,), (1,)), ((), ())), preferred_element_type=jnp.float32
    )


def _gate_matmul(hidden_states, gate_w):
    b, s, h = hidden_states.shape
    grid = (b, s // BLOCK_S)
    return pl.pallas_call(
        _gate_body,
        grid=grid,
        in_specs=[
            pl.BlockSpec((1, BLOCK_S, h), lambda i, j: (i, j, 0)),
            pl.BlockSpec((NUM_EXPERTS, h), lambda i, j: (0, 0)),
        ],
        out_specs=pl.BlockSpec((1, NUM_EXPERTS, BLOCK_S), lambda i, j: (i, 0, j)),
        out_shape=jax.ShapeDtypeStruct((b, NUM_EXPERTS, s), jnp.float32),
    )(hidden_states, gate_w)


def _topk_sc_body(logits_hbm, w_out, i_out, buf, wbuf, ibuf):
    cid = lax.axis_index("c")
    sid = lax.axis_index("s")
    wid = sid * 2 + cid
    batch = wid // CHUNKS_PER_BATCH
    tok0 = (wid % CHUNKS_PER_BATCH) * CHUNK

    pltpu.sync_copy(logits_hbm.at[batch, :, pl.ds(tok0, CHUNK)], buf)

    def group(g, _):
        t = pl.multiple_of(g * 16, 16)
        m1 = jnp.full((16,), -jnp.inf, jnp.float32)
        m2 = jnp.full((16,), -jnp.inf, jnp.float32)
        i1 = jnp.zeros((16,), jnp.int32)
        i2 = jnp.zeros((16,), jnp.int32)
        for e in range(NUM_EXPERTS):
            v = buf[e, pl.ds(t, 16)]
            e_vec = jnp.full((16,), e, jnp.int32)
            is1 = v > m1
            is2 = v > m2
            m2n = jnp.where(is2, v, m2)
            i2n = jnp.where(is2, e_vec, i2)
            m2 = jnp.where(is1, m1, m2n)
            i2 = jnp.where(is1, i1, i2n)
            m1 = jnp.where(is1, v, m1)
            i1 = jnp.where(is1, e_vec, i1)
        ex = jnp.exp(m2 - m1)
        w0 = 1.0 / (1.0 + ex)
        wbuf[0, pl.ds(t, 16)] = w0
        wbuf[1, pl.ds(t, 16)] = 1.0 - w0
        ibuf[0, pl.ds(t, 16)] = i1
        ibuf[1, pl.ds(t, 16)] = i2
        return _

    lax.fori_loop(0, CHUNK // 16, group, None)

    pltpu.sync_copy(wbuf, w_out.at[batch, :, pl.ds(tok0, CHUNK)])
    pltpu.sync_copy(ibuf, i_out.at[batch, :, pl.ds(tok0, CHUNK)])


def _topk_sc(logits_t):
    mesh = plsc.VectorSubcoreMesh(core_axis_name="c", subcore_axis_name="s")
    fn = functools.partial(
        pl.kernel,
        mesh=mesh,
        out_type=[
            jax.ShapeDtypeStruct((B, TOP_K, S), jnp.float32),
            jax.ShapeDtypeStruct((B, TOP_K, S), jnp.int32),
        ],
        scratch_types=[
            pltpu.VMEM((NUM_EXPERTS, CHUNK), jnp.float32),
            pltpu.VMEM((TOP_K, CHUNK), jnp.float32),
            pltpu.VMEM((TOP_K, CHUNK), jnp.int32),
        ],
    )(_topk_sc_body)
    return fn(logits_t)


@jax.jit
def kernel(hidden_states, gate_w):
    b, s, h = hidden_states.shape
    logits_t = _gate_matmul(hidden_states, gate_w)
    weights_t, idx_t = _topk_sc(logits_t)
    return (
        jnp.transpose(weights_t, (0, 2, 1)),
        jnp.transpose(idx_t, (0, 2, 1)),
        jnp.transpose(logits_t, (0, 2, 1)),
    )

# --- scband reference (transcript-rebuilt; emitter-appended) ---
"""Pipeline reference for scband-top-krouter-7636451852418 (READ-ONLY COPY).

The authoritative reference and input builder live on the scoring server;
editing this copy changes nothing except your own understanding.
"""

import jax, jax.numpy as jnp
import numpy as np

NUM_EXPERTS = 64
TOP_K = 2

def setup_inputs(seed: int = 0) -> dict:
    key = jax.random.key(seed)
    k1, k2 = jax.random.split(key)
    hidden_states = jax.random.normal(k1, (4, 8192, 768), dtype=jnp.float32)
    gate_w = jax.random.normal(k2, (NUM_EXPERTS, 768), dtype=jnp.float32) * 0.02
    return {"hidden_states": hidden_states, "gate_w": gate_w}

def reference(hidden_states, gate_w):
    # router_logits = gate(hidden_states): (B, S, E)
    router_logits = jnp.einsum('bsh,eh->bse', hidden_states, gate_w)
    # top-k over experts dim
    routing_weights, selected_experts = jax.lax.top_k(router_logits, TOP_K)
    # normalize_expert_weights=True: softmax over the selected top-k logits
    routing_weights = jax.nn.softmax(routing_weights, axis=-1)
    return routing_weights, selected_experts, router_logits

if __name__ == "__main__":
    import jax
    _d = setup_inputs()
    print(jax.jit(kernel)(*tuple(_d.values())))

</pallas_src>

<mosaic_0001>
#map = affine_map<(d0, d1) -> (0, 0, 0)>
module attributes {stable_mosaic.version = 14 : i64} {
  func.func @_topk_sc_body(%arg0: i32, %arg1: i32, %arg2: memref<4x64x8192xf32, #tpu.memory_space<hbm>>, %arg3: memref<4x2x8192xf32, #tpu.memory_space<hbm>>, %arg4: memref<4x2x8192xi32, #tpu.memory_space<hbm>>, %arg5: memref<64x1024xf32, #tpu.memory_space<vmem>>, %arg6: memref<2x1024xf32, #tpu.memory_space<vmem>>, %arg7: memref<2x1024xi32, #tpu.memory_space<vmem>>) attributes {dimension_semantics = [#tpu.dimension_semantics<core_parallel>, #tpu.dimension_semantics<subcore_parallel>], iteration_bounds = array<i64: 2, 16>, scalar_prefetch = 0 : i64, scratch_operands = 3 : i64, tpu.core_type = #tpu.core_type<sc_vector_subcore>, window_params = [{transform_indices = #map}, {transform_indices = #map}, {transform_indices = #map}]} {
    %mul3A = arith.constant 2 : i32
    %mul3A_0 = arith.muli %arg1, %mul3A : i32
    %add3A = arith.addi %mul3A_0, %arg0 : i32
    %jit3A = arith.constant 8 : i32
    %div3A = arith.divsi %add3A, %jit3A : i32
    %sign3A = arith.constant 0 : i32
    %sign3A_1 = arith.cmpi sgt, %add3A, %sign3A : i32
    %sign3A_2 = arith.extui %sign3A_1 : i1 to i32
    %sign3A_3 = arith.constant 0 : i32
    %sign3A_4 = arith.cmpi slt, %add3A, %sign3A_3 : i32
    %sign3A_5 = arith.extui %sign3A_4 : i1 to i32
    %sign3A_6 = arith.subi %sign3A_2, %sign3A_5 : i32
    %sign3A_7 = arith.constant 0 : i32
    %sign3A_8 = arith.cmpi sgt, %jit3A, %sign3A_7 : i32
    %sign3A_9 = arith.extui %sign3A_8 : i1 to i32
    %sign3A_10 = arith.constant 0 : i32
    %sign3A_11 = arith.cmpi slt, %jit3A, %sign3A_10 : i32
    %sign3A_12 = arith.extui %sign3A_11 : i1 to i32
    %sign3A_13 = arith.subi %sign3A_9, %sign3A_12 : i32
    %ne3A = arith.cmpi ne, %sign3A_6, %sign3A_13 : i32
    %rem3A = arith.remsi %add3A, %jit3A : i32
    %ne3A_14 = arith.constant 0 : i32
    %ne3A_15 = arith.cmpi ne, %rem3A, %ne3A_14 : i32
    %and3A = arith.andi %ne3A, %ne3A_15 : i1
    %sub3A = arith.constant 1 : i32
    %sub3A_16 = arith.subi %div3A, %sub3A : i32
    %select_n3A = arith.select %and3A, %sub3A_16, %div3A : i32
    %jit3A_17 = arith.constant 8 : i32
    %eq3A = arith.constant 0 : i32
    %eq3A_18 = arith.cmpi eq, %jit3A_17, %eq3A : i32
    %jit3A_19 = arith.constant 1 : i32
    %select_n3A_20 = arith.select %eq3A_18, %jit3A_19, %jit3A_17 : i32
    %rem3A_21 = arith.remsi %add3A, %select_n3A_20 : i32
    %ne3A_22 = arith.constant 0 : i32
    %ne3A_23 = arith.cmpi ne, %rem3A_21, %ne3A_22 : i32
    %lt3A = arith.constant 0 : i32
    %lt3A_24 = arith.cmpi slt, %rem3A_21, %lt3A : i32
    %lt3A_25 = arith.constant 0 : i32
    %lt3A_26 = arith.cmpi slt, %select_n3A_20, %lt3A_25 : i32
    %ne3A_27 = arith.xori %lt3A_24, %lt3A_26 : i1
    %and3A_28 = arith.andi %ne3A_27, %ne3A_23 : i1
    %add3A_29 = arith.addi %rem3A_21, %select_n3A_20 : i32
    %select_n3A_30 = arith.select %and3A_28, %add3A_29, %rem3A_21 : i32
    %mul3A_31 = arith.constant 1024 : i32
    %mul3A_32 = arith.muli %select_n3A_30, %mul3A_31 : i32
    "tpu.region"() ({
      %run_scoped3A = tpu.sem_alloc : memref<!tpu.dma_semaphore, #tpu.memory_space<semaphore_mem>>
      %dma_start3A = arith.constant 0 : i32
      %dma_start3A_37 = tpu.memref_slice %arg2[%select_n3A, %dma_start3A, %mul3A_32] : memref<4x64x8192xf32, #tpu.memory_space<hbm>> -> memref<1x64x1024xf32, #tpu.memory_space<hbm>>
      %dma_start3A_38 = tpu.memref_squeeze %dma_start3A_37 : memref<1x64x1024xf32, #tpu.memory_space<hbm>> -> memref<64x1024xf32, #tpu.memory_space<hbm>>
      %dma_start3A_39 = arith.constant 0 : i32
      %dma_start3A_40 = tpu.memref_slice %arg2[%select_n3A, %dma_start3A_39, %mul3A_32] : memref<4x64x8192xf32, #tpu.memory_space<hbm>> -> memref<1x64x1024xf32, #tpu.memory_space<hbm>>
      %dma_start3A_41 = tpu.memref_squeeze %dma_start3A_40 : memref<1x64x1024xf32, #tpu.memory_space<hbm>> -> memref<64x1024xf32, #tpu.memory_space<hbm>>
      tpu.enqueue_dma source(%dma_start3A_41 : memref<64x1024xf32, #tpu.memory_space<hbm>>) target(%arg5 : memref<64x1024xf32, #tpu.memory_space<vmem>>) target_semaphore(%run_scoped3A : memref<!tpu.dma_semaphore, #tpu.memory_space<semaphore_mem>>)
      %dma_wait3A = arith.constant 0 : i32
      %dma_wait3A_42 = tpu.memref_slice %arg2[%select_n3A, %dma_wait3A, %mul3A_32] : memref<4x64x8192xf32, #tpu.memory_space<hbm>> -> memref<1x64x1024xf32, #tpu.memory_space<hbm>>
      %dma_wait3A_43 = tpu.memref_squeeze %dma_wait3A_42 : memref<1x64x1024xf32, #tpu.memory_space<hbm>> -> memref<64x1024xf32, #tpu.memory_space<hbm>>
      %dma_wait3A_44 = arith.constant 0 : i32
      %dma_wait3A_45 = tpu.memref_slice %arg2[%select_n3A, %dma_wait3A_44, %mul3A_32] : memref<4x64x8192xf32, #tpu.memory_space<hbm>> -> memref<1x64x1024xf32, #tpu.memory_space<hbm>>
      %dma_wait3A_46 = tpu.memref_squeeze %dma_wait3A_45 : memref<1x64x1024xf32, #tpu.memory_space<hbm>> -> memref<64x1024xf32, #tpu.memory_space<hbm>>
      tpu.wait_dma2 semaphore(%run_scoped3A : memref<!tpu.dma_semaphore, #tpu.memory_space<semaphore_mem>>) src(%dma_wait3A_46 : memref<64x1024xf32, #tpu.memory_space<hbm>>) dst(%arg5 : memref<64x1024xf32, #tpu.memory_space<vmem>>)
      tpu.yield
    }) : () -> ()
    %scan3A = arith.constant 0 : i32
    %scan3A_33 = arith.constant 64 : i32
    %scan3A_34 = arith.addi %scan3A, %scan3A_33 : i32
    %scan3A_35 = arith.constant 1 : i32
    scf.for %scan3A_37 = %scan3A to %scan3A_34 step %scan3A_35  : i32 {
      %mul3A_38 = arith.constant 16 : i32
      %mul3A_39 = arith.muli %scan3A_37, %mul3A_38 : i32
      %multiple_of3A = tpu.assume_multiple %mul3A_39, 16 : i32
      %broadcast_in_dim3A = arith.constant 0xFF800000 : f32
      %broadcast_in_dim3A_40 = vector.broadcast %broadcast_in_dim3A : f32 to vector<16xf32>
      %broadcast_in_dim3A_41 = arith.constant 0xFF800000 : f32
      %broadcast_in_dim3A_42 = vector.broadcast %broadcast_in_dim3A_41 : f32 to vector<16xf32>
      %broadcast_in_dim3A_43 = arith.constant 0 : i32
      %broadcast_in_dim3A_44 = vector.broadcast %broadcast_in_dim3A_43 : i32 to vector<16xi32>
      %broadcast_in_dim3A_45 = arith.constant 0 : i32
      %broadcast_in_dim3A_46 = vector.broadcast %broadcast_in_dim3A_45 : i32 to vector<16xi32>
      %get3A = arith.constant 0 : i32
      %get3A_47 = arith.index_cast %get3A : i32 to index
      %get3A_48 = arith.index_cast %multiple_of3A : i32 to index
      %get3A_49 = tpu.vector_load %arg5[%get3A_47, %get3A_48] {strides = array<i32>} : memref<64x1024xf32, #tpu.memory_space<vmem>>, vector<1x16xf32>,
      %get3A_50 = vector.shape_cast %get3A_49 : vector<1x16xf32> to vector<16xf32>
      %broadcast_in_dim3A_51 = arith.constant 0 : i32
      %broadcast_in_dim3A_52 = vector.broadcast %broadcast_in_dim3A_51 : i32 to vector<16xi32>
      %gt3A = arith.cmpf ogt, %get3A_50, %broadcast_in_dim3A_40 : vector<16xf32>
      %gt3A_53 = arith.cmpf ogt, %get3A_50, %broadcast_in_dim3A_42 : vector<16xf32>
      %select_n3A_54 = arith.select %gt3A_53, %get3A_50, %broadcast_in_dim3A_42 : vector<16xi1>, vector<16xf32>
      %select_n3A_55 = arith.select %gt3A_53, %broadcast_in_dim3A_52, %broadcast_in_dim3A_46 : vector<16xi1>, vector<16xi32>
      %select_n3A_56 = arith.select %gt3A, %broadcast_in_dim3A_40, %select_n3A_54 : vector<16xi1>, vector<16xf32>
      %select_n3A_57 = arith.select %gt3A, %broadcast_in_dim3A_44, %select_n3A_55 : vector<16xi1>, vector<16xi32>
      %select_n3A_58 = arith.select %gt3A, %get3A_50, %broadcast_in_dim3A_40 : vector<16xi1>, vector<16xf32>
      %select_n3A_59 = arith.select %gt3A, %broadcast_in_dim3A_52, %broadcast_in_dim3A_44 : vector<16xi1>, vector<16xi32>
      %get3A_60 = arith.constant 1 : i32
      %get3A_61 = arith.index_cast %get3A_60 : i32 to index
      %get3A_62 = arith.index_cast %multiple_of3A : i32 to index
      %get3A_63 = tpu.vector_load %arg5[%get3A_61, %get3A_62] {strides = array<i32>} : memref<64x1024xf32, #tpu.memory_space<vmem>>, vector<1x16xf32>,
      %get3A_64 = vector.shape_cast %get3A_63 : vector<1x16xf32> to vector<16xf32>
      %broadcast_in_dim3A_65 = arith.constant 1 : i32
      %broadcast_in_dim3A_66 = vector.broadcast %broadcast_in_dim3A_65 : i32 to vector<16xi32>
      %gt3A_67 = arith.cmpf ogt, %get3A_64, %select_n3A_58 : vector<16xf32>
      %gt3A_68 = arith.cmpf ogt, %get3A_64, %select_n3A_56 : vector<16xf32>
      %select_n3A_69 = arith.select %gt3A_68, %get3A_64, %select_n3A_56 : vector<16xi1>, vector<16xf32>
      %select_n3A_70 = arith.select %gt3A_68, %broadcast_in_dim3A_66, %select_n3A_57 : vector<16xi1>, vector<16xi32>
      %select_n3A_71 = arith.select %gt3A_67, %select_n3A_58, %select_n3A_69 : vector<16xi1>, vector<16xf32>
      %select_n3A_72 = arith.select %gt3A_67, %select_n3A_59, %select_n3A_70 : vector<16xi1>, vector<16xi32>
      %select_n3A_73 = arith.select %gt3A_67, %get3A_64, %select_n3A_58 : vector<16xi1>, vector<16xf32>
      %select_n3A_74 = arith.select %gt3A_67, %broadcast_in_dim3A_66, %select_n3A_59 : vector<16xi1>, vector<16xi32>
      %get3A_75 = arith.constant 2 : i32
      %get3A_76 = arith.index_cast %get3A_75 : i32 to index
      %get3A_77 = arith.index_cast %multiple_of3A : i32 to index
      %get3A_78 = tpu.vector_load %arg5[%get3A_76, %get3A_77] {strides = array<i32>} : memref<64x1024xf32, #tpu.memory_space<vmem>>, vector<1x16xf32>,
      %get3A_79 = vector.shape_cast %get3A_78 : vector<1x16xf32> to vector<16xf32>
      %broadcast_in_dim3A_80 = arith.constant 2 : i32
      %broadcast_in_dim3A_81 = vector.broadcast %broadcast_in_dim3A_80 : i32 to vector<16xi32>
      %gt3A_82 = arith.cmpf ogt, %get3A_79, %select_n3A_73 : vector<16xf32>
      %gt3A_83 = arith.cmpf ogt, %get3A_79, %select_n3A_71 : vector<16xf32>
      %select_n3A_84 = arith.select %gt3A_83, %get3A_79, %select_n3A_71 : vector<16xi1>, vector<16xf32>
      %select_n3A_85 = arith.select %gt3A_83, %broadcast_in_dim3A_81, %select_n3A_72 : vector<16xi1>, vector<16xi32>
      %select_n3A_86 = arith.select %gt3A_82, %select_n3A_73, %select_n3A_84 : vector<16xi1>, vector<16xf32>
      %select_n3A_87 = arith.select %gt3A_82, %select_n3A_74, %select_n3A_85 : vector<16xi1>, vector<16xi32>
      %select_n3A_88 = arith.select %gt3A_82, %get3A_79, %select_n3A_73 : vector<16xi1>, vector<16xf32>
      %select_n3A_89 = arith.select %gt3A_82, %broadcast_in_dim3A_81, %select_n3A_74 : vector<16xi1>, vector<16xi32>
      %get3A_90 = arith.constant 3 : i32
      %get3A_91 = arith.index_cast %get3A_90 : i32 to index
      %get3A_92 = arith.index_cast %multiple_of3A : i32 to index
      %get3A_93 = tpu.vector_load %arg5[%get3A_91, %get3A_92] {strides = array<i32>} : memref<64x1024xf32, #tpu.memory_space<vmem>>, vector<1x16xf32>,
      %get3A_94 = vector.shape_cast %get3A_93 : vector<1x16xf32> to vector<16xf32>
      %broadcast_in_dim3A_95 = arith.constant 3 : i32
      %broadcast_in_dim3A_96 = vector.broadcast %broadcast_in_dim3A_95 : i32 to vector<16xi32>
      %gt3A_97 = arith.cmpf ogt, %get3A_94, %select_n3A_88 : vector<16xf32>
      %gt3A_98 = arith.cmpf ogt, %get3A_94, %select_n3A_86 : vector<16xf32>
      %select_n3A_99 = arith.select %gt3A_98, %get3A_94, %select_n3A_86 : vector<16xi1>, vector<16xf32>
      %select_n3A_100 = arith.select %gt3A_98, %broadcast_in_dim3A_96, %select_n3A_87 : vector<16xi1>, vector<16xi32>
      %select_n3A_101 = arith.select %gt3A_97, %select_n3A_88, %select_n3A_99 : vector<16xi1>, vector<16xf32>
      %select_n3A_102 = arith.select %gt3A_97, %select_n3A_89, %select_n3A_100 : vector<16xi1>, vector<16xi32>
      %select_n3A_103 = arith.select %gt3A_97, %get3A_94, %select_n3A_88 : vector<16xi1>, vector<16xf32>
      %select_n3A_104 = arith.select %gt3A_97, %broadcast_in_dim3A_96, %select_n3A_89 : vector<16xi1>, vector<16xi32>
      %get3A_105 = arith.constant 4 : i32
      %get3A_106 = arith.index_cast %get3A_105 : i32 to index
      %get3A_107 = arith.index_cast %multiple_of3A : i32 to index
      %get3A_108 = tpu.vector_load %arg5[%get3A_106, %get3A_107] {strides = array<i32>} : memref<64x1024xf32, #tpu.memory_space<vmem>>, vector<1x16xf32>,
      %get3A_109 = vector.shape_cast %get3A_108 : vector<1x16xf32> to vector<16xf32>
      %broadcast_in_dim3A_110 = arith.constant 4 : i32
      %broadcast_in_dim3A_111 = vector.broadcast %broadcast_in_dim3A_110 : i32 to vector<16xi32>
      %gt3A_112 = arith.cmpf ogt, %get3A_109, %select_n3A_103 : vector<16xf32>
      %gt3A_113 = arith.cmpf ogt, %get3A_109, %select_n3A_101 : vector<16xf32>
      %select_n3A_114 = arith.select %gt3A_113, %get3A_109, %select_n3A_101 : vector<16xi1>, vector<16xf32>
      %select_n3A_115 = arith.select %gt3A_113, %broadcast_in_dim3A_111, %select_n3A_102 : vector<16xi1>, vector<16xi32>
      %select_n3A_116 = arith.select %gt3A_112, %select_n3A_103, %select_n3A_114 : vector<16xi1>, vector<16xf32>
      %select_n3A_117 = arith.select %gt3A_112, %select_n3A_104, %select_n3A_115 : vector<16xi1>, vector<16xi32>
      %select_n3A_118 = arith.select %gt3A_112, %get3A_109, %select_n3A_103 : vector<16xi1>, vector<16xf32>
      %select_n3A_119 = arith.select %gt3A_112, %broadcast_in_dim3A_111, %select_n3A_104 : vector<16xi1>, vector<16xi32>
      %get3A_120 = arith.constant 5 : i32
      %get3A_121 = arith.index_cast %get3A_120 : i32 to index
      %get3A_122 = arith.index_cast %multiple_of3A : i32 to index
      %get3A_123 = tpu.vector_load %arg5[%get3A_121, %get3A_122] {strides = array<i32>} : memref<64x1024xf32, #tpu.memory_space<vmem>>, vector<1x16xf32>,
      %get3A_124 = vector.shape_cast %get3A_123 : vector<1x16xf32> to vector<16xf32>
      %broadcast_in_dim3A_125 = arith.constant 5 : i32
      %broadcast_in_dim3A_126 = vector.broadcast %broadcast_in_dim3A_125 : i32 to vector<16xi32>
      %gt3A_127 = arith.cmpf ogt, %get3A_124, %select_n3A_118 : vector<16xf32>
      %gt3A_128 = arith.cmpf ogt, %get3A_124, %select_n3A_116 : vector<16xf32>
      %select_n3A_129 = arith.select %gt3A_128, %get3A_124, %select_n3A_116 : vector<16xi1>, vector<16xf32>
      %select_n3A_130 = arith.select %gt3A_128, %broadcast_in_dim3A_126, %select_n3A_117 : vector<16xi1>, vector<16xi32>
      %select_n3A_131 = arith.select %gt3A_127, %select_n3A_118, %select_n3A_129 : vector<16xi1>, vector<16xf32>
      %select_n3A_132 = arith.select %gt3A_127, %select_n3A_119, %select_n3A_130 : vector<16xi1>, vector<16xi32>
      %select_n3A_133 = arith.select %gt3A_127, %get3A_124, %select_n3A_118 : vector<16xi1>, vector<16xf32>
      %select_n3A_134 = arith.select %gt3A_127, %broadcast_in_dim3A_126, %select_n3A_119 : vector<16xi1>, vector<16xi32>
      %get3A_135 = arith.constant 6 : i32
      %get3A_136 = arith.index_cast %get3A_135 : i32 to index
      %get3A_137 = arith.index_cast %multiple_of3A : i32 to index
      %get3A_138 = tpu.vector_load %arg5[%get3A_136, %get3A_137] {strides = array<i32>} : memref<64x1024xf32, #tpu.memory_space<vmem>>, vector<1x16xf32>,
      %get3A_139 = vector.shape_cast %get3A_138 : vector<1x16xf32> to vector<16xf32>
      %broadcast_in_dim3A_140 = arith.constant 6 : i32
      %broadcast_in_dim3A_141 = vector.broadcast %broadcast_in_dim3A_140 : i32 to vector<16xi32>
      %gt3A_142 = arith.cmpf ogt, %get3A_139, %select_n3A_133 : vector<16xf32>
      %gt3A_143 = arith.cmpf ogt, %get3A_139, %select_n3A_131 : vector<16xf32>
      %select_n3A_144 = arith.select %gt3A_143, %get3A_139, %select_n3A_131 : vector<16xi1>, vector<16xf32>
      %select_n3A_145 = arith.select %gt3A_143, %broadcast_in_dim3A_141, %select_n3A_132 : vector<16xi1>, vector<16xi32>
      %select_n3A_146 = arith.select %gt3A_142, %select_n3A_133, %select_n3A_144 : vector<16xi1>, vector<16xf32>
      %select_n3A_147 = arith.select %gt3A_142, %select_n3A_134, %select_n3A_145 : vector<16xi1>, vector<16xi32>
      %select_n3A_148 = arith.select %gt3A_142, %get3A_139, %select_n3A_133 : vector<16xi1>, vector<16xf32>
      %select_n3A_149 = arith.select %gt3A_142, %broadcast_in_dim3A_141, %select_n3A_134 : vector<16xi1>, vector<16xi32>
      %get3A_150 = arith.constant 7 : i32
      %get3A_151 = arith.index_cast %get3A_150 : i32 to index
      %get3A_152 = arith.index_cast %multiple_of3A : i32 to index
      %get3A_153 = tpu.vector_load %arg5[%get3A_151, %get3A_152] {strides = array<i32>} : memref<64x1024xf32, #tpu.memory_space<vmem>>, vector<1x16xf32>,
      %get3A_154 = vector.shape_cast %get3A_153 : vector<1x16xf32> to vector<16xf32>
      %broadcast_in_dim3A_155 = arith.constant 7 : i32
      %broadcast_in_dim3A_156 = vector.broadcast %broadcast_in_dim3A_155 : i32 to vector<16xi32>
      %gt3A_157 = arith.cmpf ogt, %get3A_154, %select_n3A_148 : vector<16xf32>
      %gt3A_158 = arith.cmpf ogt, %get3A_154, %select_n3A_146 : vector<16xf32>
      %select_n3A_159 = arith.select %gt3A_158, %get3A_154, %select_n3A_146 : vector<16xi1>, vector<16xf32>
      %select_n3A_160 = arith.select %gt3A_158, %broadcast_in_dim3A_156, %select_n3A_147 : vector<16xi1>, vector<16xi32>
      %select_n3A_161 = arith.select %gt3A_157, %select_n3A_148, %select_n3A_159 : vector<16xi1>, vector<16xf32>
      %select_n3A_162 = arith.select %gt3A_157, %select_n3A_149, %select_n3A_160 : vector<16xi1>, vector<16xi32>
      %select_n3A_163 = arith.select %gt3A_157, %get3A_154, %select_n3A_148 : vector<16xi1>, vector<16xf32>
      %select_n3A_164 = arith.select %gt3A_157, %broadcast_in_dim3A_156, %select_n3A_149 : vector<16xi1>, vector<16xi32>
      %get3A_165 = arith.constant 8 : i32
      %get3A_166 = arith.index_cast %get3A_165 : i32 to index
      %get3A_167 = arith.index_cast %multiple_of3A : i32 to index
      %get3A_168 = tpu.vector_load %arg5[%get3A_166, %get3A_167] {strides = array<i32>} : memref<64x1024xf32, #tpu.memory_space<vmem>>, vector<1x16xf32>,
      %get3A_169 = vector.shape_cast %get3A_168 : vector<1x16xf32> to vector<16xf32>
      %broadcast_in_dim3A_170 = arith.constant 8 : i32
      %broadcast_in_dim3A_171 = vector.broadcast %broadcast_in_dim3A_170 : i32 to vector<16xi32>
      %gt3A_172 = arith.cmpf ogt, %get3A_169, %select_n3A_163 : vector<16xf32>
      %gt3A_173 = arith.cmpf ogt, %get3A_169, %select_n3A_161 : vector<16xf32>
      %select_n3A_174 = arith.select %gt3A_173, %get3A_169, %select_n3A_161 : vector<16xi1>, vector<16xf32>
      %select_n3A_175 = arith.select %gt3A_173, %broadcast_in_dim3A_171, %select_n3A_162 : vector<16xi1>, vector<16xi32>
      %select_n3A_176 = arith.select %gt3A_172, %select_n3A_163, %select_n3A_174 : vector<16xi1>, vector<16xf32>
      %select_n3A_177 = arith.select %gt3A_172, %select_n3A_164, %select_n3A_175 : vector<16xi1>, vector<16xi32>
      %select_n3A_178 = arith.select %gt3A_172, %get3A_169, %select_n3A_163 : vector<16xi1>, vector<16xf32>
      %select_n3A_179 = arith.select %gt3A_172, %broadcast_in_dim3A_171, %select_n3A_164 : vector<16xi1>, vector<16xi32>
      %get3A_180 = arith.constant 9 : i32
      %get3A_181 = arith.index_cast %get3A_180 : i32 to index
      %get3A_182 = arith.index_cast %multiple_of3A : i32 to index
      %get3A_183 = tpu.vector_load %arg5[%get3A_181, %get3A_182] {strides = array<i32>} : memref<64x1024xf32, #tpu.memory_space<vmem>>, vector<1x16xf32>,
      %get3A_184 = vector.shape_cast %get3A_183 : vector<1x16xf32> to vector<16xf32>
      %broadcast_in_dim3A_185 = arith.constant 9 : i32
      %broadcast_in_dim3A_186 = vector.broadcast %broadcast_in_dim3A_185 : i32 to vector<16xi32>
      %gt3A_187 = arith.cmpf ogt, %get3A_184, %select_n3A_178 : vector<16xf32>
      %gt3A_188 = arith.cmpf ogt, %get3A_184, %select_n3A_176 : vector<16xf32>
      %select_n3A_189 = arith.select %gt3A_188, %get3A_184, %select_n3A_176 : vector<16xi1>, vector<16xf32>
      %select_n3A_190 = arith.select %gt3A_188, %broadcast_in_dim3A_186, %select_n3A_177 : vector<16xi1>, vector<16xi32>
      %select_n3A_191 = arith.select %gt3A_187, %select_n3A_178, %select_n3A_189 : vector<16xi1>, vector<16xf32>
      %select_n3A_192 = arith.select %gt3A_187, %select_n3A_179, %select_n3A_190 : vector<16xi1>, vector<16xi32>
      %select_n3A_193 = arith.select %gt3A_187, %get3A_184, %select_n3A_178 : vector<16xi1>, vector<16xf32>
      %select_n3A_194 = arith.select %gt3A_187, %broadcast_in_dim3A_186, %select_n3A_179 : vector<16xi1>, vector<16xi32>
      %get3A_195 = arith.constant 10 : i32
      %get3A_196 = arith.index_cast %get3A_195 : i32 to index
      %get3A_197 = arith.index_cast %multiple_of3A : i32 to index
      %get3A_198 = tpu.vector_load %arg5[%get3A_196, %get3A_197] {strides = array<i32>} : memref<64x1024xf32, #tpu.memory_space<vmem>>, vector<1x16xf32>,
      %get3A_199 = vector.shape_cast %get3A_198 : vector<1x16xf32> to vector<16xf32>
      %broadcast_in_dim3A_200 = arith.constant 10 : i32
      %broadcast_in_dim3A_201 = vector.broadcast %broadcast_in_dim3A_200 : i32 to vector<16xi32>
      %gt3A_202 = arith.cmpf ogt, %get3A_199, %select_n3A_193 : vector<16xf32>
      %gt3A_203 = arith.cmpf ogt, %get3A_199, %select_n3A_191 : vector<16xf32>
      %select_n3A_204 = arith.select %gt3A_203, %get3A_199, %select_n3A_191 : vector<16xi1>, vector<16xf32>
      %select_n3A_205 = arith.select %gt3A_203, %broadcast_in_dim3A_201, %select_n3A_192 : vector<16xi1>, vector<16xi32>
      %select_n3A_206 = arith.select %gt3A_202, %select_n3A_193, %select_n3A_204 : vector<16xi1>, vector<16xf32>
      %select_n3A_207 = arith.select %gt3A_202, %select_n3A_194, %select_n3A_205 : vector<16xi1>, vector<16xi32>
      %select_n3A_208 = arith.select %gt3A_202, %get3A_199, %select_n3A_193 : vector<16xi1>, vector<16xf32>
      %select_n3A_209 = arith.select %gt3A_202, %broadcast_in_dim3A_201, %select_n3A_194 : vector<16xi1>, vector<16xi32>
      %get3A_210 = arith.constant 11 : i32
      %get3A_211 = arith.index_cast %get3A_210 : i32 to index
      %get3A_212 = arith.index_cast %multiple_of3A : i32 to index
      %get3A_213 = tpu.vector_load %arg5[%get3A_211, %get3A_212] {strides = array<i32>} : memref<64x1024xf32, #tpu.memory_space<vmem>>, vector<1x16xf32>,
      %get3A_214 = vector.shape_cast %get3A_213 : vector<1x16xf32> to vector<16xf32>
      %broadcast_in_dim3A_215 = arith.constant 11 : i32
      %broadcast_in_dim3A_216 = vector.broadcast %broadcast_in_dim3A_215 : i32 to vector<16xi32>
      %gt3A_217 = arith.cmpf ogt, %get3A_214, %select_n3A_208 : vector<16xf32>
      %gt3A_218 = arith.cmpf ogt, %get3A_214, %select_n3A_206 : vector<16xf32>
      %select_n3A_219 = arith.select %gt3A_218, %get3A_214, %select_n3A_206 : vector<16xi1>, vector<16xf32>
      %select_n3A_220 = arith.select %gt3A_218, %broadcast_in_dim3A_216, %select_n3A_207 : vector<16xi1>, vector<16xi32>
      %select_n3A_221 = arith.select %gt3A_217, %select_n3A_208, %select_n3A_219 : vector<16xi1>, vector<16xf32>
      %select_n3A_222 = arith.select %gt3A_217, %select_n3A_209, %select_n3A_220 : vector<16xi1>, vector<16xi32>
      %select_n3A_223 = arith.select %gt3A_217, %get3A_214, %select_n3A_208 : vector<16xi1>, vector<16xf32>
      %select_n3A_224 = arith.select %gt3A_217, %broadcast_in_dim3A_216, %select_n3A_209 : vector<16xi1>, vector<16xi32>
      %get3A_225 = arith.constant 12 : i32
      %get3A_226 = arith.index_cast %get3A_225 : i32 to index
      %get3A_227 = arith.index_cast %multiple_of3A : i32 to index
      %get3A_228 = tpu.vector_load %arg5[%get3A_226, %get3A_227] {strides = array<i32>} : memref<64x1024xf32, #tpu.memory_space<vmem>>, vector<1x16xf32>,
      %get3A_229 = vector.shape_cast %get3A_228 : vector<1x16xf32> to vector<16xf32>
      %broadcast_in_dim3A_230 = arith.constant 12 : i32
      %broadcast_in_dim3A_231 = vector.broadcast %broadcast_in_dim3A_230 : i32 to vector<16xi32>
      %gt3A_232 = arith.cmpf ogt, %get3A_229, %select_n3A_223 : vector<16xf32>
      %gt3A_233 = arith.cmpf ogt, %get3A_229, %select_n3A_221 : vector<16xf32>
      %select_n3A_234 = arith.select %gt3A_233, %get3A_229, %select_n3A_221 : vector<16xi1>, vector<16xf32>
      %select_n3A_235 = arith.select %gt3A_233, %broadcast_in_dim3A_231, %select_n3A_222 : vector<16xi1>, vector<16xi32>
      %select_n3A_236 = arith.select %gt3A_232, %select_n3A_223, %select_n3A_234 : vector<16xi1>, vector<16xf32>
      %select_n3A_237 = arith.select %gt3A_232, %select_n3A_224, %select_n3A_235 : vector<16xi1>, vector<16xi32>
      %select_n3A_238 = arith.select %gt3A_232, %get3A_229, %select_n3A_223 : vector<16xi1>, vector<16xf32>
      %select_n3A_239 = arith.select %gt3A_232, %broadcast_in_dim3A_231, %select_n3A_224 : vector<16xi1>, vector<16xi32>
      %get3A_240 = arith.constant 13 : i32
      %get3A_241 = arith.index_cast %get3A_240 : i32 to index
      %get3A_242 = arith.index_cast %multiple_of3A : i32 to index
      %get3A_243 = tpu.vector_load %arg5[%get3A_241, %get3A_242] {strides = array<i32>} : memref<64x1024xf32, #tpu.memory_space<vmem>>, vector<1x16xf32>,
      %get3A_244 = vector.shape_cast %get3A_243 : vector<1x16xf32> to vector<16xf32>
      %broadcast_in_dim3A_245 = arith.constant 13 : i32
      %broadcast_in_dim3A_246 = vector.broadcast %broadcast_in_dim3A_245 : i32 to vector<16xi32>
      %gt3A_247 = arith.cmpf ogt, %get3A_244, %select_n3A_238 : vector<16xf32>
      %gt3A_248 = arith.cmpf ogt, %get3A_244, %select_n3A_236 : vector<16xf32>
      %select_n3A_249 = arith.select %gt3A_248, %get3A_244, %select_n3A_236 : vector<16xi1>, vector<16xf32>
      %select_n3A_250 = arith.select %gt3A_248, %broadcast_in_dim3A_246, %select_n3A_237 : vector<16xi1>, vector<16xi32>
      %select_n3A_251 = arith.select %gt3A_247, %select_n3A_238, %select_n3A_249 : vector<16xi1>, vector<16xf32>
      %select_n3A_252 = arith.select %gt3A_247, %select_n3A_239, %select_n3A_250 : vector<16xi1>, vector<16xi32>
      %select_n3A_253 = arith.select %gt3A_247, %get3A_244, %select_n3A_238 : vector<16xi1>, vector<16xf32>
      %select_n3A_254 = arith.select %gt3A_247, %broadcast_in_dim3A_246, %select_n3A_239 : vector<16xi1>, vector<16xi32>
      %get3A_255 = arith.constant 14 : i32
      %get3A_256 = arith.index_cast %get3A_255 : i32 to index
      %get3A_257 = arith.index_cast %multiple_of3A : i32 to index
      %get3A_258 = tpu.vector_load %arg5[%get3A_256, %get3A_257] {strides = array<i32>} : memref<64x1024xf32, #tpu.memory_space<vmem>>, vector<1x16xf32>,
      %get3A_259 = vector.shape_cast %get3A_258 : vector<1x16xf32> to vector<16xf32>
      %broadcast_in_dim3A_260 = arith.constant 14 : i32
      %broadcast_in_dim3A_261 = vector.broadcast %broadcast_in_dim3A_260 : i32 to vector<16xi32>
      %gt3A_262 = arith.cmpf ogt, %get3A_259, %select_n3A_253 : vector<16xf32>
      %gt3A_263 = arith.cmpf ogt, %get3A_259, %select_n3A_251 : vector<16xf32>
      %select_n3A_264 = arith.select %gt3A_263, %get3A_259, %select_n3A_251 : vector<16xi1>, vector<16xf32>
      %select_n3A_265 = arith.select %gt3A_263, %broadcast_in_dim3A_261, %select_n3A_252 : vector<16xi1>, vector<16xi32>
      %select_n3A_266 = arith.select %gt3A_262, %select_n3A_253, %select_n3A_264 : vector<16xi1>, vector<16xf32>
      %select_n3A_267 = arith.select %gt3A_262, %select_n3A_254, %select_n3A_265 : vector<16xi1>, vector<16xi32>
      %select_n3A_268 = arith.select %gt3A_262, %get3A_259, %select_n3A_253 : vector<16xi1>, vector<16xf32>
      %select_n3A_269 = arith.select %gt3A_262, %broadcast_in_dim3A_261, %select_n3A_254 : vector<16xi1>, vector<16xi32>
      %get3A_270 = arith.constant 15 : i32
      %get3A_271 = arith.index_cast %get3A_270 : i32 to index
      %get3A_272 = arith.index_cast %multiple_of3A : i32 to index
      %get3A_273 = tpu.vector_load %arg5[%get3A_271, %get3A_272] {strides = array<i32>} : memref<64x1024xf32, #tpu.memory_space<vmem>>, vector<1x16xf32>,
      %get3A_274 = vector.shape_cast %get3A_273 : vector<1x16xf32> to vector<16xf32>
      %broadcast_in_dim3A_275 = arith.constant 15 : i32
      %broadcast_in_dim3A_276 = vector.broadcast %broadcast_in_dim3A_275 : i32 to vector<16xi32>
      %gt3A_277 = arith.cmpf ogt, %get3A_274, %select_n3A_268 : vector<16xf32>
      %gt3A_278 = arith.cmpf ogt, %get3A_274, %select_n3A_266 : vector<16xf32>
      %select_n3A_279 = arith.select %gt3A_278, %get3A_274, %select_n3A_266 : vector<16xi1>, vector<16xf32>
      %select_n3A_280 = arith.select %gt3A_278, %broadcast_in_dim3A_276, %select_n3A_267 : vector<16xi1>, vector<16xi32>
      %select_n3A_281 = arith.select %gt3A_277, %select_n3A_268, %select_n3A_279 : vector<16xi1>, vector<16xf32>
      %select_n3A_282 = arith.select %gt3A_277, %select_n3A_269, %select_n3A_280 : vector<16xi1>, vector<16xi32>
      %select_n3A_283 = arith.select %gt3A_277, %get3A_274, %select_n3A_268 : vector<16xi1>, vector<16xf32>
      %select_n3A_284 = arith.select %gt3A_277, %broadcast_in_dim3A_276, %select_n3A_269 : vector<16xi1>, vector<16xi32>
      %get3A_285 = arith.constant 16 : i32
      %get3A_286 = arith.index_cast %get3A_285 : i32 to index
      %get3A_287 = arith.index_cast %multiple_of3A : i32 to index
      %get3A_288 = tpu.vector_load %arg5[%get3A_286, %get3A_287] {strides = array<i32>} : memref<64x1024xf32, #tpu.memory_space<vmem>>, vector<1x16xf32>,
      %get3A_289 = vector.shape_cast %get3A_288 : vector<1x16xf32> to vector<16xf32>
      %broadcast_in_dim3A_290 = arith.constant 16 : i32
      %broadcast_in_dim3A_291 = vector.broadcast %broadcast_in_dim3A_290 : i32 to vector<16xi32>
      %gt3A_292 = arith.cmpf ogt, %get3A_289, %select_n3A_283 : vector<16xf32>
      %gt3A_293 = arith.cmpf ogt, %get3A_289, %select_n3A_281 : vector<16xf32>
      %select_n3A_294 = arith.select %gt3A_293, %get3A_289, %select_n3A_281 : vector<16xi1>, vector<16xf32>
      %select_n3A_295 = arith.select %gt3A_293, %broadcast_in_dim3A_291, %select_n3A_282 : vector<16xi1>, vector<16xi32>
      %select_n3A_296 = arith.select %gt3A_292, %select_n3A_283, %select_n3A_294 : vector<16xi1>, vector<16xf32>
      %select_n3A_297 = arith.select %gt3A_292, %select_n3A_284, %select_n3A_295 : vector<16xi1>, vector<16xi32>
      %select_n3A_298 = arith.select %gt3A_292, %get3A_289, %select_n3A_283 : vector<16xi1>, vector<16xf32>
      %select_n3A_299 = arith.select %gt3A_292, %broadcast_in_dim3A_291, %select_n3A_284 : vector<16xi1>, vector<16xi32>
      %get3A_300 = arith.constant 17 : i32
      %get3A_301 = arith.index_cast %get3A_300 : i32 to index
      %get3A_302 = arith.index_cast %multiple_of3A : i32 to index
      %get3A_303 = tpu.vector_load %arg5[%get3A_301, %get3A_302] {strides = array<i32>} : memref<64x1024xf32, #tpu.memory_space<vmem>>, vector<1x16xf32>,
      %get3A_304 = vector.shape_cast %get3A_303 : vector<1x16xf32> to vector<16xf32>
      %broadcast_in_dim3A_305 = arith.constant 17 : i32
      %broadcast_in_dim3A_306 = vector.broadcast %broadcast_in_dim3A_305 : i32 to vector<16xi32>
      %gt3A_307 = arith.cmpf ogt, %get3A_304, %select_n3A_298 : vector<16xf32>
      %gt3A_308 = arith.cmpf ogt, %get3A_304, %select_n3A_296 : vector<16xf32>
      %select_n3A_309 = arith.select %gt3A_308, %get3A_304, %select_n3A_296 : vector<16xi1>, vector<16xf32>
      %select_n3A_310 = arith.select %gt3A_308, %broadcast_in_dim3A_306, %select_n3A_297 : vector<16xi1>, vector<16xi32>
      %select_n3A_311 = arith.select %gt3A_307, %select_n3A_298, %select_n3A_309 : vector<16xi1>, vector<16xf32>
      %select_n3A_312 = arith.select %gt3A_307, %select_n3A_299, %select_n3A_310 : vector<16xi1>, vector<16xi32>
      %select_n3A_313 = arith.select %gt3A_307, %get3A_304, %select_n3A_298 : vector<16xi1>, vector<16xf32>
      %select_n3A_314 = arith.select %gt3A_307, %broadcast_in_dim3A_306, %select_n3A_299 : vector<16xi1>, vector<16xi32>
      %get3A_315 = arith.constant 18 : i32
      %get3A_316 = arith.index_cast %get3A_315 : i32 to index
      %get3A_317 = arith.index_cast %multiple_of3A : i32 to index
      %get3A_318 = tpu.vector_load %arg5[%get3A_316, %get3A_317] {strides = array<i32>} : memref<64x1024xf32, #tpu.memory_space<vmem>>, vector<1x16xf32>,
      %get3A_319 = vector.shape_cast %get3A_318 : vector<1x16xf32> to vector<16xf32>
      %broadcast_in_dim3A_320 = arith.constant 18 : i32
      %broadcast_in_dim3A_321 = vector.broadcast %broadcast_in_dim3A_320 : i32 to vector<16xi32>
      %gt3A_322 = arith.cmpf ogt, %get3A_319, %select_n3A_313 : vector<16xf32>
      %gt3A_323 = arith.cmpf ogt, %get3A_319, %select_n3A_311 : vector<16xf32>
      %select_n3A_324 = arith.select %gt3A_323, %get3A_319, %select_n3A_311 : vector<16xi1>, vector<16xf32>
      %select_n3A_325 = arith.select %gt3A_323, %broadcast_in_dim3A_321, %select_n3A_312 : vector<16xi1>, vector<16xi32>
      %select_n3A_326 = arith.select %gt3A_322, %select_n3A_313, %select_n3A_324 : vector<16xi1>, vector<16xf32>
      %select_n3A_327 = arith.select %gt3A_322, %select_n3A_314, %select_n3A_325 : vector<16xi1>, vector<16xi32>
      %select_n3A_328 = arith.select %gt3A_322, %get3A_319, %select_n3A_313 : vector<16xi1>, vector<16xf32>
      %select_n3A_329 = arith.select %gt3A_322, %broadcast_in_dim3A_321, %select_n3A_314 : vector<16xi1>, vector<16xi32>
      %get3A_330 = arith.constant 19 : i32
      %get3A_331 = arith.index_cast %get3A_330 : i32 to index
      %get3A_332 = arith.index_cast %multiple_of3A : i32 to index
      %get3A_333 = tpu.vector_load %arg5[%get3A_331, %get3A_332] {strides = array<i32>} : memref<64x1024xf32, #tpu.memory_space<vmem>>, vector<1x16xf32>,
      %get3A_334 = vector.shape_cast %get3A_333 : vector<1x16xf32> to vector<16xf32>
      %broadcast_in_dim3A_335 = arith.constant 19 : i32
      %broadcast_in_dim3A_336 = vector.broadcast %broadcast_in_dim3A_335 : i32 to vector<16xi32>
      %gt3A_337 = arith.cmpf ogt, %get3A_334, %select_n3A_328 : vector<16xf32>
      %gt3A_338 = arith.cmpf ogt, %get3A_334, %select_n3A_326 : vector<16xf32>
      %select_n3A_339 = arith.select %gt3A_338, %get3A_334, %select_n3A_326 : vector<16xi1>, vector<16xf32>
      %select_n3A_340 = arith.select %gt3A_338, %broadcast_in_dim3A_336, %select_n3A_327 : vector<16xi1>, vector<16xi32>
      %select_n3A_341 = arith.select %gt3A_337, %select_n3A_328, %select_n3A_339 : vector<16xi1>, vector<16xf32>
      %select_n3A_342 = arith.select %gt3A_337, %select_n3A_329, %select_n3A_340 : vector<16xi1>, vector<16xi32>
      %select_n3A_343 = arith.select %gt3A_337, %get3A_334, %select_n3A_328 : vector<16xi1>, vector<16xf32>
      %select_n3A_344 = arith.select %gt3A_337, %broadcast_in_dim3A_336, %select_n3A_329 : vector<16xi1>, vector<16xi32>
      %get3A_345 = arith.constant 20 : i32
      %get3A_346 = arith.index_cast %get3A_345 : i32 to index
      %get3A_347 = arith.index_cast %multiple_of3A : i32 to index
      %get3A_348 = tpu.vector_load %arg5[%get3A_346, %get3A_347] {strides = array<i32>} : memref<64x1024xf32, #tpu.memory_space<vmem>>, vector<1x16xf32>,
      %get3A_349 = vector.shape_cast %get3A_348 : vector<1x16xf32> to vector<16xf32>
      %broadcast_in_dim3A_350 = arith.constant 20 : i32
      %broadcast_in_dim3A_351 = vector.broadcast %broadcast_in_dim3A_350 : i32 to vector<16xi32>
      %gt3A_352 = arith.cmpf ogt, %get3A_349, %select_n3A_343 : vector<16xf32>
      %gt3A_353 = arith.cmpf ogt, %get3A_349, %select_n3A_341 : vector<16xf32>
      %select_n3A_354 = arith.select %gt3A_353, %get3A_349, %select_n3A_341 : vector<16xi1>, vector<16xf32>
      %select_n3A_355 = arith.select %gt3A_353, %broadcast_in_dim3A_351, %select_n3A_342 : vector<16xi1>, vector<16xi32>
      %select_n3A_356 = arith.select %gt3A_352, %select_n3A_343, %select_n3A_354 : vector<16xi1>, vector<16xf32>
      %select_n3A_357 = arith.select %gt3A_352, %select_n3A_344, %select_n3A_355 : vector<16xi1>, vector<16xi32>
      %select_n3A_358 = arith.select %gt3A_352, %get3A_349, %select_n3A_343 : vector<16xi1>, vector<16xf32>
      %select_n3A_359 = arith.select %gt3A_352, %broadcast_in_dim3A_351, %select_n3A_344 : vector<16xi1>, vector<16xi32>
      %get3A_360 = arith.constant 21 : i32
      %get3A_361 = arith.index_cast %get3A_360 : i32 to index
      %get3A_362 = arith.index_cast %multiple_of3A : i32 to index
      %get3A_363 = tpu.vector_load %arg5[%get3A_361, %get3A_362] {strides = array<i32>} : memref<64x1024xf32, #tpu.memory_space<vmem>>, vector<1x16xf32>,
      %get3A_364 = vector.shape_cast %get3A_363 : vector<1x16xf32> to vector<16xf32>
      %broadcast_in_dim3A_365 = arith.constant 21 : i32
      %broadcast_in_dim3A_366 = vector.broadcast %broadcast_in_dim3A_365 : i32 to vector<16xi32>
      %gt3A_367 = arith.cmpf ogt, %get3A_364, %select_n3A_358 : vector<16xf32>
      %gt3A_368 = arith.cmpf ogt, %get3A_364, %select_n3A_356 : vector<16xf32>
      %select_n3A_369 = arith.select %gt3A_368, %get3A_364, %select_n3A_356 : vector<16xi1>, vector<16xf32>
      %select_n3A_370 = arith.select %gt3A_368, %broadcast_in_dim3A_366, %select_n3A_357 : vector<16xi1>, vector<16xi32>
      %select_n3A_371 = arith.select %gt3A_367, %select_n3A_358, %select_n3A_369 : vector<16xi1>, vector<16xf32>
      %select_n3A_372 = arith.select %gt3A_367, %select_n3A_359, %select_n3A_370 : vector<16xi1>, vector<16xi32>
      %select_n3A_373 = arith.select %gt3A_367, %get3A_364, %select_n3A_358 : vector<16xi1>, vector<16xf32>
      %select_n3A_374 = arith.select %gt3A_367, %broadcast_in_dim3A_366, %select_n3A_359 : vector<16xi1>, vector<16xi32>
      %get3A_375 = arith.constant 22 : i32
      %get3A_376 = arith.index_cast %get3A_375 : i32 to index
      %get3A_377 = arith.index_cast %multiple_of3A : i32 to index
      %get3A_378 = tpu.vector_load %arg5[%get3A_376, %get3A_377] {strides = array<i32>} : memref<64x1024xf32, #tpu.memory_space<vmem>>, vector<1x16xf32>,
      %get3A_379 = vector.shape_cast %get3A_378 : vector<1x16xf32> to vector<16xf32>
      %broadcast_in_dim3A_380 = arith.constant 22 : i32
      %broadcast_in_dim3A_381 = vector.broadcast %broadcast_in_dim3A_380 : i32 to vector<16xi32>
      %gt3A_382 = arith.cmpf ogt, %get3A_379, %select_n3A_373 : vector<16xf32>
      %gt3A_383 = arith.cmpf ogt, %get3A_379, %select_n3A_371 : vector<16xf32>
      %select_n3A_384 = arith.select %gt3A_383, %get3A_379, %select_n3A_371 : vector<16xi1>, vector<16xf32>
      %select_n3A_385 = arith.select %gt3A_383, %broadcast_in_dim3A_381, %select_n3A_372 : vector<16xi1>, vector<16xi32>
      %select_n3A_386 = arith.select %gt3A_382, %select_n3A_373, %select_n3A_384 : vector<16xi1>, vector<16xf32>
      %select_n3A_387 = arith.select %gt3A_382, %select_n3A_374, %select_n3A_385 : vector<16xi1>, vector<16xi32>
      %select_n3A_388 = arith.select %gt3A_382, %get3A_379, %select_n3A_373 : vector<16xi1>, vector<16xf32>
      %select_n3A_389 = arith.select %gt3A_382, %broadcast_in_dim3A_381, %select_n3A_374 : vector<16xi1>, vector<16xi32>
      %get3A_390 = arith.constant 23 : i32
      %get3A_391 = arith.index_cast %get3A_390 : i32 to index
      %get3A_392 = arith.index_cast %multiple_of3A : i32 to index
      %get3A_393 = tpu.vector_load %arg5[%get3A_391, %get3A_392] {strides = array<i32>} : memref<64x1024xf32, #tpu.memory_space<vmem>>, vector<1x16xf32>,
      %get3A_394 = vector.shape_cast %get3A_393 : vector<1x16xf32> to vector<16xf32>
      %broadcast_in_dim3A_395 = arith.constant 23 : i32
      %broadcast_in_dim3A_396 = vector.broadcast %broadcast_in_dim3A_395 : i32 to vector<16xi32>
      %gt3A_397 = arith.cmpf ogt, %get3A_394, %select_n3A_388 : vector<16xf32>
      %gt3A_398 = arith.cmpf ogt, %get3A_394, %select_n3A_386 : vector<16xf32>
      %select_n3A_399 = arith.select %gt3A_398, %get3A_394, %select_n3A_386 : vector<16xi1>, vector<16xf32>
      %select_n3A_400 = arith.select %gt3A_398, %broadcast_in_dim3A_396, %select_n3A_387 : vector<16xi1>, vector<16xi32>
      %select_n3A_401 = arith.select %gt3A_397, %select_n3A_388, %select_n3A_399 : vector<16xi1>, vector<16xf32>
      %select_n3A_402 = arith.select %gt3A_397, %select_n3A_389, %select_n3A_400 : vector<16xi1>, vector<16xi32>
      %select_n3A_403 = arith.select %gt3A_397, %get3A_394, %select_n3A_388 : vector<16xi1>, vector<16xf32>
      %select_n3A_404 = arith.select %gt3A_397, %broadcast_in_dim3A_396, %select_n3A_389 : vector<16xi1>, vector<16xi32>
      %get3A_405 = arith.constant 24 : i32
      %get3A_406 = arith.index_cast %get3A_405 : i32 to index
      %get3A_407 = arith.index_cast %multiple_of3A : i32 to index
      %get3A_408 = tpu.vector_load %arg5[%get3A_406, %get3A_407] {strides = array<i32>} : memref<64x1024xf32, #tpu.memory_space<vmem>>, vector<1x16xf32>,
      %get3A_409 = vector.shape_cast %get3A_408 : vector<1x16xf32> to vector<16xf32>
      %broadcast_in_dim3A_410 = arith.constant 24 : i32
      %broadcast_in_dim3A_411 = vector.broadcast %broadcast_in_dim3A_410 : i32 to vector<16xi32>
      %gt3A_412 = arith.cmpf ogt, %get3A_409, %select_n3A_403 : vector<16xf32>
      %gt3A_413 = arith.cmpf ogt, %get3A_409, %select_n3A_401 : vector<16xf32>
      %select_n3A_414 = arith.select %gt3A_413, %get3A_409, %select_n3A_401 : vector<16xi1>, vector<16xf32>
      %select_n3A_415 = arith.select %gt3A_413, %broadcast_in_dim3A_411, %select_n3A_402 : vector<16xi1>, vector<16xi32>
      %select_n3A_416 = arith.select %gt3A_412, %select_n3A_403, %select_n3A_414 : vector<16xi1>, vector<16xf32>
      %select_n3A_417 = arith.select %gt3A_412, %select_n3A_404, %select_n3A_415 : vector<16xi1>, vector<16xi32>
      %select_n3A_418 = arith.select %gt3A_412, %get3A_409, %select_n3A_403 : vector<16xi1>, vector<16xf32>
      %select_n3A_419 = arith.select %gt3A_412, %broadcast_in_dim3A_411, %select_n3A_404 : vector<16xi1>, vector<16xi32>
      %get3A_420 = arith.constant 25 : i32
      %get3A_421 = arith.index_cast %get3A_420 : i32 to index
      %get3A_422 = arith.index_cast %multiple_of3A : i32 to index
      %get3A_423 = tpu.vector_load %arg5[%get3A_421, %get3A_422] {strides = array<i32>} : memref<64x1024xf32, #tpu.memory_space<vmem>>, vector<1x16xf32>,
      %get3A_424 = vector.shape_cast %get3A_423 : vector<1x16xf32> to vector<16xf32>
      %broadcast_in_dim3A_425 = arith.constant 25 : i32
      %broadcast_in_dim3A_426 = vector.broadcast %broadcast_in_dim3A_425 : i32 to vector<16xi32>
      %gt3A_427 = arith.cmpf ogt, %get3A_424, %select_n3A_418 : vector<16xf32>
      %gt3A_428 = arith.cmpf ogt, %get3A_424, %select_n3A_416 : vector<16xf32>
      %select_n3A_429 = arith.select %gt3A_428, %get3A_424, %select_n3A_416 : vector<16xi1>, vector<16xf32>
      %select_n3A_430 = arith.select %gt3A_428, %broadcast_in_dim3A_426, %select_n3A_417 : vector<16xi1>, vector<16xi32>
      %select_n3A_431 = arith.select %gt3A_427, %select_n3A_418, %select_n3A_429 : vector<16xi1>, vector<16xf32>
      %select_n3A_432 = arith.select %gt3A_427, %select_n3A_419, %select_n3A_430 : vector<16xi1>, vector<16xi32>
      %select_n3A_433 = arith.select %gt3A_427, %get3A_424, %select_n3A_418 : vector<16xi1>, vector<16xf32>
      %select_n3A_434 = arith.select %gt3A_427, %broadcast_in_dim3A_426, %select_n3A_419 : vector<16xi1>, vector<16xi32>
      %get3A_435 = arith.constant 26 : i32
      %get3A_436 = arith.index_cast %get3A_435 : i32 to index
      %get3A_437 = arith.index_cast %multiple_of3A : i32 to index
      %get3A_438 = tpu.vector_load %arg5[%get3A_436, %get3A_437] {strides = array<i32>} : memref<64x1024xf32, #tpu.memory_space<vmem>>, vector<1x16xf32>,
      %get3A_439 = vector.shape_cast %get3A_438 : vector<1x16xf32> to vector<16xf32>
      %broadcast_in_dim3A_440 = arith.constant 26 : i32
      %broadcast_in_dim3A_441 = vector.broadcast %broadcast_in_dim3A_440 : i32 to vector<16xi32>
      %gt3A_442 = arith.cmpf ogt, %get3A_439, %select_n3A_433 : vector<16xf32>
      %gt3A_443 = arith.cmpf ogt, %get3A_439, %select_n3A_431 : vector<16xf32>
      %select_n3A_444 = arith.select %gt3A_443, %get3A_439, %select_n3A_431 : vector<16xi1>, vector<16xf32>
      %select_n3A_445 = arith.select %gt3A_443, %broadcast_in_dim3A_441, %select_n3A_432 : vector<16xi1>, vector<16xi32>
      %select_n3A_446 = arith.select %gt3A_442, %select_n3A_433, %select_n3A_444 : vector<16xi1>, vector<16xf32>
      %select_n3A_447 = arith.select %gt3A_442, %select_n3A_434, %select_n3A_445 : vector<16xi1>, vector<16xi32>
      %select_n3A_448 = arith.select %gt3A_442, %get3A_439, %select_n3A_433 : vector<16xi1>, vector<16xf32>
      %select_n3A_449 = arith.select %gt3A_442, %broadcast_in_dim3A_441, %select_n3A_434 : vector<16xi1>, vector<16xi32>
      %get3A_450 = arith.constant 27 : i32
      %get3A_451 = arith.index_cast %get3A_450 : i32 to index
      %get3A_452 = arith.index_cast %multiple_of3A : i32 to index
      %get3A_453 = tpu.vector_load %arg5[%get3A_451, %get3A_452] {strides = array<i32>} : memref<64x1024xf32, #tpu.memory_space<vmem>>, vector<1x16xf32>,
      %get3A_454 = vector.shape_cast %get3A_453 : vector<1x16xf32> to vector<16xf32>
      %broadcast_in_dim3A_455 = arith.constant 27 : i32
      %broadcast_in_dim3A_456 = vector.broadcast %broadcast_in_dim3A_455 : i32 to vector<16xi32>
      %gt3A_457 = arith.cmpf ogt, %get3A_454, %select_n3A_448 : vector<16xf32>
      %gt3A_458 = arith.cmpf ogt, %get3A_454, %select_n3A_446 : vector<16xf32>
      %select_n3A_459 = arith.select %gt3A_458, %get3A_454, %select_n3A_446 : vector<16xi1>, vector<16xf32>
      %select_n3A_460 = arith.select %gt3A_458, %broadcast_in_dim3A_456, %select_n3A_447 : vector<16xi1>, vector<16xi32>
      %select_n3A_461 = arith.select %gt3A_457, %select_n3A_448, %select_n3A_459 : vector<16xi1>, vector<16xf32>
      %select_n3A_462 = arith.select %gt3A_457, %select_n3A_449, %select_n3A_460 : vector<16xi1>, vector<16xi32>
      %select_n3A_463 = arith.select %gt3A_457, %get3A_454, %select_n3A_448 : vector<16xi1>, vector<16xf32>
      %select_n3A_464 = arith.select %gt3A_457, %broadcast_in_dim3A_456, %select_n3A_449 : vector<16xi1>, vector<16xi32>
      %get3A_465 = arith.constant 28 : i32
      %get3A_466 = arith.index_cast %get3A_465 : i32 to index
      %get3A_467 = arith.index_cast %multiple_of3A : i32 to index
      %get3A_468 = tpu.vector_load %arg5[%get3A_466, %get3A_467] {strides = array<i32>} : memref<64x1024xf32, #tpu.memory_space<vmem>>, vector<1x16xf32>,
      %get3A_469 = vector.shape_cast %get3A_468 : vector<1x16xf32> to vector<16xf32>
      %broadcast_in_dim3A_470 = arith.constant 28 : i32
      %broadcast_in_dim3A_471 = vector.broadcast %broadcast_in_dim3A_470 : i32 to vector<16xi32>
      %gt3A_472 = arith.cmpf ogt, %get3A_469, %select_n3A_463 : vector<16xf32>
      %gt3A_473 = arith.cmpf ogt, %get3A_469, %select_n3A_461 : vector<16xf32>
      %select_n3A_474 = arith.select %gt3A_473, %get3A_469, %select_n3A_461 : vector<16xi1>, vector<16xf32>
      %select_n3A_475 = arith.select %gt3A_473, %broadcast_in_dim3A_471, %select_n3A_462 : vector<16xi1>, vector<16xi32>
      %select_n3A_476 = arith.select %gt3A_472, %select_n3A_463, %select_n3A_474 : vector<16xi1>, vector<16xf32>
      %select_n3A_477 = arith.select %gt3A_472, %select_n3A_464, %select_n3A_475 : vector<16xi1>, vector<16xi32>
      %select_n3A_478 = arith.select %gt3A_472, %get3A_469, %select_n3A_463 : vector<16xi1>, vector<16xf32>
      %select_n3A_479 = arith.select %gt3A_472, %broadcast_in_dim3A_471, %select_n3A_464 : vector<16xi1>, vector<16xi32>
      %get3A_480 = arith.constant 29 : i32
      %get3A_481 = arith.index_cast %get3A_480 : i32 to index
      %get3A_482 = arith.index_cast %multiple_of3A : i32 to index
      %get3A_483 = tpu.vector_load %arg5[%get3A_481, %get3A_482] {strides = array<i32>} : memref<64x1024xf32, #tpu.memory_space<vmem>>, vector<1x16xf32>,
      %get3A_484 = vector.shape_cast %get3A_483 : vector<1x16xf32> to vector<16xf32>
      %broadcast_in_dim3A_485 = arith.constant 29 : i32
      %broadcast_in_dim3A_486 = vector.broadcast %broadcast_in_dim3A_485 : i32 to vector<16xi32>
      %gt3A_487 = arith.cmpf ogt, %get3A_484, %select_n3A_478 : vector<16xf32>
      %gt3A_488 = arith.cmpf ogt, %get3A_484, %select_n3A_476 : vector<16xf32>
      %select_n3A_489 = arith.select %gt3A_488, %get3A_484, %select_n3A_476 : vector<16xi1>, vector<16xf32>
      %select_n3A_490 = arith.select %gt3A_488, %broadcast_in_dim3A_486, %select_n3A_477 : vector<16xi1>, vector<16xi32>
      %select_n3A_491 = arith.select %gt3A_487, %select_n3A_478, %select_n3A_489 : vector<16xi1>, vector<16xf32>
      %select_n3A_492 = arith.select %gt3A_487, %select_n3A_479, %select_n3A_490 : vector<16xi1>, vector<16xi32>
      %select_n3A_493 = arith.select %gt3A_487, %get3A_484, %select_n3A_478 : vector<16xi1>, vector<16xf32>
      %select_n3A_494 = arith.select %gt3A_487, %broadcast_in_dim3A_486, %select_n3A_479 : vector<16xi1>, vector<16xi32>
      %get3A_495 = arith.constant 30 : i32
      %get3A_496 = arith.index_cast %get3A_495 : i32 to index
      %get3A_497 = arith.index_cast %multiple_of3A : i32 to index
      %get3A_498 = tpu.vector_load %arg5[%get3A_496, %get3A_497] {strides = array<i32>} : memref<64x1024xf32, #tpu.memory_space<vmem>>, vector<1x16xf32>,
      %get3A_499 = vector.shape_cast %get3A_498 : vector<1x16xf32> to vector<16xf32>
      %broadcast_in_dim3A_500 = arith.constant 30 : i32
      %broadcast_in_dim3A_501 = vector.broadcast %broadcast_in_dim3A_500 : i32 to vector<16xi32>
      %gt3A_502 = arith.cmpf ogt, %get3A_499, %select_n3A_493 : vector<16xf32>
      %gt3A_503 = arith.cmpf ogt, %get3A_499, %select_n3A_491 : vector<16xf32>
      %select_n3A_504 = arith.select %gt3A_503, %get3A_499, %select_n3A_491 : vector<16xi1>, vector<16xf32>
      %select_n3A_505 = arith.select %gt3A_503, %broadcast_in_dim3A_501, %select_n3A_492 : vector<16xi1>, vector<16xi32>
      %select_n3A_506 = arith.select %gt3A_502, %select_n3A_493, %select_n3A_504 : vector<16xi1>, vector<16xf32>
      %select_n3A_507 = arith.select %gt3A_502, %select_n3A_494, %select_n3A_505 : vector<16xi1>, vector<16xi32>
      %select_n3A_508 = arith.select %gt3A_502, %get3A_499, %select_n3A_493 : vector<16xi1>, vector<16xf32>
      %select_n3A_509 = arith.select %gt3A_502, %broadcast_in_dim3A_501, %select_n3A_494 : vector<16xi1>, vector<16xi32>
      %get3A_510 = arith.constant 31 : i32
      %get3A_511 = arith.index_cast %get3A_510 : i32 to index
      %get3A_512 = arith.index_cast %multiple_of3A : i32 to index
      %get3A_513 = tpu.vector_load %arg5[%get3A_511, %get3A_512] {strides = array<i32>} : memref<64x1024xf32, #tpu.memory_space<vmem>>, vector<1x16xf32>,
      %get3A_514 = vector.shape_cast %get3A_513 : vector<1x16xf32> to vector<16xf32>
      %broadcast_in_dim3A_515 = arith.constant 31 : i32
      %broadcast_in_dim3A_516 = vector.broadcast %broadcast_in_dim3A_515 : i32 to vector<16xi32>
      %gt3A_517 = arith.cmpf ogt, %get3A_514, %select_n3A_508 : vector<16xf32>
      %gt3A_518 = arith.cmpf ogt, %get3A_514, %select_n3A_506 : vector<16xf32>
      %select_n3A_519 = arith.select %gt3A_518, %get3A_514, %select_n3A_506 : vector<16xi1>, vector<16xf32>
      %select_n3A_520 = arith.select %gt3A_518, %broadcast_in_dim3A_516, %select_n3A_507 : vector<16xi1>, vector<16xi32>
      %select_n3A_521 = arith.select %gt3A_517, %select_n3A_508, %select_n3A_519 : vector<16xi1>, vector<16xf32>
      %select_n3A_522 = arith.select %gt3A_517, %select_n3A_509, %select_n3A_520 : vector<16xi1>, vector<16xi32>
      %select_n3A_523 = arith.select %gt3A_517, %get3A_514, %select_n3A_508 : vector<16xi1>, vector<16xf32>
      %select_n3A_524 = arith.select %gt3A_517, %broadcast_in_dim3A_516, %select_n3A_509 : vector<16xi1>, vector<16xi32>
      %get3A_525 = arith.constant 32 : i32
      %get3A_526 = arith.index_cast %get3A_525 : i32 to index
      %get3A_527 = arith.index_cast %multiple_of3A : i32 to index
      %get3A_528 = tpu.vector_load %arg5[%get3A_526, %get3A_527] {strides = array<i32>} : memref<64x1024xf32, #tpu.memory_space<vmem>>, vector<1x16xf32>,
      %get3A_529 = vector.shape_cast %get3A_528 : vector<1x16xf32> to vector<16xf32>
      %broadcast_in_dim3A_530 = arith.constant 32 : i32
      %broadcast_in_dim3A_531 = vector.broadcast %broadcast_in_dim3A_530 : i32 to vector<16xi32>
      %gt3A_532 = arith.cmpf ogt, %get3A_529, %select_n3A_523 : vector<16xf32>
      %gt3A_533 = arith.cmpf ogt, %get3A_529, %select_n3A_521 : vector<16xf32>
      %select_n3A_534 = arith.select %gt3A_533, %get3A_529, %select_n3A_521 : vector<16xi1>, vector<16xf32>
      %select_n3A_535 = arith.select %gt3A_533, %broadcast_in_dim3A_531, %select_n3A_522 : vector<16xi1>, vector<16xi32>
      %select_n3A_536 = arith.select %gt3A_532, %select_n3A_523, %select_n3A_534 : vector<16xi1>, vector<16xf32>
      %select_n3A_537 = arith.select %gt3A_532, %select_n3A_524, %select_n3A_535 : vector<16xi1>, vector<16xi32>
      %select_n3A_538 = arith.select %gt3A_532, %get3A_529, %select_n3A_523 : vector<16xi1>, vector<16xf32>
      %select_n3A_539 = arith.select %gt3A_532, %broadcast_in_dim3A_531, %select_n3A_524 : vector<16xi1>, vector<16xi32>
      %get3A_540 = arith.constant 33 : i32
      %get3A_541 = arith.index_cast %get3A_540 : i32 to index
      %get3A_542 = arith.index_cast %multiple_of3A : i32 to index
      %get3A_543 = tpu.vector_load %arg5[%get3A_541, %get3A_542] {strides = array<i32>} : memref<64x1024xf32, #tpu.memory_space<vmem>>, vector<1x16xf32>,
      %get3A_544 = vector.shape_cast %get3A_543 : vector<1x16xf32> to vector<16xf32>
      %broadcast_in_dim3A_545 = arith.constant 33 : i32
      %broadcast_in_dim3A_546 = vector.broadcast %broadcast_in_dim3A_545 : i32 to vector<16xi32>
      %gt3A_547 = arith.cmpf ogt, %get3A_544, %select_n3A_538 : vector<16xf32>
      %gt3A_548 = arith.cmpf ogt, %get3A_544, %select_n3A_536 : vector<16xf32>
      %select_n3A_549 = arith.select %gt3A_548, %get3A_544, %select_n3A_536 : vector<16xi1>, vector<16xf32>
      %select_n3A_550 = arith.select %gt3A_548, %broadcast_in_dim3A_546, %select_n3A_537 : vector<16xi1>, vector<16xi32>
      %select_n3A_551 = arith.select %gt3A_547, %select_n3A_538, %select_n3A_549 : vector<16xi1>, vector<16xf32>
      %select_n3A_552 = arith.select %gt3A_547, %select_n3A_539, %select_n3A_550 : vector<16xi1>, vector<16xi32>
      %select_n3A_553 = arith.select %gt3A_547, %get3A_544, %select_n3A_538 : vector<16xi1>, vector<16xf32>
      %select_n3A_554 = arith.select %gt3A_547, %broadcast_in_dim3A_546, %select_n3A_539 : vector<16xi1>, vector<16xi32>
      %get3A_555 = arith.constant 34 : i32
      %get3A_556 = arith.index_cast %get3A_555 : i32 to index
      %get3A_557 = arith.index_cast %multiple_of3A : i32 to index
      %get3A_558 = tpu.vector_load %arg5[%get3A_556, %get3A_557] {strides = array<i32>} : memref<64x1024xf32, #tpu.memory_space<vmem>>, vector<1x16xf32>,
      %get3A_559 = vector.shape_cast %get3A_558 : vector<1x16xf32> to vector<16xf32>
      %broadcast_in_dim3A_560 = arith.constant 34 : i32
      %broadcast_in_dim3A_561 = vector.broadcast %broadcast_in_dim3A_560 : i32 to vector<16xi32>
      %gt3A_562 = arith.cmpf ogt, %get3A_559, %select_n3A_553 : vector<16xf32>
      %gt3A_563 = arith.cmpf ogt, %get3A_559, %select_n3A_551 : vector<16xf32>
      %select_n3A_564 = arith.select %gt3A_563, %get3A_559, %select_n3A_551 : vector<16xi1>, vector<16xf32>
      %select_n3A_565 = arith.select %gt3A_563, %broadcast_in_dim3A_561, %select_n3A_552 : vector<16xi1>, vector<16xi32>
      %select_n3A_566 = arith.select %gt3A_562, %select_n3A_553, %select_n3A_564 : vector<16xi1>, vector<16xf32>
      %select_n3A_567 = arith.select %gt3A_562, %select_n3A_554, %select_n3A_565 : vector<16xi1>, vector<16xi32>
      %select_n3A_568 = arith.select %gt3A_562, %get3A_559, %select_n3A_553 : vector<16xi1>, vector<16xf32>
      %select_n3A_569 = arith.select %gt3A_562, %broadcast_in_dim3A_561, %select_n3A_554 : vector<16xi1>, vector<16xi32>
      %get3A_570 = arith.constant 35 : i32
      %get3A_571 = arith.index_cast %get3A_570 : i32 to index
      %get3A_572 = arith.index_cast %multiple_of3A : i32 to index
      %get3A_573 = tpu.vector_load %arg5[%get3A_571, %get3A_572] {strides = array<i32>} : memref<64x1024xf32, #tpu.memory_space<vmem>>, vector<1x16xf32>,
      %get3A_574 = vector.shape_cast %get3A_573 : vector<1x16xf32> to vector<16xf32>
      %broadcast_in_dim3A_575 = arith.constant 35 : i32
      %broadcast_in_dim3A_576 = vector.broadcast %broadcast_in_dim3A_575 : i32 to vector<16xi32>
      %gt3A_577 = arith.cmpf ogt, %get3A_574, %select_n3A_568 : vector<16xf32>
      %gt3A_578 = arith.cmpf ogt, %get3A_574, %select_n3A_566 : vector<16xf32>
      %select_n3A_579 = arith.select %gt3A_578, %get3A_574, %select_n3A_566 : vector<16xi1>, vector<16xf32>
      %select_n3A_580 = arith.select %gt3A_578, %broadcast_in_dim3A_576, %select_n3A_567 : vector<16xi1>, vector<16xi32>
      %select_n3A_581 = arith.select %gt3A_577, %select_n3A_568, %select_n3A_579 : vector<16xi1>, vector<16xf32>
      %select_n3A_582 = arith.select %gt3A_577, %select_n3A_569, %select_n3A_580 : vector<16xi1>, vector<16xi32>
      %select_n3A_583 = arith.select %gt3A_577, %get3A_574, %select_n3A_568 : vector<16xi1>, vector<16xf32>
      %select_n3A_584 = arith.select %gt3A_577, %broadcast_in_dim3A_576, %select_n3A_569 : vector<16xi1>, vector<16xi32>
      %get3A_585 = arith.constant 36 : i32
      %get3A_586 = arith.index_cast %get3A_585 : i32 to index
      %get3A_587 = arith.index_cast %multiple_of3A : i32 to index
      %get3A_588 = tpu.vector_load %arg5[%get3A_586, %get3A_587] {strides = array<i32>} : memref<64x1024xf32, #tpu.memory_space<vmem>>, vector<1x16xf32>,
      %get3A_589 = vector.shape_cast %get3A_588 : vector<1x16xf32> to vector<16xf32>
      %broadcast_in_dim3A_590 = arith.constant 36 : i32
      %broadcast_in_dim3A_591 = vector.broadcast %broadcast_in_dim3A_590 : i32 to vector<16xi32>
      %gt3A_592 = arith.cmpf ogt, %get3A_589, %select_n3A_583 : vector<16xf32>
      %gt3A_593 = arith.cmpf ogt, %get3A_589, %select_n3A_581 : vector<16xf32>
      %select_n3A_594 = arith.select %gt3A_593, %get3A_589, %select_n3A_581 : vector<16xi1>, vector<16xf32>
      %select_n3A_595 = arith.select %gt3A_593, %broadcast_in_dim3A_591, %select_n3A_582 : vector<16xi1>, vector<16xi32>
      %select_n3A_596 = arith.select %gt3A_592, %select_n3A_583, %select_n3A_594 : vector<16xi1>, vector<16xf32>
      %select_n3A_597 = arith.select %gt3A_592, %select_n3A_584, %select_n3A_595 : vector<16xi1>, vector<16xi32>
      %select_n3A_598 = arith.select %gt3A_592, %get3A_589, %select_n3A_583 : vector<16xi1>, vector<16xf32>
      %select_n3A_599 = arith.select %gt3A_592, %broadcast_in_dim3A_591, %select_n3A_584 : vector<16xi1>, vector<16xi32>
      %get3A_600 = arith.constant 37 : i32
      %get3A_601 = arith.index_cast %get3A_600 : i32 to index
      %get3A_602 = arith.index_cast %multiple_of3A : i32 to index
      %get3A_603 = tpu.vector_load %arg5[%get3A_601, %get3A_602] {strides = array<i32>} : memref<64x1024xf32, #tpu.memory_space<vmem>>, vector<1x16xf32>,
      %get3A_604 = vector.shape_cast %get3A_603 : vector<1x16xf32> to vector<16xf32>
      %broadcast_in_dim3A_605 = arith.constant 37 : i32
      %broadcast_in_dim3A_606 = vector.broadcast %broadcast_in_dim3A_605 : i32 to vector<16xi32>
      %gt3A_607 = arith.cmpf ogt, %get3A_604, %select_n3A_598 : vector<16xf32>
      %gt3A_608 = arith.cmpf ogt, %get3A_604, %select_n3A_596 : vector<16xf32>
      %select_n3A_609 = arith.select %gt3A_608, %get3A_604, %select_n3A_596 : vector<16xi1>, vector<16xf32>
      %select_n3A_610 = arith.select %gt3A_608, %broadcast_in_dim3A_606, %select_n3A_597 : vector<16xi1>, vector<16xi32>
      %select_n3A_611 = arith.select %gt3A_607, %select_n3A_598, %select_n3A_609 : vector<16xi1>, vector<16xf32>
      %select_n3A_612 = arith.select %gt3A_607, %select_n3A_599, %select_n3A_610 : vector<16xi1>, vector<16xi32>
      %select_n3A_613 = arith.select %gt3A_607, %get3A_604, %select_n3A_598 : vector<16xi1>, vector<16xf32>
      %select_n3A_614 = arith.select %gt3A_607, %broadcast_in_dim3A_606, %select_n3A_599 : vector<16xi1>, vector<16xi32>
      %get3A_615 = arith.constant 38 : i32
      %get3A_616 = arith.index_cast %get3A_615 : i32 to index
      %get3A_617 = arith.index_cast %multiple_of3A : i32 to index
      %get3A_618 = tpu.vector_load %arg5[%get3A_616, %get3A_617] {strides = array<i32>} : memref<64x1024xf32, #tpu.memory_space<vmem>>, vector<1x16xf32>,
      %get3A_619 = vector.shape_cast %get3A_618 : vector<1x16xf32> to vector<16xf32>
      %broadcast_in_dim3A_620 = arith.constant 38 : i32
      %broadcast_in_dim3A_621 = vector.broadcast %broadcast_in_dim3A_620 : i32 to vector<16xi32>
      %gt3A_622 = arith.cmpf ogt, %get3A_619, %select_n3A_613 : vector<16xf32>
      %gt3A_623 = arith.cmpf ogt, %get3A_619, %select_n3A_611 : vector<16xf32>
      %select_n3A_624 = arith.select %gt3A_623, %get3A_619, %select_n3A_611 : vector<16xi1>, vector<16xf32>
      %select_n3A_625 = arith.select %gt3A_623, %broadcast_in_dim3A_621, %select_n3A_612 : vector<16xi1>, vector<16xi32>
      %select_n3A_626 = arith.select %gt3A_622, %select_n3A_613, %select_n3A_624 : vector<16xi1>, vector<16xf32>
      %select_n3A_627 = arith.select %gt3A_622, %select_n3A_614, %select_n3A_625 : vector<16xi1>, vector<16xi32>
      %select_n3A_628 = arith.select %gt3A_622, %get3A_619, %select_n3A_613 : vector<16xi1>, vector<16xf32>
      %select_n3A_629 = arith.select %gt3A_622, %broadcast_in_dim3A_621, %select_n3A_614 : vector<16xi1>, vector<16xi32>
      %get3A_630 = arith.constant 39 : i32
      %get3A_631 = arith.index_cast %get3A_630 : i32 to index
      %get3A_632 = arith.index_cast %multiple_of3A : i32 to index
      %get3A_633 = tpu.vector_load %arg5[%get3A_631, %get3A_632] {strides = array<i32>} : memref<64x1024xf32, #tpu.memory_space<vmem>>, vector<1x16xf32>,
      %get3A_634 = vector.shape_cast %get3A_633 : vector<1x16xf32> to vector<16xf32>
      %broadcast_in_dim3A_635 = arith.constant 39 : i32
      %broadcast_in_dim3A_636 = vector.broadcast %broadcast_in_dim3A_635 : i32 to vector<16xi32>
      %gt3A_637 = arith.cmpf ogt, %get3A_634, %select_n3A_628 : vector<16xf32>
      %gt3A_638 = arith.cmpf ogt, %get3A_634, %select_n3A_626 : vector<16xf32>
      %select_n3A_639 = arith.select %gt3A_638, %get3A_634, %select_n3A_626 : vector<16xi1>, vector<16xf32>
      %select_n3A_640 = arith.select %gt3A_638, %broadcast_in_dim3A_636, %select_n3A_627 : vector<16xi1>, vector<16xi32>
      %select_n3A_641 = arith.select %gt3A_637, %select_n3A_628, %select_n3A_639 : vector<16xi1>, vector<16xf32>
      %select_n3A_642 = arith.select %gt3A_637, %select_n3A_629, %select_n3A_640 : vector<16xi1>, vector<16xi32>
      %select_n3A_643 = arith.select %gt3A_637, %get3A_634, %select_n3A_628 : vector<16xi1>, vector<16xf32>
      %select_n3A_644 = arith.select %gt3A_637, %broadcast_in_dim3A_636, %select_n3A_629 : vector<16xi1>, vector<16xi32>
      %get3A_645 = arith.constant 40 : i32
      %get3A_646 = arith.index_cast %get3A_645 : i32 to index
      %get3A_647 = arith.index_cast %multiple_of3A : i32 to index
      %get3A_648 = tpu.vector_load %arg5[%get3A_646, %get3A_647] {strides = array<i32>} : memref<64x1024xf32, #tpu.memory_space<vmem>>, vector<1x16xf32>,
      %get3A_649 = vector.shape_cast %get3A_648 : vector<1x16xf32> to vector<16xf32>
      %broadcast_in_dim3A_650 = arith.constant 40 : i32
      %broadcast_in_dim3A_651 = vector.broadcast %broadcast_in_dim3A_650 : i32 to vector<16xi32>
      %gt3A_652 = arith.cmpf ogt, %get3A_649, %select_n3A_643 : vector<16xf32>
      %gt3A_653 = arith.cmpf ogt, %get3A_649, %select_n3A_641 : vector<16xf32>
      %select_n3A_654 = arith.select %gt3A_653, %get3A_649, %select_n3A_641 : vector<16xi1>, vector<16xf32>
      %select_n3A_655 = arith.select %gt3A_653, %broadcast_in_dim3A_651, %select_n3A_642 : vector<16xi1>, vector<16xi32>
      %select_n3A_656 = arith.select %gt3A_652, %select_n3A_643, %select_n3A_654 : vector<16xi1>, vector<16xf32>
      %select_n3A_657 = arith.select %gt3A_652, %select_n3A_644, %select_n3A_655 : vector<16xi1>, vector<16xi32>
      %select_n3A_658 = arith.select %gt3A_652, %get3A_649, %select_n3A_643 : vector<16xi1>, vector<16xf32>
      %select_n3A_659 = arith.select %gt3A_652, %broadcast_in_dim3A_651, %select_n3A_644 : vector<16xi1>, vector<16xi32>
      %get3A_660 = arith.constant 41 : i32
      %get3A_661 = arith.index_cast %get3A_660 : i32 to index
      %get3A_662 = arith.index_cast %multiple_of3A : i32 to index
      %get3A_663 = tpu.vector_load %arg5[%get3A_661, %get3A_662] {strides = array<i32>} : memref<64x1024xf32, #tpu.memory_space<vmem>>, vector<1x16xf32>,
      %get3A_664 = vector.shape_cast %get3A_663 : vector<1x16xf32> to vector<16xf32>
      %broadcast_in_dim3A_665 = arith.constant 41 : i32
      %broadcast_in_dim3A_666 = vector.broadcast %broadcast_in_dim3A_665 : i32 to vector<16xi32>
      %gt3A_667 = arith.cmpf ogt, %get3A_664, %select_n3A_658 : vector<16xf32>
      %gt3A_668 = arith.cmpf ogt, %get3A_664, %select_n3A_656 : vector<16xf32>
      %select_n3A_669 = arith.select %gt3A_668, %get3A_664, %select_n3A_656 : vector<16xi1>, vector<16xf32>
      %select_n3A_670 = arith.select %gt3A_668, %broadcast_in_dim3A_666, %select_n3A_657 : vector<16xi1>, vector<16xi32>
      %select_n3A_671 = arith.select %gt3A_667, %select_n3A_658, %select_n3A_669 : vector<16xi1>, vector<16xf32>
      %select_n3A_672 = arith.select %gt3A_667, %select_n3A_659, %select_n3A_670 : vector<16xi1>, vector<16xi32>
      %select_n3A_673 = arith.select %gt3A_667, %get3A_664, %select_n3A_658 : vector<16xi1>, vector<16xf32>
      %select_n3A_674 = arith.select %gt3A_667, %broadcast_in_dim3A_666, %select_n3A_659 : vector<16xi1>, vector<16xi32>
      %get3A_675 = arith.constant 42 : i32
      %get3A_676 = arith.index_cast %get3A_675 : i32 to index
      %get3A_677 = arith.index_cast %multiple_of3A : i32 to index
      %get3A_678 = tpu.vector_load %arg5[%get3A_676, %get3A_677] {strides = array<i32>} : memref<64x1024xf32, #tpu.memory_space<vmem>>, vector<1x16xf32>,
      %get3A_679 = vector.shape_cast %get3A_678 : vector<1x16xf32> to vector<16xf32>
      %broadcast_in_dim3A_680 = arith.constant 42 : i32
      %broadcast_in_dim3A_681 = vector.broadcast %broadcast_in_dim3A_680 : i32 to vector<16xi32>
      %gt3A_682 = arith.cmpf ogt, %get3A_679, %select_n3A_673 : vector<16xf32>
      %gt3A_683 = arith.cmpf ogt, %get3A_679, %select_n3A_671 : vector<16xf32>
      %select_n3A_684 = arith.select %gt3A_683, %get3A_679, %select_n3A_671 : vector<16xi1>, vector<16xf32>
      %select_n3A_685 = arith.select %gt3A_683, %broadcast_in_dim3A_681, %select_n3A_672 : vector<16xi1>, vector<16xi32>
      %select_n3A_686 = arith.select %gt3A_682, %select_n3A_673, %select_n3A_684 : vector<16xi1>, vector<16xf32>
      %select_n3A_687 = arith.select %gt3A_682, %select_n3A_674, %select_n3A_685 : vector<16xi1>, vector<16xi32>
      %select_n3A_688 = arith.select %gt3A_682, %get3A_679, %select_n3A_673 : vector<16xi1>, vector<16xf32>
      %select_n3A_689 = arith.select %gt3A_682, %broadcast_in_dim3A_681, %select_n3A_674 : vector<16xi1>, vector<16xi32>
      %get3A_690 = arith.constant 43 : i32
      %get3A_691 = arith.index_cast %get3A_690 : i32 to index
      %get3A_692 = arith.index_cast %multiple_of3A : i32 to index
      %get3A_693 = tpu.vector_load %arg5[%get3A_691, %get3A_692] {strides = array<i32>} : memref<64x1024xf32, #tpu.memory_space<vmem>>, vector<1x16xf32>,
      %get3A_694 = vector.shape_cast %get3A_693 : vector<1x16xf32> to vector<16xf32>
      %broadcast_in_dim3A_695 = arith.constant 43 : i32
      %broadcast_in_dim3A_696 = vector.broadcast %broadcast_in_dim3A_695 : i32 to vector<16xi32>
      %gt3A_697 = arith.cmpf ogt, %get3A_694, %select_n3A_688 : vector<16xf32>
      %gt3A_698 = arith.cmpf ogt, %get3A_694, %select_n3A_686 : vector<16xf32>
      %select_n3A_699 = arith.select %gt3A_698, %get3A_694, %select_n3A_686 : vector<16xi1>, vector<16xf32>
      %select_n3A_700 = arith.select %gt3A_698, %broadcast_in_dim3A_696, %select_n3A_687 : vector<16xi1>, vector<16xi32>
      %select_n3A_701 = arith.select %gt3A_697, %select_n3A_688, %select_n3A_699 : vector<16xi1>, vector<16xf32>
      %select_n3A_702 = arith.select %gt3A_697, %select_n3A_689, %select_n3A_700 : vector<16xi1>, vector<16xi32>
      %select_n3A_703 = arith.select %gt3A_697, %get3A_694, %select_n3A_688 : vector<16xi1>, vector<16xf32>
      %select_n3A_704 = arith.select %gt3A_697, %broadcast_in_dim3A_696, %select_n3A_689 : vector<16xi1>, vector<16xi32>
      %get3A_705 = arith.constant 44 : i32
      %get3A_706 = arith.index_cast %get3A_705 : i32 to index
      %get3A_707 = arith.index_cast %multiple_of3A : i32 to index
      %get3A_708 = tpu.vector_load %arg5[%get3A_706, %get3A_707] {strides = array<i32>} : memref<64x1024xf32, #tpu.memory_space<vmem>>, vector<1x16xf32>,
      %get3A_709 = vector.shape_cast %get3A_708 : vector<1x16xf32> to vector<16xf32>
      %broadcast_in_dim3A_710 = arith.constant 44 : i32
      %broadcast_in_dim3A_711 = vector.broadcast %broadcast_in_dim3A_710 : i32 to vector<16xi32>
      %gt3A_712 = arith.cmpf ogt, %get3A_709, %select_n3A_703 : vector<16xf32>
      %gt3A_713 = arith.cmpf ogt, %get3A_709, %select_n3A_701 : vector<16xf32>
      %select_n3A_714 = arith.select %gt3A_713, %get3A_709, %select_n3A_701 : vector<16xi1>, vector<16xf32>
      %select_n3A_715 = arith.select %gt3A_713, %broadcast_in_dim3A_711, %select_n3A_702 : vector<16xi1>, vector<16xi32>
      %select_n3A_716 = arith.select %gt3A_712, %select_n3A_703, %select_n3A_714 : vector<16xi1>, vector<16xf32>
      %select_n3A_717 = arith.select %gt3A_712, %select_n3A_704, %select_n3A_715 : vector<16xi1>, vector<16xi32>
      %select_n3A_718 = arith.select %gt3A_712, %get3A_709, %select_n3A_703 : vector<16xi1>, vector<16xf32>
      %select_n3A_719 = arith.select %gt3A_712, %broadcast_in_dim3A_711, %select_n3A_704 : vector<16xi1>, vector<16xi32>
      %get3A_720 = arith.constant 45 : i32
      %get3A_721 = arith.index_cast %get3A_720 : i32 to index
      %get3A_722 = arith.index_cast %multiple_of3A : i32 to index
      %get3A_723 = tpu.vector_load %arg5[%get3A_721, %get3A_722] {strides = array<i32>} : memref<64x1024xf32, #tpu.memory_space<vmem>>, vector<1x16xf32>,
      %get3A_724 = vector.shape_cast %get3A_723 : vector<1x16xf32> to vector<16xf32>
      %broadcast_in_dim3A_725 = arith.constant 45 : i32
      %broadcast_in_dim3A_726 = vector.broadcast %broadcast_in_dim3A_725 : i32 to vector<16xi32>
      %gt3A_727 = arith.cmpf ogt, %get3A_724, %select_n3A_718 : vector<16xf32>
      %gt3A_728 = arith.cmpf ogt, %get3A_724, %select_n3A_716 : vector<16xf32>
      %select_n3A_729 = arith.select %gt3A_728, %get3A_724, %select_n3A_716 : vector<16xi1>, vector<16xf32>
      %select_n3A_730 = arith.select %gt3A_728, %broadcast_in_dim3A_726, %select_n3A_717 : vector<16xi1>, vector<16xi32>
      %select_n3A_731 = arith.select %gt3A_727, %select_n3A_718, %select_n3A_729 : vector<16xi1>, vector<16xf32>
      %select_n3A_732 = arith.select %gt3A_727, %select_n3A_719, %select_n3A_730 : vector<16xi1>, vector<16xi32>
      %select_n3A_733 = arith.select %gt3A_727, %get3A_724, %select_n3A_718 : vector<16xi1>, vector<16xf32>
      %select_n3A_734 = arith.select %gt3A_727, %broadcast_in_dim3A_726, %select_n3A_719 : vector<16xi1>, vector<16xi32>
      %get3A_735 = arith.constant 46 : i32
      %get3A_736 = arith.index_cast %get3A_735 : i32 to index
      %get3A_737 = arith.index_cast %multiple_of3A : i32 to index
      %get3A_738 = tpu.vector_load %arg5[%get3A_736, %get3A_737] {strides = array<i32>} : memref<64x1024xf32, #tpu.memory_space<vmem>>, vector<1x16xf32>,
      %get3A_739 = vector.shape_cast %get3A_738 : vector<1x16xf32> to vector<16xf32>
      %broadcast_in_dim3A_740 = arith.constant 46 : i32
      %broadcast_in_dim3A_741 = vector.broadcast %broadcast_in_dim3A_740 : i32 to vector<16xi32>
      %gt3A_742 = arith.cmpf ogt, %get3A_739, %select_n3A_733 : vector<16xf32>
      %gt3A_743 = arith.cmpf ogt, %get3A_739, %select_n3A_731 : vector<16xf32>
      %select_n3A_744 = arith.select %gt3A_743, %get3A_739, %select_n3A_731 : vector<16xi1>, vector<16xf32>
      %select_n3A_745 = arith.select %gt3A_743, %broadcast_in_dim3A_741, %select_n3A_732 : vector<16xi1>, vector<16xi32>
      %select_n3A_746 = arith.select %gt3A_742, %select_n3A_733, %select_n3A_744 : vector<16xi1>, vector<16xf32>
      %select_n3A_747 = arith.select %gt3A_742, %select_n3A_734, %select_n3A_745 : vector<16xi1>, vector<16xi32>
      %select_n3A_748 = arith.select %gt3A_742, %get3A_739, %select_n3A_733 : vector<16xi1>, vector<16xf32>
      %select_n3A_749 = arith.select %gt3A_742, %broadcast_in_dim3A_741, %select_n3A_734 : vector<16xi1>, vector<16xi32>
      %get3A_750 = arith.constant 47 : i32
      %get3A_751 = arith.index_cast %get3A_750 : i32 to index
      %get3A_752 = arith.index_cast %multiple_of3A : i32 to index
      %get3A_753 = tpu.vector_load %arg5[%get3A_751, %get3A_752] {strides = array<i32>} : memref<64x1024xf32, #tpu.memory_space<vmem>>, vector<1x16xf32>,
      %get3A_754 = vector.shape_cast %get3A_753 : vector<1x16xf32> to vector<16xf32>
      %broadcast_in_dim3A_755 = arith.constant 47 : i32
      %broadcast_in_dim3A_756 = vector.broadcast %broadcast_in_dim3A_755 : i32 to vector<16xi32>
      %gt3A_757 = arith.cmpf ogt, %get3A_754, %select_n3A_748 : vector<16xf32>
      %gt3A_758 = arith.cmpf ogt, %get3A_754, %select_n3A_746 : vector<16xf32>
      %select_n3A_759 = arith.select %gt3A_758, %get3A_754, %select_n3A_746 : vector<16xi1>, vector<16xf32>
      %select_n3A_760 = arith.select %gt3A_758, %broadcast_in_dim3A_756, %select_n3A_747 : vector<16xi1>, vector<16xi32>
      %select_n3A_761 = arith.select %gt3A_757, %select_n3A_748, %select_n3A_759 : vector<16xi1>, vector<16xf32>
      %select_n3A_762 = arith.select %gt3A_757, %select_n3A_749, %select_n3A_760 : vector<16xi1>, vector<16xi32>
      %select_n3A_763 = arith.select %gt3A_757, %get3A_754, %select_n3A_748 : vector<16xi1>, vector<16xf32>
      %select_n3A_764 = arith.select %gt3A_757, %broadcast_in_dim3A_756, %select_n3A_749 : vector<16xi1>, vector<16xi32>
      %get3A_765 = arith.constant 48 : i32
      %get3A_766 = arith.index_cast %get3A_765 : i32 to index
      %get3A_767 = arith.index_cast %multiple_of3A : i32 to index
      %get3A_768 = tpu.vector_load %arg5[%get3A_766, %get3A_767] {strides = array<i32>} : memref<64x1024xf32, #tpu.memory_space<vmem>>, vector<1x16xf32>,
      %get3A_769 = vector.shape_cast %get3A_768 : vector<1x16xf32> to vector<16xf32>
      %broadcast_in_dim3A_770 = arith.constant 48 : i32
      %broadcast_in_dim3A_771 = vector.broadcast %broadcast_in_dim3A_770 : i32 to vector<16xi32>
      %gt3A_772 = arith.cmpf ogt, %get3A_769, %select_n3A_763 : vector<16xf32>
      %gt3A_773 = arith.cmpf ogt, %get3A_769, %select_n3A_761 : vector<16xf32>
      %select_n3A_774 = arith.select %gt3A_773, %get3A_769, %select_n3A_761 : vector<16xi1>, vector<16xf32>
      %select_n3A_775 = arith.select %gt3A_773, %broadcast_in_dim3A_771, %select_n3A_762 : vector<16xi1>, vector<16xi32>
      %select_n3A_776 = arith.select %gt3A_772, %select_n3A_763, %select_n3A_774 : vector<16xi1>, vector<16xf32>
      %select_n3A_777 = arith.select %gt3A_772, %select_n3A_764, %select_n3A_775 : vector<16xi1>, vector<16xi32>
      %select_n3A_778 = arith.select %gt3A_772, %get3A_769, %select_n3A_763 : vector<16xi1>, vector<16xf32>
      %select_n3A_779 = arith.select %gt3A_772, %broadcast_in_dim3A_771, %select_n3A_764 : vector<16xi1>, vector<16xi32>
      %get3A_780 = arith.constant 49 : i32
      %get3A_781 = arith.index_cast %get3A_780 : i32 to index
      %get3A_782 = arith.index_cast %multiple_of3A : i32 to index
      %get3A_783 = tpu.vector_load %arg5[%get3A_781, %get3A_782] {strides = array<i32>} : memref<64x1024xf32, #tpu.memory_space<vmem>>, vector<1x16xf32>,
      %get3A_784 = vector.shape_cast %get3A_783 : vector<1x16xf32> to vector<16xf32>
      %broadcast_in_dim3A_785 = arith.constant 49 : i32
      %broadcast_in_dim3A_786 = vector.broadcast %broadcast_in_dim3A_785 : i32 to vector<16xi32>
      %gt3A_787 = arith.cmpf ogt, %get3A_784, %select_n3A_778 : vector<16xf32>
      %gt3A_788 = arith.cmpf ogt, %get3A_784, %select_n3A_776 : vector<16xf32>
      %select_n3A_789 = arith.select %gt3A_788, %get3A_784, %select_n3A_776 : vector<16xi1>, vector<16xf32>
      %select_n3A_790 = arith.select %gt3A_788, %broadcast_in_dim3A_786, %select_n3A_777 : vector<16xi1>, vector<16xi32>
      %select_n3A_791 = arith.select %gt3A_787, %select_n3A_778, %select_n3A_789 : vector<16xi1>, vector<16xf32>
      %select_n3A_792 = arith.select %gt3A_787, %select_n3A_779, %select_n3A_790 : vector<16xi1>, vector<16xi32>
      %select_n3A_793 = arith.select %gt3A_787, %get3A_784, %select_n3A_778 : vector<16xi1>, vector<16xf32>
      %select_n3A_794 = arith.select %gt3A_787, %broadcast_in_dim3A_786, %select_n3A_779 : vector<16xi1>, vector<16xi32>
      %get3A_795 = arith.constant 50 : i32
      %get3A_796 = arith.index_cast %get3A_795 : i32 to index
      %get3A_797 = arith.index_cast %multiple_of3A : i32 to index
      %get3A_798 = tpu.vector_load %arg5[%get3A_796, %get3A_797] {strides = array<i32>} : memref<64x1024xf32, #tpu.memory_space<vmem>>, vector<1x16xf32>,
      %get3A_799 = vector.shape_cast %get3A_798 : vector<1x16xf32> to vector<16xf32>
      %broadcast_in_dim3A_800 = arith.constant 50 : i32
      %broadcast_in_dim3A_801 = vector.broadcast %broadcast_in_dim3A_800 : i32 to vector<16xi32>
      %gt3A_802 = arith.cmpf ogt, %get3A_799, %select_n3A_793 : vector<16xf32>
      %gt3A_803 = arith.cmpf ogt, %get3A_799, %select_n3A_791 : vector<16xf32>
      %select_n3A_804 = arith.select %gt3A_803, %get3A_799, %select_n3A_791 : vector<16xi1>, vector<16xf32>
      %select_n3A_805 = arith.select %gt3A_803, %broadcast_in_dim3A_801, %select_n3A_792 : vector<16xi1>, vector<16xi32>
      %select_n3A_806 = arith.select %gt3A_802, %select_n3A_793, %select_n3A_804 : vector<16xi1>, vector<16xf32>
      %select_n3A_807 = arith.select %gt3A_802, %select_n3A_794, %select_n3A_805 : vector<16xi1>, vector<16xi32>
      %select_n3A_808 = arith.select %gt3A_802, %get3A_799, %select_n3A_793 : vector<16xi1>, vector<16xf32>
      %select_n3A_809 = arith.select %gt3A_802, %broadcast_in_dim3A_801, %select_n3A_794 : vector<16xi1>, vector<16xi32>
      %get3A_810 = arith.constant 51 : i32
      %get3A_811 = arith.index_cast %get3A_810 : i32 to index
      %get3A_812 = arith.index_cast %multiple_of3A : i32 to index
      %get3A_813 = tpu.vector_load %arg5[%get3A_811, %get3A_812] {strides = array<i32>} : memref<64x1024xf32, #tpu.memory_space<vmem>>, vector<1x16xf32>,
      %get3A_814 = vector.shape_cast %get3A_813 : vector<1x16xf32> to vector<16xf32>
      %broadcast_in_dim3A_815 = arith.constant 51 : i32
      %broadcast_in_dim3A_816 = vector.broadcast %broadcast_in_dim3A_815 : i32 to vector<16xi32>
      %gt3A_817 = arith.cmpf ogt, %get3A_814, %select_n3A_808 : vector<16xf32>
      %gt3A_818 = arith.cmpf ogt, %get3A_814, %select_n3A_806 : vector<16xf32>
      %select_n3A_819 = arith.select %gt3A_818, %get3A_814, %select_n3A_806 : vector<16xi1>, vector<16xf32>
      %select_n3A_820 = arith.select %gt3A_818, %broadcast_in_dim3A_816, %select_n3A_807 : vector<16xi1>, vector<16xi32>
      %select_n3A_821 = arith.select %gt3A_817, %select_n3A_808, %select_n3A_819 : vector<16xi1>, vector<16xf32>
      %select_n3A_822 = arith.select %gt3A_817, %select_n3A_809, %select_n3A_820 : vector<16xi1>, vector<16xi32>
      %select_n3A_823 = arith.select %gt3A_817, %get3A_814, %select_n3A_808 : vector<16xi1>, vector<16xf32>
      %select_n3A_824 = arith.select %gt3A_817, %broadcast_in_dim3A_816, %select_n3A_809 : vector<16xi1>, vector<16xi32>
      %get3A_825 = arith.constant 52 : i32
      %get3A_826 = arith.index_cast %get3A_825 : i32 to index
      %get3A_827 = arith.index_cast %multiple_of3A : i32 to index
      %get3A_828 = tpu.vector_load %arg5[%get3A_826, %get3A_827] {strides = array<i32>} : memref<64x1024xf32, #tpu.memory_space<vmem>>, vector<1x16xf32>,
      %get3A_829 = vector.shape_cast %get3A_828 : vector<1x16xf32> to vector<16xf32>
      %broadcast_in_dim3A_830 = arith.constant 52 : i32
      %broadcast_in_dim3A_831 = vector.broadcast %broadcast_in_dim3A_830 : i32 to vector<16xi32>
      %gt3A_832 = arith.cmpf ogt, %get3A_829, %select_n3A_823 : vector<16xf32>
      %gt3A_833 = arith.cmpf ogt, %get3A_829, %select_n3A_821 : vector<16xf32>
      %select_n3A_834 = arith.select %gt3A_833, %get3A_829, %select_n3A_821 : vector<16xi1>, vector<16xf32>
      %select_n3A_835 = arith.select %gt3A_833, %broadcast_in_dim3A_831, %select_n3A_822 : vector<16xi1>, vector<16xi32>
      %select_n3A_836 = arith.select %gt3A_832, %select_n3A_823, %select_n3A_834 : vector<16xi1>, vector<16xf32>
      %select_n3A_837 = arith.select %gt3A_832, %select_n3A_824, %select_n3A_835 : vector<16xi1>, vector<16xi32>
      %select_n3A_838 = arith.select %gt3A_832, %get3A_829, %select_n3A_823 : vector<16xi1>, vector<16xf32>
      %select_n3A_839 = arith.select %gt3A_832, %broadcast_in_dim3A_831, %select_n3A_824 : vector<16xi1>, vector<16xi32>
      %get3A_840 = arith.constant 53 : i32
      %get3A_841 = arith.index_cast %get3A_840 : i32 to index
      %get3A_842 = arith.index_cast %multiple_of3A : i32 to index
      %get3A_843 = tpu.vector_load %arg5[%get3A_841, %get3A_842] {strides = array<i32>} : memref<64x1024xf32, #tpu.memory_space<vmem>>, vector<1x16xf32>,
      %get3A_844 = vector.shape_cast %get3A_843 : vector<1x16xf32> to vector<16xf32>
      %broadcast_in_dim3A_845 = arith.constant 53 : i32
      %broadcast_in_dim3A_846 = vector.broadcast %broadcast_in_dim3A_845 : i32 to vector<16xi32>
      %gt3A_847 = arith.cmpf ogt, %get3A_844, %select_n3A_838 : vector<16xf32>
      %gt3A_848 = arith.cmpf ogt, %get3A_844, %select_n3A_836 : vector<16xf32>
      %select_n3A_849 = arith.select %gt3A_848, %get3A_844, %select_n3A_836 : vector<16xi1>, vector<16xf32>
      %select_n3A_850 = arith.select %gt3A_848, %broadcast_in_dim3A_846, %select_n3A_837 : vector<16xi1>, vector<16xi32>
      %select_n3A_851 = arith.select %gt3A_847, %select_n3A_838, %select_n3A_849 : vector<16xi1>, vector<16xf32>
      %select_n3A_852 = arith.select %gt3A_847, %select_n3A_839, %select_n3A_850 : vector<16xi1>, vector<16xi32>
      %select_n3A_853 = arith.select %gt3A_847, %get3A_844, %select_n3A_838 : vector<16xi1>, vector<16xf32>
      %select_n3A_854 = arith.select %gt3A_847, %broadcast_in_dim3A_846, %select_n3A_839 : vector<16xi1>, vector<16xi32>
      %get3A_855 = arith.constant 54 : i32
      %get3A_856 = arith.index_cast %get3A_855 : i32 to index
      %get3A_857 = arith.index_cast %multiple_of3A : i32 to index
      %get3A_858 = tpu.vector_load %arg5[%get3A_856, %get3A_857] {strides = array<i32>} : memref<64x1024xf32, #tpu.memory_space<vmem>>, vector<1x16xf32>,
      %get3A_859 = vector.shape_cast %get3A_858 : vector<1x16xf32> to vector<16xf32>
      %broadcast_in_dim3A_860 = arith.constant 54 : i32
      %broadcast_in_dim3A_861 = vector.broadcast %broadcast_in_dim3A_860 : i32 to vector<16xi32>
      %gt3A_862 = arith.cmpf ogt, %get3A_859, %select_n3A_853 : vector<16xf32>
      %gt3A_863 = arith.cmpf ogt, %get3A_859, %select_n3A_851 : vector<16xf32>
      %select_n3A_864 = arith.select %gt3A_863, %get3A_859, %select_n3A_851 : vector<16xi1>, vector<16xf32>
      %select_n3A_865 = arith.select %gt3A_863, %broadcast_in_dim3A_861, %select_n3A_852 : vector<16xi1>, vector<16xi32>
      %select_n3A_866 = arith.select %gt3A_862, %select_n3A_853, %select_n3A_864 : vector<16xi1>, vector<16xf32>
      %select_n3A_867 = arith.select %gt3A_862, %select_n3A_854, %select_n3A_865 : vector<16xi1>, vector<16xi32>
      %select_n3A_868 = arith.select %gt3A_862, %get3A_859, %select_n3A_853 : vector<16xi1>, vector<16xf32>
      %select_n3A_869 = arith.select %gt3A_862, %broadcast_in_dim3A_861, %select_n3A_854 : vector<16xi1>, vector<16xi32>
      %get3A_870 = arith.constant 55 : i32
      %get3A_871 = arith.index_cast %get3A_870 : i32 to index
      %get3A_872 = arith.index_cast %multiple_of3A : i32 to index
      %get3A_873 = tpu.vector_load %arg5[%get3A_871, %get3A_872] {strides = array<i32>} : memref<64x1024xf32, #tpu.memory_space<vmem>>, vector<1x16xf32>,
      %get3A_874 = vector.shape_cast %get3A_873 : vector<1x16xf32> to vector<16xf32>
      %broadcast_in_dim3A_875 = arith.constant 55 : i32
      %broadcast_in_dim3A_876 = vector.broadcast %broadcast_in_dim3A_875 : i32 to vector<16xi32>
      %gt3A_877 = arith.cmpf ogt, %get3A_874, %select_n3A_868 : vector<16xf32>
      %gt3A_878 = arith.cmpf ogt, %get3A_874, %select_n3A_866 : vector<16xf32>
      %select_n3A_879 = arith.select %gt3A_878, %get3A_874, %select_n3A_866 : vector<16xi1>, vector<16xf32>
      %select_n3A_880 = arith.select %gt3A_878, %broadcast_in_dim3A_876, %select_n3A_867 : vector<16xi1>, vector<16xi32>
      %select_n3A_881 = arith.select %gt3A_877, %select_n3A_868, %select_n3A_879 : vector<16xi1>, vector<16xf32>
      %select_n3A_882 = arith.select %gt3A_877, %select_n3A_869, %select_n3A_880 : vector<16xi1>, vector<16xi32>
      %select_n3A_883 = arith.select %gt3A_877, %get3A_874, %select_n3A_868 : vector<16xi1>, vector<16xf32>
      %select_n3A_884 = arith.select %gt3A_877, %broadcast_in_dim3A_876, %select_n3A_869 : vector<16xi1>, vector<16xi32>
      %get3A_885 = arith.constant 56 : i32
      %get3A_886 = arith.index_cast %get3A_885 : i32 to index
      %get3A_887 = arith.index_cast %multiple_of3A : i32 to index
      %get3A_888 = tpu.vector_load %arg5[%get3A_886, %get3A_887] {strides = array<i32>} : memref<64x1024xf32, #tpu.memory_space<vmem>>, vector<1x16xf32>,
      %get3A_889 = vector.shape_cast %get3A_888 : vector<1x16xf32> to vector<16xf32>
      %broadcast_in_dim3A_890 = arith.constant 56 : i32
      %broadcast_in_dim3A_891 = vector.broadcast %broadcast_in_dim3A_890 : i32 to vector<16xi32>
      %gt3A_892 = arith.cmpf ogt, %get3A_889, %select_n3A_883 : vector<16xf32>
      %gt3A_893 = arith.cmpf ogt, %get3A_889, %select_n3A_881 : vector<16xf32>
      %select_n3A_894 = arith.select %gt3A_893, %get3A_889, %select_n3A_881 : vector<16xi1>, vector<16xf32>
      %select_n3A_895 = arith.select %gt3A_893, %broadcast_in_dim3A_891, %select_n3A_882 : vector<16xi1>, vector<16xi32>
      %select_n3A_896 = arith.select %gt3A_892, %select_n3A_883, %select_n3A_894 : vector<16xi1>, vector<16xf32>
      %select_n3A_897 = arith.select %gt3A_892, %select_n3A_884, %select_n3A_895 : vector<16xi1>, vector<16xi32>
      %select_n3A_898 = arith.select %gt3A_892, %get3A_889, %select_n3A_883 : vector<16xi1>, vector<16xf32>
      %select_n3A_899 = arith.select %gt3A_892, %broadcast_in_dim3A_891, %select_n3A_884 : vector<16xi1>, vector<16xi32>
      %get3A_900 = arith.constant 57 : i32
      %get3A_901 = arith.index_cast %get3A_900 : i32 to index
      %get3A_902 = arith.index_cast %multiple_of3A : i32 to index
      %get3A_903 = tpu.vector_load %arg5[%get3A_901, %get3A_902] {strides = array<i32>} : memref<64x1024xf32, #tpu.memory_space<vmem>>, vector<1x16xf32>,
      %get3A_904 = vector.shape_cast %get3A_903 : vector<1x16xf32> to vector<16xf32>
      %broadcast_in_dim3A_905 = arith.constant 57 : i32
      %broadcast_in_dim3A_906 = vector.broadcast %broadcast_in_dim3A_905 : i32 to vector<16xi32>
      %gt3A_907 = arith.cmpf ogt, %get3A_904, %select_n3A_898 : vector<16xf32>
      %gt3A_908 = arith.cmpf ogt, %get3A_904, %select_n3A_896 : vector<16xf32>
      %select_n3A_909 = arith.select %gt3A_908, %get3A_904, %select_n3A_896 : vector<16xi1>, vector<16xf32>
      %select_n3A_910 = arith.select %gt3A_908, %broadcast_in_dim3A_906, %select_n3A_897 : vector<16xi1>, vector<16xi32>
      %select_n3A_911 = arith.select %gt3A_907, %select_n3A_898, %select_n3A_909 : vector<16xi1>, vector<16xf32>
      %select_n3A_912 = arith.select %gt3A_907, %select_n3A_899, %select_n3A_910 : vector<16xi1>, vector<16xi32>
      %select_n3A_913 = arith.select %gt3A_907, %get3A_904, %select_n3A_898 : vector<16xi1>, vector<16xf32>
      %select_n3A_914 = arith.select %gt3A_907, %broadcast_in_dim3A_906, %select_n3A_899 : vector<16xi1>, vector<16xi32>
      %get3A_915 = arith.constant 58 : i32
      %get3A_916 = arith.index_cast %get3A_915 : i32 to index
      %get3A_917 = arith.index_cast %multiple_of3A : i32 to index
      %get3A_918 = tpu.vector_load %arg5[%get3A_916, %get3A_917] {strides = array<i32>} : memref<64x1024xf32, #tpu.memory_space<vmem>>, vector<1x16xf32>,
      %get3A_919 = vector.shape_cast %get3A_918 : vector<1x16xf32> to vector<16xf32>
      %broadcast_in_dim3A_920 = arith.constant 58 : i32
      %broadcast_in_dim3A_921 = vector.broadcast %broadcast_in_dim3A_920 : i32 to vector<16xi32>
      %gt3A_922 = arith.cmpf ogt, %get3A_919, %select_n3A_913 : vector<16xf32>
      %gt3A_923 = arith.cmpf ogt, %get3A_919, %select_n3A_911 : vector<16xf32>
      %select_n3A_924 = arith.select %gt3A_923, %get3A_919, %select_n3A_911 : vector<16xi1>, vector<16xf32>
      %select_n3A_925 = arith.select %gt3A_923, %broadcast_in_dim3A_921, %select_n3A_912 : vector<16xi1>, vector<16xi32>
      %select_n3A_926 = arith.select %gt3A_922, %select_n3A_913, %select_n3A_924 : vector<16xi1>, vector<16xf32>
      %select_n3A_927 = arith.select %gt3A_922, %select_n3A_914, %select_n3A_925 : vector<16xi1>, vector<16xi32>
      %select_n3A_928 = arith.select %gt3A_922, %get3A_919, %select_n3A_913 : vector<16xi1>, vector<16xf32>
      %select_n3A_929 = arith.select %gt3A_922, %broadcast_in_dim3A_921, %select_n3A_914 : vector<16xi1>, vector<16xi32>
      %get3A_930 = arith.constant 59 : i32
      %get3A_931 = arith.index_cast %get3A_930 : i32 to index
      %get3A_932 = arith.index_cast %multiple_of3A : i32 to index
      %get3A_933 = tpu.vector_load %arg5[%get3A_931, %get3A_932] {strides = array<i32>} : memref<64x1024xf32, #tpu.memory_space<vmem>>, vector<1x16xf32>,
      %get3A_934 = vector.shape_cast %get3A_933 : vector<1x16xf32> to vector<16xf32>
      %broadcast_in_dim3A_935 = arith.constant 59 : i32
      %broadcast_in_dim3A_936 = vector.broadcast %broadcast_in_dim3A_935 : i32 to vector<16xi32>
      %gt3A_937 = arith.cmpf ogt, %get3A_934, %select_n3A_928 : vector<16xf32>
      %gt3A_938 = arith.cmpf ogt, %get3A_934, %select_n3A_926 : vector<16xf32>
      %select_n3A_939 = arith.select %gt3A_938, %get3A_934, %select_n3A_926 : vector<16xi1>, vector<16xf32>
      %select_n3A_940 = arith.select %gt3A_938, %broadcast_in_dim3A_936, %select_n3A_927 : vector<16xi1>, vector<16xi32>
      %select_n3A_941 = arith.select %gt3A_937, %select_n3A_928, %select_n3A_939 : vector<16xi1>, vector<16xf32>
      %select_n3A_942 = arith.select %gt3A_937, %select_n3A_929, %select_n3A_940 : vector<16xi1>, vector<16xi32>
      %select_n3A_943 = arith.select %gt3A_937, %get3A_934, %select_n3A_928 : vector<16xi1>, vector<16xf32>
      %select_n3A_944 = arith.select %gt3A_937, %broadcast_in_dim3A_936, %select_n3A_929 : vector<16xi1>, vector<16xi32>
      %get3A_945 = arith.constant 60 : i32
      %get3A_946 = arith.index_cast %get3A_945 : i32 to index
      %get3A_947 = arith.index_cast %multiple_of3A : i32 to index
      %get3A_948 = tpu.vector_load %arg5[%get3A_946, %get3A_947] {strides = array<i32>} : memref<64x1024xf32, #tpu.memory_space<vmem>>, vector<1x16xf32>,
      %get3A_949 = vector.shape_cast %get3A_948 : vector<1x16xf32> to vector<16xf32>
      %broadcast_in_dim3A_950 = arith.constant 60 : i32
      %broadcast_in_dim3A_951 = vector.broadcast %broadcast_in_dim3A_950 : i32 to vector<16xi32>
      %gt3A_952 = arith.cmpf ogt, %get3A_949, %select_n3A_943 : vector<16xf32>
      %gt3A_953 = arith.cmpf ogt, %get3A_949, %select_n3A_941 : vector<16xf32>
      %select_n3A_954 = arith.select %gt3A_953, %get3A_949, %select_n3A_941 : vector<16xi1>, vector<16xf32>
      %select_n3A_955 = arith.select %gt3A_953, %broadcast_in_dim3A_951, %select_n3A_942 : vector<16xi1>, vector<16xi32>
      %select_n3A_956 = arith.select %gt3A_952, %select_n3A_943, %select_n3A_954 : vector<16xi1>, vector<16xf32>
      %select_n3A_957 = arith.select %gt3A_952, %select_n3A_944, %select_n3A_955 : vector<16xi1>, vector<16xi32>
      %select_n3A_958 = arith.select %gt3A_952, %get3A_949, %select_n3A_943 : vector<16xi1>, vector<16xf32>
      %select_n3A_959 = arith.select %gt3A_952, %broadcast_in_dim3A_951, %select_n3A_944 : vector<16xi1>, vector<16xi32>
      %get3A_960 = arith.constant 61 : i32
      %get3A_961 = arith.index_cast %get3A_960 : i32 to index
      %get3A_962 = arith.index_cast %multiple_of3A : i32 to index
      %get3A_963 = tpu.vector_load %arg5[%get3A_961, %get3A_962] {strides = array<i32>} : memref<64x1024xf32, #tpu.memory_space<vmem>>, vector<1x16xf32>,
      %get3A_964 = vector.shape_cast %get3A_963 : vector<1x16xf32> to vector<16xf32>
      %broadcast_in_dim3A_965 = arith.constant 61 : i32
      %broadcast_in_dim3A_966 = vector.broadcast %broadcast_in_dim3A_965 : i32 to vector<16xi32>
      %gt3A_967 = arith.cmpf ogt, %get3A_964, %select_n3A_958 : vector<16xf32>
      %gt3A_968 = arith.cmpf ogt, %get3A_964, %select_n3A_956 : vector<16xf32>
      %select_n3A_969 = arith.select %gt3A_968, %get3A_964, %select_n3A_956 : vector<16xi1>, vector<16xf32>
      %select_n3A_970 = arith.select %gt3A_968, %broadcast_in_dim3A_966, %select_n3A_957 : vector<16xi1>, vector<16xi32>
      %select_n3A_971 = arith.select %gt3A_967, %select_n3A_958, %select_n3A_969 : vector<16xi1>, vector<16xf32>
      %select_n3A_972 = arith.select %gt3A_967, %select_n3A_959, %select_n3A_970 : vector<16xi1>, vector<16xi32>
      %select_n3A_973 = arith.select %gt3A_967, %get3A_964, %select_n3A_958 : vector<16xi1>, vector<16xf32>
      %select_n3A_974 = arith.select %gt3A_967, %broadcast_in_dim3A_966, %select_n3A_959 : vector<16xi1>, vector<16xi32>
      %get3A_975 = arith.constant 62 : i32
      %get3A_976 = arith.index_cast %get3A_975 : i32 to index
      %get3A_977 = arith.index_cast %multiple_of3A : i32 to index
      %get3A_978 = tpu.vector_load %arg5[%get3A_976, %get3A_977] {strides = array<i32>} : memref<64x1024xf32, #tpu.memory_space<vmem>>, vector<1x16xf32>,
      %get3A_979 = vector.shape_cast %get3A_978 : vector<1x16xf32> to vector<16xf32>
      %broadcast_in_dim3A_980 = arith.constant 62 : i32
      %broadcast_in_dim3A_981 = vector.broadcast %broadcast_in_dim3A_980 : i32 to vector<16xi32>
      %gt3A_982 = arith.cmpf ogt, %get3A_979, %select_n3A_973 : vector<16xf32>
      %gt3A_983 = arith.cmpf ogt, %get3A_979, %select_n3A_971 : vector<16xf32>
      %select_n3A_984 = arith.select %gt3A_983, %get3A_979, %select_n3A_971 : vector<16xi1>, vector<16xf32>
      %select_n3A_985 = arith.select %gt3A_983, %broadcast_in_dim3A_981, %select_n3A_972 : vector<16xi1>, vector<16xi32>
      %select_n3A_986 = arith.select %gt3A_982, %select_n3A_973, %select_n3A_984 : vector<16xi1>, vector<16xf32>
      %select_n3A_987 = arith.select %gt3A_982, %select_n3A_974, %select_n3A_985 : vector<16xi1>, vector<16xi32>
      %select_n3A_988 = arith.select %gt3A_982, %get3A_979, %select_n3A_973 : vector<16xi1>, vector<16xf32>
      %select_n3A_989 = arith.select %gt3A_982, %broadcast_in_dim3A_981, %select_n3A_974 : vector<16xi1>, vector<16xi32>
      %get3A_990 = arith.constant 63 : i32
      %get3A_991 = arith.index_cast %get3A_990 : i32 to index
      %get3A_992 = arith.index_cast %multiple_of3A : i32 to index
      %get3A_993 = tpu.vector_load %arg5[%get3A_991, %get3A_992] {strides = array<i32>} : memref<64x1024xf32, #tpu.memory_space<vmem>>, vector<1x16xf32>,
      %get3A_994 = vector.shape_cast %get3A_993 : vector<1x16xf32> to vector<16xf32>
      %broadcast_in_dim3A_995 = arith.constant 63 : i32
      %broadcast_in_dim3A_996 = vector.broadcast %broadcast_in_dim3A_995 : i32 to vector<16xi32>
      %gt3A_997 = arith.cmpf ogt, %get3A_994, %select_n3A_988 : vector<16xf32>
      %gt3A_998 = arith.cmpf ogt, %get3A_994, %select_n3A_986 : vector<16xf32>
      %select_n3A_999 = arith.select %gt3A_998, %get3A_994, %select_n3A_986 : vector<16xi1>, vector<16xf32>
      %select_n3A_1000 = arith.select %gt3A_998, %broadcast_in_dim3A_996, %select_n3A_987 : vector<16xi1>, vector<16xi32>
      %select_n3A_1001 = arith.select %gt3A_997, %select_n3A_988, %select_n3A_999 : vector<16xi1>, vector<16xf32>
      %select_n3A_1002 = arith.select %gt3A_997, %select_n3A_989, %select_n3A_1000 : vector<16xi1>, vector<16xi32>
      %select_n3A_1003 = arith.select %gt3A_997, %get3A_994, %select_n3A_988 : vector<16xi1>, vector<16xf32>
      %select_n3A_1004 = arith.select %gt3A_997, %broadcast_in_dim3A_996, %select_n3A_989 : vector<16xi1>, vector<16xi32>
      %sub3A_1005 = arith.subf %select_n3A_1001, %select_n3A_1003 : vector<16xf32>
      %exp3A = math.exp %sub3A_1005 : vector<16xf32>
      %add3A_1006 = arith.constant 1.000000e+00 : f32
      %add3A_1007 = vector.broadcast %add3A_1006 : f32 to vector<16xf32>
      %add3A_1008 = arith.addf %add3A_1007, %exp3A : vector<16xf32>
      %div3A_1009 = arith.constant 1.000000e+00 : f32
      %div3A_1010 = vector.broadcast %div3A_1009 : f32 to vector<16xf32>
      %div3A_1011 = arith.divf %div3A_1010, %add3A_1008 : vector<16xf32>
      %swap3A = arith.constant 0 : i32
      %swap3A_1012 = arith.index_cast %swap3A : i32 to index
      %swap3A_1013 = arith.index_cast %multiple_of3A : i32 to index
      %swap3A_1014 = tpu.vector_load %arg6[%swap3A_1012, %swap3A_1013] {strides = array<i32>} : memref<2x1024xf32, #tpu.memory_space<vmem>>, vector<1x16xf32>,
      %swap3A_1015 = vector.shape_cast %swap3A_1014 : vector<1x16xf32> to vector<16xf32>
      %swap3A_1016 = vector.shape_cast %div3A_1011 : vector<16xf32> to vector<1x16xf32>
      tpu.vector_store %arg6[%swap3A_1012, %swap3A_1013], %swap3A_1016 {strides = array<i32>} : memref<2x1024xf32, #tpu.memory_space<vmem>>, vector<1x16xf32>,
      %sub3A_1017 = arith.constant 1.000000e+00 : f32
      %sub3A_1018 = vector.broadcast %sub3A_1017 : f32 to vector<16xf32>
      %sub3A_1019 = arith.subf %sub3A_1018, %div3A_1011 : vector<16xf32>
      %swap3A_1020 = arith.constant 1 : i32
      %swap3A_1021 = arith.index_cast %swap3A_1020 : i32 to index
      %swap3A_1022 = arith.index_cast %multiple_of3A : i32 to index
      %swap3A_1023 = tpu.vector_load %arg6[%swap3A_1021, %swap3A_1022] {strides = array<i32>} : memref<2x1024xf32, #tpu.memory_space<vmem>>, vector<1x16xf32>,
      %swap3A_1024 = vector.shape_cast %swap3A_1023 : vector<1x16xf32> to vector<16xf32>
      %swap3A_1025 = vector.shape_cast %sub3A_1019 : vector<16xf32> to vector<1x16xf32>
      tpu.vector_store %arg6[%swap3A_1021, %swap3A_1022], %swap3A_1025 {strides = array<i32>} : memref<2x1024xf32, #tpu.memory_space<vmem>>, vector<1x16xf32>,
      %swap3A_1026 = arith.constant 0 : i32
      %swap3A_1027 = arith.index_cast %swap3A_1026 : i32 to index
      %swap3A_1028 = arith.index_cast %multiple_of3A : i32 to index
      %swap3A_1029 = tpu.vector_load %arg7[%swap3A_1027, %swap3A_1028] {strides = array<i32>} : memref<2x1024xi32, #tpu.memory_space<vmem>>, vector<1x16xi32>,
      %swap3A_1030 = vector.shape_cast %swap3A_1029 : vector<1x16xi32> to vector<16xi32>
      %swap3A_1031 = vector.shape_cast %select_n3A_1004 : vector<16xi32> to vector<1x16xi32>
      tpu.vector_store %arg7[%swap3A_1027, %swap3A_1028], %swap3A_1031 {strides = array<i32>} : memref<2x1024xi32, #tpu.memory_space<vmem>>, vector<1x16xi32>,
      %swap3A_1032 = arith.constant 1 : i32
      %swap3A_1033 = arith.index_cast %swap3A_1032 : i32 to index
      %swap3A_1034 = arith.index_cast %multiple_of3A : i32 to index
      %swap3A_1035 = tpu.vector_load %arg7[%swap3A_1033, %swap3A_1034] {strides = array<i32>} : memref<2x1024xi32, #tpu.memory_space<vmem>>, vector<1x16xi32>,
      %swap3A_1036 = vector.shape_cast %swap3A_1035 : vector<1x16xi32> to vector<16xi32>
      %swap3A_1037 = vector.shape_cast %select_n3A_1002 : vector<16xi32> to vector<1x16xi32>
      tpu.vector_store %arg7[%swap3A_1033, %swap3A_1034], %swap3A_1037 {strides = array<i32>} : memref<2x1024xi32, #tpu.memory_space<vmem>>, vector<1x16xi32>,
    }
    %scan3A_36 = arith.constant 64 : i32
    "tpu.region"() ({
      %run_scoped3A = tpu.sem_alloc : memref<!tpu.dma_semaphore, #tpu.memory_space<semaphore_mem>>
      %dma_start3A = arith.constant 0 : i32
      %dma_start3A_37 = tpu.memref_slice %arg3[%select_n3A, %dma_start3A, %mul3A_32] : memref<4x2x8192xf32, #tpu.memory_space<hbm>> -> memref<1x2x1024xf32, #tpu.memory_space<hbm>>
      %dma_start3A_38 = tpu.memref_squeeze %dma_start3A_37 : memref<1x2x1024xf32, #tpu.memory_space<hbm>> -> memref<2x1024xf32, #tpu.memory_space<hbm>>
      %dma_start3A_39 = arith.constant 0 : i32
      %dma_start3A_40 = tpu.memref_slice %arg3[%select_n3A, %dma_start3A_39, %mul3A_32] : memref<4x2x8192xf32, #tpu.memory_space<hbm>> -> memref<1x2x1024xf32, #tpu.memory_space<hbm>>
      %dma_start3A_41 = tpu.memref_squeeze %dma_start3A_40 : memref<1x2x1024xf32, #tpu.memory_space<hbm>> -> memref<2x1024xf32, #tpu.memory_space<hbm>>
      tpu.enqueue_dma source(%arg6 : memref<2x1024xf32, #tpu.memory_space<vmem>>) target(%dma_start3A_41 : memref<2x1024xf32, #tpu.memory_space<hbm>>) target_semaphore(%run_scoped3A : memref<!tpu.dma_semaphore, #tpu.memory_space<semaphore_mem>>)
      %dma_wait3A = arith.constant 0 : i32
      %dma_wait3A_42 = tpu.memref_slice %arg3[%select_n3A, %dma_wait3A, %mul3A_32] : memref<4x2x8192xf32, #tpu.memory_space<hbm>> -> memref<1x2x1024xf32, #tpu.memory_space<hbm>>
      %dma_wait3A_43 = tpu.memref_squeeze %dma_wait3A_42 : memref<1x2x1024xf32, #tpu.memory_space<hbm>> -> memref<2x1024xf32, #tpu.memory_space<hbm>>
      %dma_wait3A_44 = arith.constant 0 : i32
      %dma_wait3A_45 = tpu.memref_slice %arg3[%select_n3A, %dma_wait3A_44, %mul3A_32] : memref<4x2x8192xf32, #tpu.memory_space<hbm>> -> memref<1x2x1024xf32, #tpu.memory_space<hbm>>
      %dma_wait3A_46 = tpu.memref_squeeze %dma_wait3A_45 : memref<1x2x1024xf32, #tpu.memory_space<hbm>> -> memref<2x1024xf32, #tpu.memory_space<hbm>>
      tpu.wait_dma2 semaphore(%run_scoped3A : memref<!tpu.dma_semaphore, #tpu.memory_space<semaphore_mem>>) src(%arg6 : memref<2x1024xf32, #tpu.memory_space<vmem>>) dst(%dma_wait3A_46 : memref<2x1024xf32, #tpu.memory_space<hbm>>)
      tpu.yield
    }) : () -> ()
    "tpu.region"() ({
      %run_scoped3A = tpu.sem_alloc : memref<!tpu.dma_semaphore, #tpu.memory_space<semaphore_mem>>
      %dma_start3A = arith.constant 0 : i32
      %dma_start3A_37 = tpu.memref_slice %arg4[%select_n3A, %dma_start3A, %mul3A_32] : memref<4x2x8192xi32, #tpu.memory_space<hbm>> -> memref<1x2x1024xi32, #tpu.memory_space<hbm>>
      %dma_start3A_38 = tpu.memref_squeeze %dma_start3A_37 : memref<1x2x1024xi32, #tpu.memory_space<hbm>> -> memref<2x1024xi32, #tpu.memory_space<hbm>>
      %dma_start3A_39 = arith.constant 0 : i32
      %dma_start3A_40 = tpu.memref_slice %arg4[%select_n3A, %dma_start3A_39, %mul3A_32] : memref<4x2x8192xi32, #tpu.memory_space<hbm>> -> memref<1x2x1024xi32, #tpu.memory_space<hbm>>
      %dma_start3A_41 = tpu.memref_squeeze %dma_start3A_40 : memref<1x2x1024xi32, #tpu.memory_space<hbm>> -> memref<2x1024xi32, #tpu.memory_space<hbm>>
      tpu.enqueue_dma source(%arg7 : memref<2x1024xi32, #tpu.memory_space<vmem>>) target(%dma_start3A_41 : memref<2x1024xi32, #tpu.memory_space<hbm>>) target_semaphore(%run_scoped3A : memref<!tpu.dma_semaphore, #tpu.memory_space<semaphore_mem>>)
      %dma_wait3A = arith.constant 0 : i32
      %dma_wait3A_42 = tpu.memref_slice %arg4[%select_n3A, %dma_wait3A, %mul3A_32] : memref<4x2x8192xi32, #tpu.memory_space<hbm>> -> memref<1x2x1024xi32, #tpu.memory_space<hbm>>
      %dma_wait3A_43 = tpu.memref_squeeze %dma_wait3A_42 : memref<1x2x1024xi32, #tpu.memory_space<hbm>> -> memref<2x1024xi32, #tpu.memory_space<hbm>>
      %dma_wait3A_44 = arith.constant 0 : i32
      %dma_wait3A_45 = tpu.memref_slice %arg4[%select_n3A, %dma_wait3A_44, %mul3A_32] : memref<4x2x8192xi32, #tpu.memory_space<hbm>> -> memref<1x2x1024xi32, #tpu.memory_space<hbm>>
      %dma_wait3A_46 = tpu.memref_squeeze %dma_wait3A_45 : memref<1x2x1024xi32, #tpu.memory_space<hbm>> -> memref<2x1024xi32, #tpu.memory_space<hbm>>
      tpu.wait_dma2 semaphore(%run_scoped3A : memref<!tpu.dma_semaphore, #tpu.memory_space<semaphore_mem>>) src(%arg7 : memref<2x1024xi32, #tpu.memory_space<vmem>>) dst(%dma_wait3A_46 : memref<2x1024xi32, #tpu.memory_space<hbm>>)
      tpu.yield
    }) : () -> ()
    return
  }
}

module attributes {stable_mosaic.version = 14 : i64} {
  func.func @_gate_body(%arg0: i32, %arg1: i32, %arg2: memref<1x4096x768xf32, #tpu.memory_space<vmem>>, %arg3: memref<64x768xf32, #tpu.memory_space<vmem>>, %arg4: memref<1x64x4096xf32, #tpu.memory_space<vmem>>) attributes {dimension_semantics = [#tpu.dimension_semantics<arbitrary>, #tpu.dimension_semantics<arbitrary>], iteration_bounds = array<i64: 4, 2>, scalar_prefetch = 0 : i64, scratch_operands = 0 : i64, tpu.core_type = #tpu.core_type<tc>, window_params = [{transform_indices = @transform_0, window_bounds = array<i64: 1, 4096, 768>}, {pipeline_mode = #tpu.pipeline_mode<synchronous>, transform_indices = @transform_1, window_bounds = array<i64: 64, 768>}, {transform_indices = @transform_2, window_bounds = array<i64: 1, 64, 4096>}]} {
    %get3A = arith.constant 0 : index
    %get3A_0 = arith.constant 0 : index
    %get3A_1 = arith.constant 0 : index
    %get3A_2 = vector.load %arg2[%get3A, %get3A_0, %get3A_1] : memref<1x4096x768xf32, #tpu.memory_space<vmem>>, vector<1x4096x768xf32>
    %get3A_3 = vector.shape_cast %get3A_2 : vector<1x4096x768xf32> to vector<4096x768xf32>
    %get3A_4 = arith.constant 0 : index
    %get3A_5 = arith.constant 0 : index
    %get3A_6 = vector.load %arg3[%get3A_4, %get3A_5] : memref<64x768xf32, #tpu.memory_space<vmem>>, vector<64x768xf32>
    %dot_general3A = arith.constant dense<0.000000e+00> : vector<64x4096xf32>
    %dot_general3A_7 = tpu.matmul %get3A_6, %get3A_3, %dot_general3A {dimension_numbers = #tpu.dot_dimension_numbers<[1], [1], [0], [0], [0, 0, 1, 0], [], []>, transpose_lhs_hint = false} : vector<64x768xf32>, vector<4096x768xf32>, vector<64x4096xf32> -> vector<64x4096xf32>
    %swap3A = arith.constant 0 : index
    %swap3A_8 = arith.constant 0 : index
    %swap3A_9 = arith.constant 0 : index
    %swap3A_10 = vector.load %arg4[%swap3A, %swap3A_8, %swap3A_9] : memref<1x64x4096xf32, #tpu.memory_space<vmem>>, vector<1x64x4096xf32>
    %swap3A_11 = vector.shape_cast %swap3A_10 : vector<1x64x4096xf32> to vector<64x4096xf32>
    %swap3A_12 = vector.shape_cast %dot_general3A_7 : vector<64x4096xf32> to vector<1x64x4096xf32>
    tpu.vector_store %arg4[%swap3A, %swap3A_8, %swap3A_9], %swap3A_12 {strides = array<i32>} : memref<1x64x4096xf32, #tpu.memory_space<vmem>>, vector<1x64x4096xf32>,
    return
  }
  func.func @transform_0(%arg0: i32, %arg1: i32) -> (i32, i32, i32) {
    %c0_i32 = arith.constant 0 : i32
    %c0_i32_0 = arith.constant 0 : i32
    return %arg0, %arg1, %c0_i32 : i32, i32, i32
  }
  func.func @transform_1(%arg0: i32, %arg1: i32) -> (i32, i32) {
    %c0_i32 = arith.constant 0 : i32
    %c0_i32_0 = arith.constant 0 : i32
    %c0_i32_1 = arith.constant 0 : i32
    return %c0_i32, %c0_i32_0 : i32, i32
  }
  func.func @transform_2(%arg0: i32, %arg1: i32) -> (i32, i32, i32) {
    %c0_i32 = arith.constant 0 : i32
    %c0_i32_0 = arith.constant 0 : i32
    return %arg0, %c0_i32, %arg1 : i32, i32, i32
  }
}

</mosaic_0001>

<sc_bundles>
// kernel: kernel.4.cloned.1.call-start
scs
__scs_entry_jumppad:
0x0: {  	(pc) =	sbr.rel $0x88, $3  }
0x1: {  	(tag) =	ssettag $0x0;
	lr =	simm.s32 $0x1  }
0x2: {  	[smem:$0x3F9F] =	sst lr;
	_ =	strace $0xD0000000  }
0x3: {  	_ = 	snop  }
0x4: {  	_ = 	snop  }
0x5: {  	_ = 	snop  }
0x6: {  	_ = 	snop  }
0x7: {  	_ = 	snop  }
__scs_overlays_trampoline_lowered:
0x8: {  	[smem:$0x3FAE] =	sst s0  }
0x9: {  	[smem:$0x3FAF] =	sst s1  }
0xa: {  	[smem:$0x3FB0] =	sst s2  }
0xb: {  	[smem:$0x3FB1] =	sst s3  }
0xc: {  	[smem:$0x3FB2] =	sst s4  }
0xd: {  	[smem:$0x3FB3] =	sst s5  }
0xe: {  	[smem:$0x3FB4] =	sst s6  }
0xf: {  	[smem:$0x3FB5] =	sst s7  }
0x10: {  	[smem:$0x3FB6] =	sst s8  }
0x11: {  	[smem:$0x3FB7] =	sst s9;
	s0 =	simm.s32 @!p0 $0x0  }
0x12: {  	s1 =	sld [smem:$0x3F9D];
	s0 =	simm.s32 @p0 $0x1  }
0x13: {  	[smem:$0x3FB8] =	sst s0;
	s0 =	simm.s32 @!p1 $0x0  }
0x14: {  	s2 =	sld [smem:$0x3F9C];
	s0 =	simm.s32 @p1 $0x1  }
0x15: {  	[smem:$0x3FB9] =	sst s0;
	s0 =	simm.s32 @!p2 $0x0  }
0x16: {  	s3 =	sld [smem:$0x3FDB];
	s0 =	simm.s32 @p2 $0x1  }
0x17: {  	s4 =	simm.s32 $0x1BF5;
	[smem:$0x3FBB] =	sst s0  }
0x18: {  	s0 =	sld [smem:$0x3F9E];
	_ =	swait.ge [sflag:s4], $0x0  }
0x19: {  	s7 =	sld [smem:$0x3F9F]  }
0x1a: {  	s8 =	sadd.s32 $0xFFFFE003, lr  }
0x1b: {  	s9 =	sadd.s32 $0xFFFFFEF7, lr;
	s5 =	simm.s32 $0xFFFFFFFF;
	p2 =	slt.u32 s8, $0xFFFFF086  }
0x1c: {  	p1 =	slt.u32 s9, $0xF7A;
	s5 =	simm.s32 @!p2 $0x0  }
0x1d: {  	s5 =	simm.s32 @p1 $0x1;
	p0 =	seq.s32 s7, s2  }
0x1e: {  	s7 =	smul.u32 @!p0 $0xF7A, s2;
	p2 =	seq.s32 @!p0 s5, $0x0  }
0x1f: {  	s9 =	smul.u32 $0xF7A, s1;
	s8 =	simm.s32 @!p0 $0x1BF5;
	p2 =	por !p2, p0  }
0x20: {  	[sflag:s8] =	ssyncset.s32 @!p0 $0xFFFFF086;
	s6 =	sadd.s32 @!p0 s3, s7;
	s7 =	simm.s32 @!p0 $0x108  }
0x21: {  	s3 =	sadd.s32 s3, s9;
	s6 =	sadd.s32 @!p0 $0x88, s6;
	s7 =	simm.s32 @p2 $0x1082  }
0x22: {  	[simem:s7], [sflag:s8] =	dma.local @!p0 [hbm:s6], $0xF7A  }
0x23: {  	s9 =	sor.u32 $0xD0000000, s2;
	s6 =	simm.s32 $0x108;
	_ =	swait.ge @!p0 [sflag:s8], $0x0  }
0x24: {  	s3 =	sadd.s32 $0x88, s3;
	s6 =	simm.s32 @!p1 $0x1082;
	[sflag:s4] =	ssyncset.s32 $0xFFFFF086  }
0x25: {  	[simem:s6], [sflag:s4] =	dma.local [hbm:s3], $0xF7A  }
0x26: {  	[smem:$0x3F9F] =	sst s1;
	(tag) =	ssettag s2;
	_ =	strace s9  }
0x27: {  	s1 =	sld [smem:$0x3FAF]  }
0x28: {  	s2 =	sld [smem:$0x3FB0]  }
0x29: {  	s4 =	sld [smem:$0x3FB2]  }
0x2a: {  	p0 =	seq.s32 s5, $0x0;
	s5 =	sld [smem:$0x3FB3]  }
0x2b: {  	s6 =	sld [smem:$0x3FB4]  }
0x2c: {  	s7 =	sld [smem:$0x3FB5]  }
0x2d: {  	s3 =	simm.s32 $0x108;
	s8 =	sld [smem:$0x3FB6]  }
0x2e: {  	s3 =	simm.s32 @!p0 $0x1082;
	s9 =	sld [smem:$0x3FB7]  }
0x2f: {  	lr =	sadd.s32 s0, s3;
	s0 =	sld [smem:$0x3FAE]  }
0x30: {  	s3 =	sld [smem:$0x3FB1]  }
0x31: {  	[smem:$0x3FBA] =	sst s10  }
0x32: {  	s10 =	sld [smem:$0x3FB8];
	_ =	sdelay $0x3  }
0x33: {  	p0 =	seq.s32 s10, $0x1;
	s10 =	sld [smem:$0x3FBA];
	_ =	sdelay $0x3  }
0x34: {  	[smem:$0x3FBA] =	sst s10  }
0x35: {  	s10 =	sld [smem:$0x3FB9];
	_ =	sdelay $0x3  }
0x36: {  	p1 =	seq.s32 s10, $0x1;
	s10 =	sld [smem:$0x3FBA];
	_ =	sdelay $0x3  }
0x37: {  	[smem:$0x3FBA] =	sst s10  }
0x38: {  	s10 =	sld [smem:$0x3FBB]  }
0x39: {  	_ = 	snop;
	(pc) =	sbr.ind lr, $3  }
0x3a: {  	_ = 	snop  }
0x3b: {  	_ = 	snop  }
0x3c: {  	p2 =	seq.s32 s10, $0x1;
	s10 =	sld [smem:$0x3FBA]  }
0x3d: {  	_ =	shalt  }
0x3e: {  	_ =	shalt  }
0x3f: {  	_ =	shalt  }
0x40: {  	_ =	shalt  }
0x41: {  	_ =	shalt  }
0x42: {  	_ =	shalt  }
0x43: {  	_ =	shalt  }
0x44: {  	_ =	shalt  }
0x45: {  	_ =	shalt  }
0x46: {  	_ =	shalt  }
0x47: {  	_ =	shalt  }
0x48: {  	_ =	shalt  }
0x49: {  	_ =	shalt  }
0x4a: {  	_ =	shalt  }
0x4b: {  	_ =	shalt  }
0x4c: {  	_ =	shalt  }
0x4d: {  	_ =	shalt  }
0x4e: {  	_ =	shalt  }
0x4f: {  	_ =	shalt  }
0x50: {  	_ =	shalt  }
0x51: {  	_ =	shalt  }
0x52: {  	_ =	shalt  }
0x53: {  	_ =	shalt  }
0x54: {  	_ =	shalt  }
0x55: {  	_ =	shalt  }
0x56: {  	_ =	shalt  }
0x57: {  	_ =	shalt  }
0x58: {  	_ =	shalt  }
0x59: {  	_ =	shalt  }
0x5a: {  	_ =	shalt  }
0x5b: {  	_ =	shalt  }
0x5c: {  	_ =	shalt  }
0x5d: {  	_ =	shalt  }
0x5e: {  	_ =	shalt  }
0x5f: {  	_ =	shalt  }
0x60: {  	_ =	shalt  }
0x61: {  	_ =	shalt  }
0x62: {  	_ =	shalt  }
0x63: {  	_ =	shalt  }
0x64: {  	_ =	shalt  }
0x65: {  	_ =	shalt  }
0x66: {  	_ =	shalt  }
0x67: {  	_ =	shalt  }
0x68: {  	_ =	shalt  }
0x69: {  	_ =	shalt  }
0x6a: {  	_ =	shalt  }
0x6b: {  	_ =	shalt  }
0x6c: {  	_ =	shalt  }
0x6d: {  	_ =	shalt  }
0x6e: {  	_ =	shalt  }
0x6f: {  	_ =	shalt  }
0x70: {  	_ =	shalt  }
0x71: {  	_ =	shalt  }
0x72: {  	_ =	shalt  }
0x73: {  	_ =	shalt  }
0x74: {  	_ =	shalt  }
0x75: {  	_ =	shalt  }
0x76: {  	_ =	shalt  }
0x77: {  	_ =	shalt  }
0x78: {  	_ =	shalt  }
0x79: {  	_ =	shalt  }
0x7a: {  	_ =	shalt  }
0x7b: {  	_ =	shalt  }
0x7c: {  	_ =	shalt  }
0x7d: {  	_ =	shalt  }
0x7e: {  	_ =	shalt  }
0x7f: {  	_ =	shalt  }
0x80: {  	_ =	shalt  }
0x81: {  	_ =	shalt  }
0x82: {  	_ =	shalt  }
0x83: {  	_ =	shalt  }
0x84: {  	_ =	shalt  }
0x85: {  	_ =	shalt  }
0x86: {  	_ =	shalt  }
0x87: {  	_ =	shalt  }
.Lfunc_end0:
.L_simem_size_0:
called_computation_lowered:
.L_overlay_start_0:
0x88: {  	s2 =	sld [smem:$0x3FD9]  }
0x89: {  	s3 =	sld [smem:$0x3FFE];
	_ =	sdelay $0x1  }
0x8a: {  	s1 =	srdreg.scid  }
0x8b: {  	s0 =	sand.u32 $0x1, s1  }
0x8c: {  	s15 =	sshll.u32 s0, $0xA;
	s2 =	sadd.s32 s3, s2  }
0x8d: {  	s2 =	sadd.s32 s2, s15  }
0x8e: {  	[smem:$0x3FC6] =	sst s2  }
0x8f: {  	_ = 	snop  }
0x90: {  	s2 =	sld [smem:$0x3FD0];
	_ =	sdelay $0x2  }
0x91: {  	s16 =	simm.s32 $0xA;
	s4 =	simm.s32 $0x10  }
0x92: {  	[smem:s4], [sflag:s16] =	dma.local [hbm:s2], $0x1  }
0x93: {  	_ =	swait.eq [sflag:s16], $0x1  }
0x94: {  	s17 =	sld [smem:$0x10];
	[sflag:s16] =	ssyncset.done $0x0  }
0x95: {  	s18 =	sld [smem:$0x11];
	[sflag:s16] =	ssyncadd.s32 $0xFFFFFFFF  }
0x96: {  	s19 =	sld [smem:$0x12];
	(tm) =	ssettm $0x1  }
0x97: {  	s5 =	sld [smem:$0x3FFB];
	_ =	sdelay $0x3  }
0x98: {  	_ =	strace s5  }
0x99: {  	s5 =	sld [smem:$0x3FFC];
	_ =	sdelay $0x3  }
0x9a: {  	_ =	strace s5  }
0x9b: {  	s5 =	sld [smem:$0x3FFD];
	_ =	sdelay $0x3  }
0x9c: {  	_ =	strace s5  }
0x9d: {  	_ =	strace $0x8FFFFFFF  }
0x9e: {  	s20 =	sld [smem:$0x3FDB];
	_ =	sdelay $0x1  }
0x9f: {  	s6 =	simm.s32 $_scs_section_size  }
0xa0: {  	s7 =	simm.s32 $_size__tile_overlayer_lowered;
	s8 =	simm.s32 $_tile_overlayer_lowered  }
0xa1: {  	s23 =	simm.s32 $0x1BFF;
	s22 =	sshll.u32 s8, $0x1;
	s5 =	sadd.s32 s6, s20  }
0xa2: {  	s9 =	simm.s32 $0x0;
	s21 =	sshll.u32 s7, $0x1;
	s7 =	sadd.s32 s22, s5  }
0xa3: {  	[timem:s9], [sflag:s23] =	dma.local [hbm:s7], s21  }
0xa4: {  	_ =	swait.ge [sflag:s23], s21  }
0xa5: {  	s6 =	ssub.s32 $0x0, s21;
	[sflag:s23] =	ssyncset.done $0x0  }
0xa6: {  	[sflag:s23] =	ssyncadd.s32 s6;
	_ =	sdelay $0x1  }
0xa7: {  	s24 =	simm.s32 $0x1B8B  }
0xa8: {  	_ =	swait.ge [sflag:s24], $0x1  }
0xa9: {  	[sflag:s24] =	ssyncset.done $0x0  }
0xaa: {  	s25 =	simm.s32 $0x1B8E;
	[sflag:s24] =	ssyncadd.s32 $0xFFFFFFFF  }
0xab: {  	s26 =	simm.s32 $execute0_lowered;
	[smem:$0x3FD2] =	sst s25  }
0xac: {  	s6 =	sshll.u32 s26, $0x1;
	_ =	strace $0x80000046;
	[dreg:$0x1] =	wrdreg $0xFFFFFFFF  }
0xad: {  	s28 =	simm.s32 $_size_execute0_lowered;
	s5 =	sadd.s32 s5, s6;
	[dreg:$0x0] =	wrdreg $0x0  }
0xae: {  	s6 =	sshll.u32 s28, $0x1;
	[dreg:$0x2] =	wrdreg s5  }
0xaf: {  	[dreg:$0x3] =	wrdreg s6  }
0xb0: {  	[dreg:$0x4] =	wrdreg $0xC0  }
0xb1: {  	_ =	task [dreg:s9], $0x5FFFF  }
0xb2: {  	[dreg:$0x1] =	wrdreg $0xFFFFFFFF  }
0xb3: {  	[dreg:$0x0] =	wrdreg $0x60  }
0xb4: {  	[dreg:$0x2] =	wrdreg s19  }
0xb5: {  	[dreg:$0x3] =	wrdreg s17  }
0xb6: {  	[dreg:$0x4] =	wrdreg s18  }
0xb7: {  	[dreg:$0x5] =	wrdreg $0x9  }
0xb8: {  	_ =	task.clear_ibuf [dreg:s9], $0x6FFFF;
	_ =	strace $0x90000046  }
0xb9: {  	s29 =	simm.s32 $0x9;
	_ =	strace $0x80000048  }
0xba: {  	_ =	swait.ge [sflag:s29], $0x1  }
0xbb: {  	[sflag:s29] =	ssyncadd.s32 $0xFFFFFFFF  }
0xbc: {  	_ =	strace $0x90000048  }
0xbd: {  	_ =	sfence  }
0xbe: {  	s30 =	sld [smem:$0x0];
	_ =	sdelay $0x2  }
0xbf: {  	s31 =	sshll.u32 s1, $0xD;
	s1 =	sshrl.u32 s1, $0x2  }
0xc0: {  	s3 =	sand.u32 $0x4000, s31;
	s1 =	sadd.s32 s1, s30  }
0xc1: {  	s0 =	sor.u32 s3, s0;
	s1 =	sshll.u32 s1, $0x11  }
0xc2: {  	s0 =	sor.u32 s1, s0  }
0xc3: {  	s0 =	sadd.s32 $0x8F2B, s0  }
0xc4: {  	[sflag:s0] =	ssyncadd.remote.s32 $0x1  }
0xc5: {  	_ =	sfence.sel $0xFFFF  }
0xc6: {  	[dreg:$0x0] =	wrdreg $0xFFFFFFFF;
	(pc) =	sbr.abs _section_cstart, $3  }
0xc7: {  	[dreg:$0x1] =	wrdreg $0xFFFFFFFF  }
0xc8: {  	_ =	task.clear_ibuf [dreg:s9], $0x2FFFF;
	_ =	strace $0x9FFFFFFF  }
0xc9: {  	(tm) =	ssettm $0x7FFFFFFF  }
tec
execute0_lowered:
.L_overlay_start_1:
0x0: {  	(tag) =	ssettag $0x1  }
0x1: {  	s3 =	rddreg [dreg:$0x0]  }
0x2: {  	s4 =	rddreg [dreg:$0x1]  }
0x3: {  	s5 =	rddreg [dreg:$0x2]  }
0x4: {  	s0 =	rddreg [dreg:$0x3];
	s6 =	srdreg.scid  }
0x5: {  	s2 =	simm.s32 $0x0;
	s1 =	stileid.u32;
	s11 =	simm.s32 $0x0  }
0x6: {  	s6 =	sand.u32 $0x1, s6;
	[smem:$0x7FF] =	sst s2;
	s8 =	sshll.u32 s1, $0x1  }
0x7: {  	s31 =	sshrl.u32 s1, $0x2;
	s7 =	ssub.s32 $0x2, s6;
	_ =	strace $0x80000047  }
0x8: {  	s8 =	sand.u32 $0x6, s8;
	s10 =	sshll.u32 s31, $0x10;
	s9 =	sshrl.u32 s7, $0x1  }
0x9: {  	s6 =	sor.u32 s6, s8;
	s3 =	sadd.s32 s3, s10;
	s7 =	ssub.s32 s7, s9  }
0xa: {  	s8 =	sshll.u32 s6, $0x8;
	s9 =	sshll.u32 s31, $0xB;
	s6 =	sshll.u32 s6, $0xA  }
0xb: {  	s10 =	simm.s32 $0x10800;
	s8 =	sor.u32 s9, s8;
	s3 =	sadd.s32 s6, s3  }
0xc: {  	s6 =	smax.u32 s7, $0x1;
	s7 =	simm.s32 $0x2000;
	s9 =	simm.s32 $0x1  }
0xd: {  	v0 =	vimm.s32 $0x0;
	s4 =	sadd.s32 s4, s8;
	s5 =	sadd.s32 s5, s8;
	s8 =	simm.s32 $0x10000  }
.LBB2_1:
0xe: {  	[tilespmem:s2], [sflag:$0x1] =	stream.strided.gather [hbm4b:s3+s7], $0x10000, s8, s7, $0x38;
	[tilespmem:$0x11000] =	vst v63  }
0xf: {  	s13 =	simm.s32 $0x0;
	_ =	swait.ge [sflag:s9], $0x10000  }
0x10: {  	s12 =	sand.u32 $0x70, s2;
	s13 =	sand.u32 $0x3FFFFC00, s13;
	[sflag:s9] =	ssyncset.done $0x0  }
0x11: {  	s13 =	sor.u32 s12, s13;
	[sflag:s9] =	ssyncadd.s32 $0xFFFF0000  }
0x12: {  	v1 =	vld [tilespmem:s13+$0x0]  }
0x13: {  	v2 =	vld [tilespmem:s13+$0x80];
	_ =	sdelay $0x3  }
0x14: {  	v3 =	vld [tilespmem:s13+$0x100];
	vm0 =	vgt.f32 v1, $-Inf  }
0x15: {  	vm8 =	vlt.f32 v2, $-Inf;
	vm1 =	vgt.f32 v2, $-Inf;
	v1 =	vnsel vm0, $0xFF800000, v1  }
0x16: {  	v4 =	vimm.s32 $0x0;
	vm13 =	vmor vm1, vm8;
	vm2 =	vgt.f32 v2, v1  }
0x17: {  	v5 =	vld [tilespmem:s13+$0x180];
	v15 =	vnsel vm13, $0xFF800000, v2;
	v4 =	vsel vm2, $0xFFFFFFFF, v4;
	vm1 =	vmneg vm2  }
0x18: {  	[tilespmem:$0x1FC90] =	vst v4;
	v4 =	vsel vm1, v15, v1  }
0x19: {  	v1 =	vsel vm1, v1, v2;
	vm14 =	vgt.f32 v3, v4  }
0x1a: {  	v16 =	vld [tilespmem:s13+$0x200];
	vm2 =	vgt.f32 v3, v1;
	v2 =	vsel vm14, v3, v4  }
0x1b: {  	v2 =	vsel vm2, v1, v2  }
0x1c: {  	v1 =	vsel vm2, v3, v1;
	vm15 =	vgt.f32 v5, v2  }
0x1d: {  	v3 =	vld [tilespmem:s13+$0x280];
	vm3 =	vgt.f32 v5, v1;
	v2 =	vsel vm15, v5, v2  }
0x1e: {  	v2 =	vsel vm3, v1, v2  }
0x1f: {  	v1 =	vsel vm3, v5, v1;
	vm9 =	vgt.f32 v16, v2  }
0x20: {  	v18 =	vld [tilespmem:s13+$0x300];
	vm4 =	vgt.f32 v16, v1;
	v2 =	vsel vm9, v16, v2  }
0x21: {  	v2 =	vsel vm4, v1, v2  }
0x22: {  	v1 =	vsel vm4, v16, v1;
	vm10 =	vgt.f32 v3, v2  }
0x23: {  	v17 =	vimm.s32 $0x0;
	vm5 =	vgt.f32 v3, v1;
	v2 =	vsel vm10, v3, v2  }
0x24: {  	v19 =	vimm.s32 $0x0;
	v21 =	vimm.s32 $0x0;
	v20 =	vld [tilespmem:s13+$0x380];
	v2 =	vsel vm5, v1, v2  }
0x25: {  	v1 =	vsel vm5, v3, v1;
	v3 =	vimm.s32 $0x0;
	vm11 =	vgt.f32 v18, v2  }
0x26: {  	v23 =	vimm.s32 $0x0;
	v25 =	vimm.s32 $0x0;
	v3 =	vsel vm11, $0xFFFFFFFF, v3  }
0x27: {  	v27 =	vimm.s32 $0x0;
	vm6 =	vgt.f32 v18, v1;
	v2 =	vsel vm11, v18, v2;
	[tilespmem:$0x1FCC0] =	vst v3;
	v3 =	vld [tilespmem:s13+$0x2000]  }
0x28: {  	v29 =	vimm.s32 $0x0;
	v33 =	vimm.s32 $0x0;
	v2 =	vsel vm6, v1, v2  }
0x29: {  	v36 =	vimm.s32 $0x0;
	v1 =	vsel vm6, v18, v1;
	vm12 =	vgt.f32 v20, v2  }
0x2a: {  	v39 =	vimm.s32 $0x0;
	v22 =	vld [tilespmem:s13+$0x2080];
	vm7 =	vgt.f32 v20, v1;
	v2 =	vsel vm12, v20, v2  }
0x2b: {  	v42 =	vimm.s32 $0x0;
	v45 =	vimm.s32 $0x0;
	v2 =	vsel vm7, v1, v2  }
0x2c: {  	v4 =	vsel vm10, $0xFFFFFFFF, v19;
	v1 =	vsel vm7, v20, v1;
	vm8 =	vgt.f32 v3, v2  }
0x2d: {  	[tilespmem:$0x1FCB0] =	vst v4;
	v4 =	vsel vm8, $0xFFFFFFFF, v23;
	v2 =	vsel vm8, v3, v2;
	vm8 =	vgt.f32 v3, v1  }
0x2e: {  	v48 =	vimm.s32 $0x0;
	v24 =	vld [tilespmem:s13+$0x2100];
	v5 =	vsel vm9, $0xFFFFFFFF, v17;
	v2 =	vsel vm8, v1, v2  }
0x2f: {  	v1 =	vsel vm8, v3, v1;
	v3 =	vimm.s32 $0x0;
	vm9 =	vgt.f32 v22, v2  }
0x30: {  	v51 =	vimm.s32 $0x0;
	v54 =	vimm.s32 $0x0;
	v3 =	vsel vm9, $0xFFFFFFFF, v3  }
0x31: {  	v57 =	vimm.s32 $0x0;
	v2 =	vsel vm9, v22, v2;
	vm9 =	vgt.f32 v22, v1;
	[tilespmem:$0x1FCF0] =	vst v3;
	v3 =	vld [tilespmem:s13+$0x2180]  }
0x32: {  	v60 =	vimm.s32 $0x0;
	v63 =	vimm.s32 $0x0;
	v2 =	vsel vm9, v1, v2  }
0x33: {  	[tilespmem:$0x1FCA0] =	vst v5;
	v5 =	vsel vm12, $0xFFFFFFFF, v21;
	v1 =	vsel vm9, v22, v1;
	vm10 =	vgt.f32 v24, v2  }
0x34: {  	v26 =	vld [tilespmem:s13+$0x2200];
	[tilespmem:$0x1FCD0] =	vst v5;
	v5 =	vsel vm10, $0xFFFFFFFF, v25;
	v2 =	vsel vm10, v24, v2;
	vm10 =	vgt.f32 v24, v1  }
0x35: {  	v13 =	vimm.s32 $0x0;
	vm13 =	vmand vm13, vm1;
	v31 =	vld [tilespmem:$0x1FC90];
	v2 =	vsel vm10, v1, v2  }
0x36: {  	v6 =	vsel vm13, $0x1, v0;
	v1 =	vsel vm10, v24, v1;
	vm11 =	vgt.f32 v3, v2  }
0x37: {  	[tilespmem:$0x1FCE0] =	vst v4;
	v4 =	vsel vm11, $0xFFFFFFFF, v27;
	v2 =	vsel vm11, v3, v2;
	vm11 =	vgt.f32 v3, v1  }
0x38: {  	v8 =	vimm.s32 $0x0;
	v28 =	vld [tilespmem:s13+$0x2280];
	v6 =	vsel vm14, $0x2, v6;
	v2 =	vsel vm11, v1, v2  }
0x39: {  	v1 =	vsel vm11, v3, v1;
	v3 =	vimm.s32 $0x0;
	vm12 =	vgt.f32 v26, v2  }
0x3a: {  	vm13 =	vnez.u8 v31;
	v31 =	vimm.s32 $0x0;
	v3 =	vsel vm12, $0xFFFFFFFF, v3  }
0x3b: {  	v16 =	vimm.s32 $0x0;
	v2 =	vsel vm12, v26, v2;
	vm12 =	vgt.f32 v26, v1;
	[tilespmem:$0x1FD20] =	vst v3;
	v3 =	vld [tilespmem:s13+$0x2300]  }
0x3c: {  	v19 =	vimm.s32 $0x0;
	v22 =	vimm.s32 $0x0;
	v2 =	vsel vm12, v1, v2  }
0x3d: {  	[tilespmem:$0x1FD10] =	vst v4;
	v4 =	vsel vm13, $0x1, v0;
	v1 =	vsel vm12, v26, v1;
	vm0 =	vgt.f32 v28, v2  }
0x3e: {  	v30 =	vld [tilespmem:s13+$0x2380];
	[tilespmem:$0x1FD00] =	vst v5;
	v5 =	vsel vm0, $0xFFFFFFFF, v29;
	v2 =	vsel vm0, v28, v2;
	vm0 =	vgt.f32 v28, v1  }
0x3f: {  	v25 =	vimm.s32 $0x0;
	v6 =	vsel vm2, v4, v6;
	v2 =	vsel vm0, v1, v2  }
0x40: {  	v34 =	vld [tilespmem:$0x1FCA0];
	v4 =	vsel vm2, $0x2, v4;
	v1 =	vsel vm0, v28, v1;
	vm14 =	vgt.f32 v3, v2  }
0x41: {  	v37 =	vld [tilespmem:$0x1FCB0];
	v28 =	vimm.s32 $0x0;
	vm1 =	vgt.f32 v3, v1;
	v2 =	vsel vm14, v3, v2  }
0x42: {  	v7 =	vld [tilespmem:s13+$0x4000];
	v2 =	vsel vm1, v1, v2;
	v1 =	vsel vm1, v3, v1;
	v3 =	vsel vm15, $0x3, v6  }
0x43: {  	vm13 =	vgt.f32 v30, v2;
	vm2 =	vgt.f32 v30, v1;
	v3 =	vsel vm3, v4, v3  }
0x44: {  	v40 =	vld [tilespmem:$0x1FCC0];
	v4 =	vsel vm3, $0x3, v4;
	v2 =	vsel vm13, v30, v2;
	vm15 =	vmmov vm13  }
0x45: {  	vm13 =	vnez.u8 v34;
	v34 =	vimm.s32 $0x0;
	v2 =	vsel vm2, v1, v2  }
0x46: {  	v32 =	vld [tilespmem:s13+$0x4080];
	v1 =	vsel vm2, v30, v1;
	v3 =	vsel vm13, $0x4, v3;
	vm13 =	vnez.u8 v37  }
0x47: {  	v43 =	vld [tilespmem:$0x1FCD0];
	v37 =	vimm.s32 $0x0;
	vm3 =	vgt.f32 v7, v2;
	v3 =	vsel vm4, v4, v3  }
0x48: {  	[tilespmem:$0x1FD30] =	vst v5;
	v4 =	vsel vm4, $0x4, v4;
	v5 =	vsel vm3, $0xFFFFFFFF, v33;
	v2 =	vsel vm3, v7, v2  }
0x49: {  	v35 =	vld [tilespmem:s13+$0x4100];
	vm3 =	vgt.f32 v7, v1;
	v3 =	vsel vm13, $0x5, v3;
	vm13 =	vnez.u8 v40  }
0x4a: {  	v46 =	vld [tilespmem:$0x1FCE0];
	v2 =	vsel vm3, v1, v2;
	v1 =	vsel vm3, v7, v1;
	v3 =	vsel vm5, v4, v3  }
0x4b: {  	v4 =	vsel vm5, $0x5, v4;
	vm4 =	vgt.f32 v32, v2;
	v3 =	vsel vm13, $0x6, v3  }
0x4c: {  	vm13 =	vnez.u8 v43;
	v7 =	vsel vm4, $0xFFFFFFFF, v36;
	v2 =	vsel vm4, v32, v2  }
0x4d: {  	v49 =	vld [tilespmem:$0x1FCF0];
	vm4 =	vgt.f32 v32, v1;
	v3 =	vsel vm6, v4, v3;
	v4 =	vsel vm6, $0x6, v4  }
0x4e: {  	v38 =	vld [tilespmem:s13+$0x4180];
	v2 =	vsel vm4, v1, v2;
	v1 =	vsel vm4, v32, v1;
	v3 =	vsel vm13, $0x7, v3  }
0x4f: {  	v52 =	vld [tilespmem:$0x1FD00];
	vm13 =	vnez.u8 v46;
	v46 =	vimm.s32 $0x0;
	vm5 =	vgt.f32 v35, v2  }
0x50: {  	v3 =	vsel vm7, v4, v3;
	v4 =	vsel vm7, $0x7, v4;
	v6 =	vsel vm5, $0xFFFFFFFF, v39  }
0x51: {  	v2 =	vsel vm5, v35, v2;
	vm5 =	vgt.f32 v35, v1;
	v3 =	vsel vm13, $0x8, v3  }
0x52: {  	vm13 =	vnez.u8 v49;
	v49 =	vimm.s32 $0x0;
	v2 =	vsel vm5, v1, v2  }
0x53: {  	v55 =	vld [tilespmem:$0x1FD10];
	v1 =	vsel vm5, v35, v1;
	v3 =	vsel vm8, v4, v3;
	v4 =	vsel vm8, $0x8, v4  }
0x54: {  	v41 =	vld [tilespmem:s13+$0x4200];
	vm6 =	vgt.f32 v38, v2;
	v3 =	vsel vm13, $0x9, v3;
	vm13 =	vnez.u8 v52  }
0x55: {  	[tilespmem:$0x1FD40] =	vst v5;
	v52 =	vimm.s32 $0x0;
	v5 =	vsel vm6, $0xFFFFFFFF, v42;
	v2 =	vsel vm6, v38, v2  }
0x56: {  	v58 =	vld [tilespmem:$0x1FD20];
	vm6 =	vgt.f32 v38, v1;
	v3 =	vsel vm9, v4, v3;
	v4 =	vsel vm9, $0x9, v4  }
0x57: {  	v44 =	vld [tilespmem:s13+$0x4280];
	v42 =	vimm.s32 $0x0;
	v2 =	vsel vm6, v1, v2;
	v1 =	vsel vm6, v38, v1  }
0x58: {  	v3 =	vsel vm13, $0xA, v3;
	vm13 =	vnez.u8 v55;
	v55 =	vimm.s32 $0x0  }
0x59: {  	v47 =	vld [tilespmem:s13+$0x4300];
	vm7 =	vgt.f32 v41, v2;
	v3 =	vsel vm10, v4, v3;
	v4 =	vsel vm10, $0xA, v4  }
0x5a: {  	v61 =	vld [tilespmem:$0x1FD30];
	[tilespmem:$0x1FD50] =	vst v7;
	v7 =	vsel vm7, $0xFFFFFFFF, v45;
	v2 =	vsel vm7, v41, v2;
	vm7 =	vgt.f32 v41, v1  }
0x5b: {  	v3 =	vsel vm13, $0xB, v3;
	vm13 =	vnez.u8 v58;
	v2 =	vsel vm7, v1, v2  }
0x5c: {  	v1 =	vsel vm7, v41, v1;
	v3 =	vsel vm11, v4, v3;
	vm8 =	vgt.f32 v44, v2  }
0x5d: {  	v50 =	vld [tilespmem:s13+$0x4380];
	[tilespmem:$0x1FD60] =	vst v6;
	v6 =	vsel vm8, $0xFFFFFFFF, v48;
	v2 =	vsel vm8, v44, v2;
	vm8 =	vgt.f32 v44, v1  }
0x5e: {  	v4 =	vsel vm11, $0xB, v4;
	v3 =	vsel vm13, $0xC, v3;
	v2 =	vsel vm8, v1, v2  }
0x5f: {  	vm13 =	vnez.u8 v61;
	v1 =	vsel vm8, v44, v1;
	vm9 =	vgt.f32 v47, v2  }
0x60: {  	v53 =	vld [tilespmem:s13+$0x6000];
	[tilespmem:$0x1FD70] =	vst v5;
	v5 =	vsel vm9, $0xFFFFFFFF, v51;
	v2 =	vsel vm9, v47, v2;
	vm9 =	vgt.f32 v47, v1  }
0x61: {  	v3 =	vsel vm12, v4, v3;
	v4 =	vsel vm12, $0xC, v4;
	v2 =	vsel vm9, v1, v2  }
0x62: {  	v3 =	vsel vm13, $0xD, v3;
	v1 =	vsel vm9, v47, v1;
	vm10 =	vgt.f32 v50, v2  }
0x63: {  	v56 =	vld [tilespmem:s13+$0x6080];
	[tilespmem:$0x1FD80] =	vst v7;
	v7 =	vsel vm10, $0xFFFFFFFF, v54;
	v2 =	vsel vm10, v50, v2;
	vm10 =	vgt.f32 v50, v1  }
0x64: {  	v3 =	vsel vm0, v4, v3;
	v4 =	vsel vm0, $0xD, v4;
	v2 =	vsel vm10, v1, v2  }
0x65: {  	v3 =	vsel vm14, $0xE, v3;
	v1 =	vsel vm10, v50, v1;
	vm11 =	vgt.f32 v53, v2  }
0x66: {  	v59 =	vld [tilespmem:s13+$0x6100];
	[tilespmem:$0x1FD90] =	vst v6;
	v6 =	vsel vm11, $0xFFFFFFFF, v57;
	v2 =	vsel vm11, v53, v2;
	vm11 =	vgt.f32 v53, v1  }
0x67: {  	v3 =	vsel vm1, v4, v3;
	v4 =	vsel vm1, $0xE, v4;
	v2 =	vsel vm11, v1, v2  }
0x68: {  	v11 =	vld [tilespmem:$0x1FD40];
	v3 =	vsel vm15, $0xF, v3;
	v1 =	vsel vm11, v53, v1;
	vm12 =	vgt.f32 v56, v2  }
0x69: {  	[tilespmem:$0x1FDA0] =	vst v5;
	v5 =	vsel vm12, $0xFFFFFFFF, v60;
	v2 =	vsel vm12, v56, v2;
	vm12 =	vgt.f32 v56, v1  }
0x6a: {  	v14 =	vld [tilespmem:$0x1FD50];
	v44 =	vimm.s32 $0x0;
	v3 =	vsel vm2, v4, v3;
	v2 =	vsel vm12, v1, v2  }
0x6b: {  	v62 =	vld [tilespmem:s13+$0x6180];
	v4 =	vsel vm2, $0xF, v4;
	v1 =	vsel vm12, v56, v1;
	vm13 =	vgt.f32 v59, v2  }
0x6c: {  	[tilespmem:$0x1FDB0] =	vst v7;
	v60 =	vimm.s32 $0x0;
	vm0 =	vgt.f32 v59, v1;
	v7 =	vsel vm13, $0xFFFFFFFF, v63  }
0x6d: {  	v17 =	vld [tilespmem:$0x1FD60];
	v2 =	vsel vm13, v59, v2;
	vm13 =	vnez.u8 v11;
	v63 =	vimm.s32 $0x0  }
0x6e: {  	v9 =	vld [tilespmem:s13+$0x6200];
	v11 =	vimm.s32 $0x0;
	v2 =	vsel vm0, v1, v2;
	v1 =	vsel vm0, v59, v1  }
0x6f: {  	v20 =	vld [tilespmem:$0x1FD70];
	v3 =	vsel vm13, $0x10, v3;
	vm13 =	vnez.u8 v14;
	v14 =	vimm.s32 $0x0  }
0x70: {  	vm14 =	vgt.f32 v62, v2;
	vm1 =	vgt.f32 v62, v1;
	v3 =	vsel vm3, v4, v3  }
0x71: {  	v10 =	vld [tilespmem:s13+$0x6280];
	v4 =	vsel vm3, $0x10, v4;
	v2 =	vsel vm14, v62, v2;
	v3 =	vsel vm13, $0x11, v3  }
0x72: {  	v23 =	vld [tilespmem:$0x1FD80];
	vm13 =	vnez.u8 v17;
	v2 =	vsel vm1, v1, v2;
	v1 =	vsel vm1, v62, v1  }
0x73: {  	v3 =	vsel vm4, v4, v3;
	v4 =	vsel vm4, $0x11, v4;
	vm15 =	vgt.f32 v9, v2  }
0x74: {  	vm2 =	vgt.f32 v9, v1;
	v3 =	vsel vm13, $0x12, v3;
	vm13 =	vnez.u8 v20  }
0x75: {  	v26 =	vld [tilespmem:$0x1FD90];
	v2 =	vsel vm15, v9, v2;
	v3 =	vsel vm5, v4, v3;
	v4 =	vsel vm5, $0x12, v4  }
0x76: {  	v12 =	vld [tilespmem:s13+$0x6300];
	v2 =	vsel vm2, v1, v2;
	v1 =	vsel vm2, v9, v1;
	v3 =	vsel vm13, $0x13, v3  }
0x77: {  	v29 =	vld [tilespmem:$0x1FDA0];
	vm13 =	vnez.u8 v23;
	v23 =	vimm.s32 $0x0;
	vm3 =	vgt.f32 v10, v2  }
0x78: {  	[tilespmem:$0x1FDE0] =	vst v7;
	v3 =	vsel vm6, v4, v3;
	v4 =	vsel vm6, $0x13, v4;
	v7 =	vsel vm3, $0xFFFFFFFF, v13  }
0x79: {  	v15 =	vld [tilespmem:s13+$0x6380];
	v2 =	vsel vm3, v10, v2;
	vm3 =	vgt.f32 v10, v1;
	v3 =	vsel vm13, $0x14, v3  }
0x7a: {  	v32 =	vld [tilespmem:$0x1FDB0];
	vm13 =	vnez.u8 v26;
	v2 =	vsel vm3, v1, v2;
	v1 =	vsel vm3, v10, v1  }
0x7b: {  	v3 =	vsel vm7, v4, v3;
	v4 =	vsel vm7, $0x14, v4;
	vm4 =	vgt.f32 v12, v2  }
0x7c: {  	[tilespmem:$0x1FDC0] =	vst v6;
	v3 =	vsel vm13, $0x15, v3;
	vm13 =	vnez.u8 v29;
	v6 =	vsel vm4, $0xFFFFFFFF, v16  }
0x7d: {  	v35 =	vld [tilespmem:$0x1FDC0];
	v2 =	vsel vm4, v12, v2;
	vm4 =	vgt.f32 v12, v1;
	v3 =	vsel vm8, v4, v3  }
0x7e: {  	v18 =	vld [tilespmem:s13+$0x8000];
	v4 =	vsel vm8, $0x15, v4;
	v2 =	vsel vm4, v1, v2;
	v1 =	vsel vm4, v12, v1  }
0x7f: {  	v3 =	vsel vm13, $0x16, v3;
	vm13 =	vnez.u8 v32;
	vm5 =	vgt.f32 v15, v2  }
0x80: {  	v21 =	vld [tilespmem:s13+$0x8080];
	[tilespmem:$0x1FDD0] =	vst v5;
	v3 =	vsel vm9, v4, v3;
	v4 =	vsel vm9, $0x16, v4;
	v5 =	vsel vm5, $0xFFFFFFFF, v19  }
0x81: {  	v38 =	vld [tilespmem:$0x1FDD0];
	v2 =	vsel vm5, v15, v2;
	vm5 =	vgt.f32 v15, v1;
	v3 =	vsel vm13, $0x17, v3  }
0x82: {  	vm13 =	vnez.u8 v35;
	v2 =	vsel vm5, v1, v2;
	v1 =	vsel vm5, v15, v1  }
0x83: {  	v3 =	vsel vm10, v4, v3;
	v4 =	vsel vm10, $0x17, v4;
	vm6 =	vgt.f32 v18, v2  }
0x84: {  	v24 =	vld [tilespmem:s13+$0x8100];
	[tilespmem:$0x1FDF0] =	vst v7;
	v7 =	vsel vm6, $0xFFFFFFFF, v22;
	v2 =	vsel vm6, v18, v2;
	vm6 =	vgt.f32 v18, v1  }
0x85: {  	v15 =	vimm.s32 $0x0;
	v3 =	vsel vm13, $0x18, v3;
	v2 =	vsel vm6, v1, v2  }
0x86: {  	v40 =	vld [tilespmem:$0x1FDE0];
	vm13 =	vnez.u8 v38;
	v1 =	vsel vm6, v18, v1;
	vm7 =	vgt.f32 v21, v2  }
0x87: {  	v27 =	vld [tilespmem:s13+$0x8180];
	[tilespmem:$0x1FE00] =	vst v6;
	v6 =	vsel vm7, $0xFFFFFFFF, v25;
	v2 =	vsel vm7, v21, v2;
	vm7 =	vgt.f32 v21, v1  }
0x88: {  	v3 =	vsel vm11, v4, v3;
	v4 =	vsel vm11, $0x18, v4;
	v2 =	vsel vm7, v1, v2  }
0x89: {  	v3 =	vsel vm13, $0x19, v3;
	v1 =	vsel vm7, v21, v1;
	vm8 =	vgt.f32 v24, v2  }
0x8a: {  	v30 =	vld [tilespmem:s13+$0x8200];
	[tilespmem:$0x1FE10] =	vst v5;
	v5 =	vsel vm8, $0xFFFFFFFF, v28;
	v2 =	vsel vm8, v24, v2;
	vm8 =	vgt.f32 v24, v1  }
0x8b: {  	vm13 =	vnez.u8 v40;
	v18 =	vimm.s32 $0x0;
	v2 =	vsel vm8, v1, v2  }
0x8c: {  	v40 =	vimm.s32 $0x0;
	v1 =	vsel vm8, v24, v1;
	vm9 =	vgt.f32 v27, v2  }
0x8d: {  	v33 =	vld [tilespmem:s13+$0x8280];
	[tilespmem:$0x1FE20] =	vst v7;
	v7 =	vsel vm9, $0xFFFFFFFF, v31;
	v2 =	vsel vm9, v27, v2;
	vm9 =	vgt.f32 v27, v1  }
0x8e: {  	v3 =	vsel vm12, v4, v3;
	v4 =	vsel vm12, $0x19, v4;
	v2 =	vsel vm9, v1, v2  }
0x8f: {  	v3 =	vsel vm13, $0x1A, v3;
	v1 =	vsel vm9, v27, v1;
	vm10 =	vgt.f32 v30, v2  }
0x90: {  	v36 =	vld [tilespmem:s13+$0x8300];
	[tilespmem:$0x1FE30] =	vst v6;
	v6 =	vsel vm10, $0xFFFFFFFF, v34;
	v2 =	vsel vm10, v30, v2;
	vm10 =	vgt.f32 v30, v1  }
0x91: {  	v3 =	vsel vm0, v4, v3;
	v4 =	vsel vm0, $0x1A, v4;
	v2 =	vsel vm10, v1, v2  }
0x92: {  	v3 =	vsel vm14, $0x1B, v3;
	v1 =	vsel vm10, v30, v1;
	vm11 =	vgt.f32 v33, v2  }
0x93: {  	v39 =	vld [tilespmem:s13+$0x8380];
	[tilespmem:$0x1FE40] =	vst v5;
	v5 =	vsel vm11, $0xFFFFFFFF, v37;
	v2 =	vsel vm11, v33, v2;
	vm11 =	vgt.f32 v33, v1  }
0x94: {  	v21 =	vimm.s32 $0x0;
	v3 =	vsel vm1, v4, v3;
	v2 =	vsel vm11, v1, v2  }
0x95: {  	v4 =	vsel vm1, $0x1B, v4;
	v1 =	vsel vm11, v33, v1;
	vm12 =	vgt.f32 v36, v2  }
0x96: {  	v41 =	vld [tilespmem:s13+$0xA000];
	v2 =	vsel vm12, v36, v2;
	vm13 =	vmmov vm12;
	vm12 =	vgt.f32 v36, v1  }
0x97: {  	v28 =	vimm.s32 $0x0;
	v3 =	vsel vm15, $0x1C, v3;
	v2 =	vsel vm12, v1, v2  }
0x98: {  	v47 =	vld [tilespmem:$0x1FDF0];
	v3 =	vsel vm2, v4, v3;
	v1 =	vsel vm12, v36, v1;
	vm0 =	vgt.f32 v39, v2  }
0x99: {  	v43 =	vld [tilespmem:s13+$0xA080];
	v4 =	vsel vm2, $0x1C, v4;
	vm14 =	vgt.f32 v39, v1;
	v2 =	vsel vm0, v39, v2  }
0x9a: {  	v30 =	vimm.s32 $0x0;
	v33 =	vimm.s32 $0x0;
	v2 =	vsel vm14, v1, v2  }
0x9b: {  	v50 =	vld [tilespmem:$0x1FE00];
	v8 =	vsel vm14, $0xFFFFFFFF, v8;
	v1 =	vsel vm14, v39, v1;
	vm14 =	vgt.f32 v41, v2  }
0x9c: {  	v45 =	vld [tilespmem:s13+$0xA100];
	[tilespmem:$0x1FE60] =	vst v6;
	v6 =	vsel vm0, $0xFFFFFFFF, v42;
	vm1 =	vgt.f32 v41, v1;
	v2 =	vsel vm14, v41, v2  }
0x9d: {  	v53 =	vld [tilespmem:$0x1FE10];
	[tilespmem:$0x1FE70] =	vst v5;
	v5 =	vsel vm14, $0xFFFFFFFF, v44;
	vm14 =	vnez.u8 v47;
	v2 =	vsel vm1, v1, v2  }
0x9e: {  	v1 =	vsel vm1, v41, v1;
	v3 =	vsel vm14, $0x1D, v3;
	vm15 =	vgt.f32 v43, v2  }
0x9f: {  	vm14 =	vgt.f32 v43, v1;
	v3 =	vsel vm3, v4, v3;
	v4 =	vsel vm3, $0x1D, v4  }
0xa0: {  	v48 =	vld [tilespmem:s13+$0xA180];
	[tilespmem:$0x1FE50] =	vst v7;
	v7 =	vsel vm15, $0xFFFFFFFF, v46;
	v2 =	vsel vm15, v43, v2;
	vm15 =	vnez.u8 v50  }
0xa1: {  	v56 =	vld [tilespmem:$0x1FE20];
	v2 =	vsel vm14, v1, v2;
	v1 =	vsel vm14, v43, v1;
	v3 =	vsel vm15, $0x1E, v3  }
0xa2: {  	vm15 =	vnez.u8 v53;
	vm0 =	vgt.f32 v45, v2;
	v3 =	vsel vm4, v4, v3  }
0xa3: {  	v58 =	vld [tilespmem:$0x1FE30];
	[tilespmem:$0x1FE80] =	vst v6;
	v6 =	vsel vm0, $0xFFFFFFFF, v49;
	v2 =	vsel vm0, v45, v2;
	vm0 =	vgt.f32 v45, v1  }
0xa4: {  	v51 =	vld [tilespmem:s13+$0xA200];
	v4 =	vsel vm4, $0x1E, v4;
	v3 =	vsel vm15, $0x1F, v3;
	v2 =	vsel vm0, v1, v2  }
0xa5: {  	v61 =	vld [tilespmem:$0x1FE40];
	v1 =	vsel vm0, v45, v1;
	v3 =	vsel vm5, v4, v3;
	v4 =	vsel vm5, $0x1F, v4  }
0xa6: {  	vm5 =	vnez.u8 v56;
	vm2 =	vgt.f32 v48, v2;
	vm15 =	vgt.f32 v48, v1  }
0xa7: {  	v12 =	vld [tilespmem:$0x1FE50];
	[tilespmem:$0x1FEA0] =	vst v5;
	v3 =	vsel vm5, $0x20, v3;
	v5 =	vsel vm2, $0xFFFFFFFF, v52;
	v2 =	vsel vm2, v48, v2  }
0xa8: {  	v3 =	vsel vm6, v4, v3;
	v4 =	vsel vm6, $0x20, v4;
	vm6 =	vnez.u8 v58  }
0xa9: {  	v54 =	vld [tilespmem:s13+$0xA280];
	v2 =	vsel vm15, v1, v2;
	v1 =	vsel vm15, v48, v1;
	v3 =	vsel vm6, $0x21, v3  }
0xaa: {  	vm6 =	vnez.u8 v61;
	vm3 =	vgt.f32 v51, v2;
	vm2 =	vgt.f32 v51, v1  }
0xab: {  	v16 =	vld [tilespmem:$0x1FE60];
	[tilespmem:$0x1FEB0] =	vst v7;
	v3 =	vsel vm7, v4, v3;
	v4 =	vsel vm7, $0x21, v4;
	v7 =	vsel vm3, $0xFFFFFFFF, v55  }
0xac: {  	v57 =	vld [tilespmem:s13+$0xA300];
	v2 =	vsel vm3, v51, v2;
	v3 =	vsel vm6, $0x22, v3;
	vm6 =	vnez.u8 v12  }
0xad: {  	v19 =	vld [tilespmem:$0x1FE70];
	v2 =	vsel vm2, v1, v2;
	v1 =	vsel vm2, v51, v1;
	v3 =	vsel vm8, v4, v3  }
0xae: {  	v4 =	vsel vm8, $0x22, v4;
	vm5 =	vgt.f32 v54, v2;
	v3 =	vsel vm6, $0x23, v3  }
0xaf: {  	vm3 =	vgt.f32 v54, v1;
	v2 =	vsel vm5, v54, v2;
	v3 =	vsel vm9, v4, v3  }
0xb0: {  	v4 =	vsel vm9, $0x23, v4;
	vm9 =	vnez.u8 v16;
	v2 =	vsel vm3, v1, v2  }
0xb1: {  	v59 =	vld [tilespmem:s13+$0xA380];
	v1 =	vsel vm3, v54, v1;
	v3 =	vsel vm9, $0x24, v3;
	vm4 =	vgt.f32 v57, v2  }
0xb2: {  	v24 =	vld [tilespmem:$0x1FE80];
	v3 =	vsel vm10, v4, v3;
	v4 =	vsel vm10, $0x24, v4;
	vm10 =	vnez.u8 v19  }
0xb3: {  	[tilespmem:$0x1FED0] =	vst v5;
	v5 =	vsel vm4, $0xFFFFFFFF, v60;
	v2 =	vsel vm4, v57, v2;
	vm4 =	vgt.f32 v57, v1  }
0xb4: {  	v62 =	vld [tilespmem:s13+$0xC000];
	[tilespmem:$0x1FE90] =	vst v8;
	v3 =	vsel vm10, $0x25, v3;
	v8 =	vsel vm4, $0xFFFFFFFF, v63;
	v2 =	vsel vm4, v1, v2  }
0xb5: {  	v1 =	vsel vm4, v57, v1;
	v3 =	vsel vm11, v4, v3;
	v4 =	vsel vm11, $0x25, v4  }
0xb6: {  	v26 =	vld [tilespmem:$0x1FE90];
	vm4 =	vgt.f32 v59, v2;
	vm8 =	vgt.f32 v59, v1;
	v3 =	vsel vm13, $0x26, v3  }
0xb7: {  	v13 =	vld [tilespmem:s13+$0xC080];
	[tilespmem:$0x1FEE0] =	vst v7;
	vm13 =	vnez.u8 v24;
	v7 =	vsel vm4, $0xFFFFFFFF, v11;
	v2 =	vsel vm4, v59, v2  }
0xb8: {  	[tilespmem:$0x1FF00] =	vst v8;
	v8 =	vsel vm8, $0xFFFFFFFF, v14;
	v3 =	vsel vm12, v4, v3;
	v2 =	vsel vm8, v1, v2  }
0xb9: {  	v27 =	vld [tilespmem:$0x1FEA0];
	v4 =	vsel vm12, $0x26, v4;
	v1 =	vsel vm8, v59, v1;
	vm4 =	vgt.f32 v62, v2  }
0xba: {  	v31 =	vld [tilespmem:$0x1FEB0];
	v3 =	vsel vm13, $0x27, v3;
	vm8 =	vgt.f32 v62, v1;
	v2 =	vsel vm4, v62, v2  }
0xbb: {  	v17 =	vld [tilespmem:s13+$0xC100];
	[tilespmem:$0x1FEC0] =	vst v6;
	v6 =	vsel vm4, $0xFFFFFFFF, v15;
	vm4 =	vnez.u8 v26;
	v2 =	vsel vm8, v1, v2  }
0xbc: {  	v1 =	vsel vm8, v62, v1;
	v3 =	vsel vm4, v4, v3;
	vm9 =	vgt.f32 v13, v2  }
0xbd: {  	v4 =	vsel vm4, $0x27, v4;
	vm10 =	vgt.f32 v13, v1;
	v2 =	vsel vm9, v13, v2  }
0xbe: {  	v20 =	vld [tilespmem:s13+$0xC180];
	[tilespmem:$0x1FEF0] =	vst v5;
	v5 =	vsel vm9, $0xFFFFFFFF, v18;
	vm9 =	vnez.u8 v27;
	v2 =	vsel vm10, v1, v2  }
0xbf: {  	v34 =	vld [tilespmem:$0x1FEC0];
	v1 =	vsel vm10, v13, v1;
	v3 =	vsel vm9, $0x28, v3;
	vm9 =	vnez.u8 v31  }
0xc0: {  	vm11 =	vgt.f32 v17, v2;
	v3 =	vsel vm1, v4, v3;
	v4 =	vsel vm1, $0x28, v4  }
0xc1: {  	v22 =	vld [tilespmem:s13+$0xC200];
	[tilespmem:$0x1FF10] =	vst v7;
	v7 =	vsel vm11, $0xFFFFFFFF, v21;
	v2 =	vsel vm11, v17, v2;
	vm11 =	vgt.f32 v17, v1  }
0xc2: {  	v3 =	vsel vm9, $0x29, v3;
	v2 =	vsel vm11, v1, v2;
	v1 =	vsel vm11, v17, v1  }
0xc3: {  	v37 =	vld [tilespmem:$0x1FED0];
	v3 =	vsel vm14, v4, v3;
	v4 =	vsel vm14, $0x29, v4;
	vm12 =	vgt.f32 v20, v2  }
0xc4: {  	v25 =	vld [tilespmem:s13+$0xC280];
	vm14 =	vnez.u8 v34;
	vm13 =	vgt.f32 v20, v1;
	v2 =	vsel vm12, v20, v2  }
0xc5: {  	v36 =	vimm.s32 $0x0;
	v3 =	vsel vm14, $0x2A, v3;
	v2 =	vsel vm13, v1, v2  }
0xc6: {  	[tilespmem:$0x1FF30] =	vst v6;
	v6 =	vsel vm12, $0xFFFFFFFF, v23;
	v1 =	vsel vm13, v20, v1;
	vm12 =	vgt.f32 v22, v2  }
0xc7: {  	v29 =	vld [tilespmem:s13+$0xC300];
	[tilespmem:$0x1FF40] =	vst v5;
	v5 =	vsel vm12, $0xFFFFFFFF, v28;
	v2 =	vsel vm12, v22, v2;
	vm12 =	vgt.f32 v22, v1  }
0xc8: {  	vm14 =	vnez.u8 v37;
	v3 =	vsel vm0, v4, v3;
	v2 =	vsel vm12, v1, v2  }
0xc9: {  	v39 =	vld [tilespmem:$0x1FEE0];
	v4 =	vsel vm0, $0x2A, v4;
	v1 =	vsel vm12, v22, v1;
	vm4 =	vgt.f32 v25, v2  }
0xca: {  	v32 =	vld [tilespmem:s13+$0xC380];
	v3 =	vsel vm14, $0x2B, v3;
	vm9 =	vgt.f32 v25, v1;
	v2 =	vsel vm4, v25, v2  }
0xcb: {  	v42 =	vimm.s32 $0x0;
	v3 =	vsel vm15, v4, v3;
	v2 =	vsel vm9, v1, v2  }
0xcc: {  	[tilespmem:$0x1FF50] =	vst v7;
	v7 =	vsel vm4, $0xFFFFFFFF, v30;
	v1 =	vsel vm9, v25, v1;
	vm4 =	vgt.f32 v29, v2  }
0xcd: {  	v35 =	vld [tilespmem:s13+$0xE000];
	v4 =	vsel vm15, $0x2B, v4;
	vm7 =	vgt.f32 v29, v1;
	v2 =	vsel vm4, v29, v2  }
0xce: {  	[tilespmem:$0x1FF60] =	vst v6;
	v6 =	vsel vm4, $0xFFFFFFFF, v33;
	vm4 =	vnez.u8 v39;
	v2 =	vsel vm7, v1, v2  }
0xcf: {  	v1 =	vsel vm7, v29, v1;
	v3 =	vsel vm4, $0x2C, v3;
	vm6 =	vgt.f32 v32, v2  }
0xd0: {  	v38 =	vld [tilespmem:s13+$0xE080];
	[tilespmem:$0x1FF70] =	vst v5;
	v5 =	vsel vm6, $0xFFFFFFFF, v36;
	v2 =	vsel vm6, v32, v2;
	vm6 =	vgt.f32 v32, v1  }
0xd1: {  	v44 =	vimm.s32 $0x0;
	v3 =	vsel vm2, v4, v3;
	v2 =	vsel vm6, v1, v2  }
0xd2: {  	v45 =	vld [tilespmem:$0x1FEF0];
	v4 =	vsel vm2, $0x2C, v4;
	v1 =	vsel vm6, v32, v1;
	vm14 =	vgt.f32 v35, v2  }
0xd3: {  	v41 =	vld [tilespmem:s13+$0xE100];
	v3 =	vsel vm5, $0x2D, v3;
	vm15 =	vgt.f32 v35, v1;
	v2 =	vsel vm14, v35, v2  }
0xd4: {  	v52 =	vimm.s32 $0x0;
	v47 =	vld [tilespmem:$0x1FF00];
	v3 =	vsel vm3, v4, v3;
	v2 =	vsel vm15, v1, v2  }
0xd5: {  	[tilespmem:$0x1FF20] =	vst v8;
	v4 =	vsel vm3, $0x2D, v4;
	v1 =	vsel vm15, v35, v1;
	vm4 =	vgt.f32 v38, v2  }
0xd6: {  	v49 =	vld [tilespmem:$0x1FF10];
	[tilespmem:$0x1FF80] =	vst v7;
	v7 =	vsel vm14, $0xFFFFFFFF, v40;
	vm5 =	vgt.f32 v38, v1;
	v2 =	vsel vm4, v38, v2  }
0xd7: {  	v43 =	vld [tilespmem:s13+$0xE180];
	[tilespmem:$0x1FF90] =	vst v6;
	v6 =	vsel vm4, $0xFFFFFFFF, v42;
	vm4 =	vnez.u8 v45;
	v2 =	vsel vm5, v1, v2  }
0xd8: {  	v51 =	vld [tilespmem:$0x1FF20];
	v1 =	vsel vm5, v38, v1;
	v3 =	vsel vm4, $0x2E, v3;
	vm14 =	vgt.f32 v41, v2  }
0xd9: {  	v46 =	vld [tilespmem:s13+$0xE200];
	[tilespmem:$0x1FFA0] =	vst v5;
	v5 =	vsel vm14, $0xFFFFFFFF, v44;
	v2 =	vsel vm14, v41, v2;
	vm14 =	vnez.u8 v47  }
0xda: {  	v48 =	vimm.s32 $0x0;
	v53 =	vld [tilespmem:$0x1FF30];
	vm4 =	vgt.f32 v41, v1;
	v3 =	vsel vm14, v4, v3  }
0xdb: {  	v55 =	vld [tilespmem:$0x1FF40];
	v2 =	vsel vm4, v1, v2;
	v4 =	vsel vm14, $0x2E, v4;
	vm14 =	vnez.u8 v49  }
0xdc: {  	v1 =	vsel vm4, v41, v1;
	vm1 =	vgt.f32 v43, v2;
	v3 =	vsel vm14, $0x2F, v3  }
0xdd: {  	v57 =	vld [tilespmem:$0x1FF50];
	[tilespmem:$0x1FFB0] =	vst v7;
	vm3 =	vgt.f32 v43, v1;
	vm14 =	vnez.u8 v51;
	v7 =	vsel vm1, $0xFFFFFFFF, v48  }
0xde: {  	v2 =	vsel vm1, v43, v2;
	v3 =	vsel vm14, v4, v3;
	v4 =	vsel vm14, $0x2F, v4  }
0xdf: {  	v50 =	vld [tilespmem:s13+$0xE280];
	vm14 =	vnez.u8 v53;
	v2 =	vsel vm3, v1, v2;
	v1 =	vsel vm3, v43, v1  }
0xe0: {  	v3 =	vsel vm14, $0x30, v3;
	vm14 =	vnez.u8 v55;
	vm1 =	vgt.f32 v46, v2  }
0xe1: {  	vm2 =	vgt.f32 v46, v1;
	v3 =	vsel vm8, v4, v3;
	v4 =	vsel vm8, $0x30, v4  }
0xe2: {  	v54 =	vld [tilespmem:s13+$0xE300];
	[tilespmem:$0x1FFC0] =	vst v6;
	vm8 =	vnez.u8 v57;
	v6 =	vsel vm1, $0xFFFFFFFF, v52;
	v2 =	vsel vm1, v46, v2  }
0xe3: {  	v58 =	vld [tilespmem:$0x1FF60];
	v3 =	vsel vm14, $0x31, v3;
	v2 =	vsel vm2, v1, v2;
	v1 =	vsel vm2, v46, v1  }
0xe4: {  	v3 =	vsel vm10, v4, v3;
	v4 =	vsel vm10, $0x31, v4;
	vm14 =	vgt.f32 v50, v2  }
0xe5: {  	v56 =	vld [tilespmem:s13+$0xE380];
	vm1 =	vgt.f32 v50, v1;
	v3 =	vsel vm8, $0x32, v3;
	v2 =	vsel vm14, v50, v2  }
0xe6: {  	v3 =	vsel vm11, v4, v3;
	v2 =	vsel vm1, v1, v2  }
0xe7: {  	v59 =	vld [tilespmem:$0x1FF70];
	v4 =	vsel vm11, $0x32, v4;
	v1 =	vsel vm1, v50, v1;
	vm10 =	vgt.f32 v54, v2  }
0xe8: {  	vm11 =	vnez.u8 v58;
	vm0 =	vgt.f32 v54, v1;
	v2 =	vsel vm10, v54, v2  }
0xe9: {  	v60 =	vld [tilespmem:$0x1FF80];
	v3 =	vsel vm11, $0x33, v3;
	v2 =	vsel vm0, v1, v2  }
0xea: {  	v3 =	vsel vm13, v4, v3;
	v1 =	vsel vm0, v54, v1;
	vm8 =	vgt.f32 v56, v2  }
0xeb: {  	v61 =	vld [tilespmem:$0x1FF90];
	v4 =	vsel vm13, $0x33, v4;
	vm11 =	vgt.f32 v56, v1;
	v2 =	vsel vm8, v56, v2  }
0xec: {  	vm13 =	vnez.u8 v59;
	v2 =	vsel vm11, v1, v2;
	v1 =	vsel vm11, v56, v1  }
0xed: {  	v3 =	vsel vm13, $0x34, v3;
	v1 =	vsub.f32 v2, v1  }
0xee: {  	v2 =	vsel vm12, v4, v3;
	v3 =	vsel vm12, $0x34, v4;
	vm12 =	vnez.u8 v60  }
0xef: {  	v2 =	vsel vm12, $0x35, v2  }
0xf0: {  	vm13 =	vnez.u8 v61;
	v1 =	vmul.f32 $1.442695020e+00, v1;
	v2 =	vsel vm9, v3, v2  }
0xf1: {  	v3 =	vsel vm9, $0x35, v3;
	v2 =	vsel vm13, $0x36, v2  }
0xf2: {  	(erf) = vpow2.f32 v1;
	v1 =	vsel vm7, v3, v2;
	v2 =	vsel vm7, $0x36, v3;
	v3 =	vld [tilespmem:$0x1FFA0];
	_ =	sdelay $0x4  }
0xf3: {  	vm12 =	vnez.u8 v3;
	v3 =	vld [tilespmem:$0x1FFB0];
	_ =	sdelay $0x4  }
0xf4: {  	vm13 =	vnez.u8 v3;
	v3 =	vld [tilespmem:$0x1FFC0];
	_ =	sdelay $0x3  }
0xf5: {  	[tilespmem:$0x1FFD0] =	vst v5  }
0xf6: {  	v1 =	vsel vm12, $0x37, v1;
	vm9 =	vnez.u8 v3;
	v3 =	vld [tilespmem:$0x1FFD0]  }
0xf7: {  	[tilespmem:$0x1FFE0] =	vst v7;
	v1 =	vsel vm6, v2, v1  }
0xf8: {  	v62 =	vld [tilespmem:$0x1FFE0];
	v2 =	vsel vm6, $0x37, v2;
	v1 =	vsel vm13, $0x38, v1  }
0xf9: {  	[tilespmem:$0x1FFF0] =	vst v6;
	v1 =	vsel vm15, v2, v1  }
0xfa: {  	v63 =	vld [tilespmem:$0x1FFF0];
	v2 =	vsel vm15, $0x38, v2;
	v1 =	vsel vm9, $0x39, v1  }
0xfb: {  	v1 =	vsel vm5, v2, v1;
	vm12 =	vnez.u8 v3  }
0xfc: {  	v2 =	vsel vm5, $0x39, v2;
	v1 =	vsel vm12, $0x3A, v1  }
0xfd: {  	vm13 =	vnez.u8 v62;
	v1 =	vsel vm4, v2, v1  }
0xfe: {  	v3 =	vpop (erf);
	v2 =	vsel vm4, $0x3A, v2;
	v1 =	vsel vm13, $0x3B, v1  }
0xff: {  	vm15 =	vnez.u8 v63;
	v3 =	vadd.f32 $1.000000000e+00, v3;
	v1 =	vsel vm3, v2, v1  }
0x100: {  	v2 =	vsel vm3, $0x3B, v2;
	v1 =	vsel vm15, $0x3C, v1  }
0x101: {  	(erf) = vrcp.f32 v3;
	v1 =	vsel vm2, v2, v1  }
0x102: {  	v2 =	vsel vm2, $0x3C, v2;
	v1 =	vsel vm14, $0x3D, v1  }
0x103: {  	v1 =	vsel vm1, v2, v1  }
0x104: {  	v2 =	vsel vm1, $0x3D, v2;
	v1 =	vsel vm10, $0x3E, v1  }
0x105: {  	v1 =	vsel vm0, v2, v1  }
0x106: {  	s31 =	simm.s32 $0x0;
	v2 =	vsel vm0, $0x3E, v2;
	v1 =	vsel vm8, $0x3F, v1  }
0x107: {  	s13 =	sand.u32 $0xFFFFFF00, s31;
	v1 =	vsel vm11, v2, v1  }
0x108: {  	s16 =	sor.u32 s12, s13  }
0x109: {  	v2 =	vsel vm11, $0x3F, v2;
	[tilespmem:s16+$0x10880] =	vst v1  }
0x10a: {  	s17 =	simm.s32 $0x80;
	s14 =	simm.s32 $0x10;
	s15 =	simm.s32 $0x2;
	[tilespmem:s16+$0x10800] =	vst v2;
	v1 =	vpop (erf)  }
0x10b: {  	s17 =	sand.u32 $0x3FFFFC00, s17;
	s12 =	simm.s32 $0x1;
	s13 =	sand.u32 $0x70, s14;
	[tilespmem:s16+$0x10000] =	vst v1;
	v1 =	vsub.f32 $1.000000000e+00, v1  }
.LBB2_2:
0x10c: {  	p0 =	sne.s32 s15, $0x3F  }
0x10d: {  	s17 =	sor.u32 s13, s17;
	[tilespmem:s16+$0x10080] =	vst v1;
	s16 =	smov.u32 s15;
	s15 =	sadd.s32 $0x1, s15  }
0x10e: {  	v1 =	vld [tilespmem:s17+$0x0]  }
0x10f: {  	v2 =	vld [tilespmem:s17+$0x80];
	_ =	sdelay $0x3  }
0x110: {  	vm0 =	vgt.f32 v1, $-Inf;
	v3 =	vld [tilespmem:s17+$0x100]  }
0x111: {  	v1 =	vnsel vm0, $0xFF800000, v1;
	vm0 =	vlt.f32 v2, $-Inf;
	vm1 =	vgt.f32 v2, $-Inf  }
0x112: {  	vm2 =	vgt.f32 v2, v1;
	vm0 =	vmor vm1, vm0  }
0x113: {  	vm1 =	vmneg vm2;
	v4 =	vnsel vm0, $0xFF800000, v2;
	v5 =	vld [tilespmem:s17+$0x180]  }
0x114: {  	v4 =	vsel vm1, v4, v1;
	vm0 =	vmand vm0, vm1;
	v1 =	vsel vm1, v1, v2  }
0x115: {  	v2 =	vsel vm0, $0x1, v0;
	vm0 =	vgt.f32 v3, v4  }
0x116: {  	vm1 =	vgt.f32 v3, v1;
	v4 =	vsel vm0, v3, v4;
	v2 =	vsel vm0, $0x2, v2;
	v6 =	vld [tilespmem:s17+$0x200]  }
0x117: {  	v7 =	vsel vm2, $0x1, v0;
	v4 =	vsel vm1, v1, v4;
	v1 =	vsel vm1, v3, v1  }
0x118: {  	v2 =	vsel vm1, v7, v2;
	v3 =	vsel vm1, $0x2, v7;
	vm0 =	vgt.f32 v5, v4  }
0x119: {  	vm1 =	vgt.f32 v5, v1;
	v4 =	vsel vm0, v5, v4;
	v2 =	vsel vm0, $0x3, v2;
	v7 =	vld [tilespmem:s17+$0x280]  }
0x11a: {  	v4 =	vsel vm1, v1, v4;
	v2 =	vsel vm1, v3, v2;
	v1 =	vsel vm1, v5, v1  }
0x11b: {  	v3 =	vsel vm1, $0x3, v3;
	vm0 =	vgt.f32 v6, v4  }
0x11c: {  	vm1 =	vgt.f32 v6, v1;
	v4 =	vsel vm0, v6, v4;
	v2 =	vsel vm0, $0x4, v2;
	v5 =	vld [tilespmem:s17+$0x300]  }
0x11d: {  	v4 =	vsel vm1, v1, v4;
	v2 =	vsel vm1, v3, v2;
	v3 =	vsel vm1, $0x4, v3  }
0x11e: {  	v1 =	vsel vm1, v6, v1;
	vm0 =	vgt.f32 v7, v4  }
0x11f: {  	vm1 =	vgt.f32 v7, v1;
	v4 =	vsel vm0, v7, v4;
	v2 =	vsel vm0, $0x5, v2;
	v6 =	vld [tilespmem:s17+$0x380]  }
0x120: {  	v4 =	vsel vm1, v1, v4;
	v2 =	vsel vm1, v3, v2;
	v3 =	vsel vm1, $0x5, v3  }
0x121: {  	v1 =	vsel vm1, v7, v1;
	vm0 =	vgt.f32 v5, v4  }
0x122: {  	vm1 =	vgt.f32 v5, v1;
	v4 =	vsel vm0, v5, v4;
	v2 =	vsel vm0, $0x6, v2;
	v7 =	vld [tilespmem:s17+$0x2000]  }
0x123: {  	v4 =	vsel vm1, v1, v4;
	v2 =	vsel vm1, v3, v2;
	v1 =	vsel vm1, v5, v1  }
0x124: {  	v3 =	vsel vm1, $0x6, v3;
	vm0 =	vgt.f32 v6, v4  }
0x125: {  	vm1 =	vgt.f32 v6, v1;
	v4 =	vsel vm0, v6, v4;
	v2 =	vsel vm0, $0x7, v2;
	v5 =	vld [tilespmem:s17+$0x2080]  }
0x126: {  	v4 =	vsel vm1, v1, v4;
	v2 =	vsel vm1, v3, v2;
	v1 =	vsel vm1, v6, v1  }
0x127: {  	v3 =	vsel vm1, $0x7, v3;
	vm0 =	vgt.f32 v7, v4  }
0x128: {  	vm1 =	vgt.f32 v7, v1;
	v4 =	vsel vm0, v7, v4;
	v2 =	vsel vm0, $0x8, v2;
	v6 =	vld [tilespmem:s17+$0x2100]  }
0x129: {  	v4 =	vsel vm1, v1, v4;
	v2 =	vsel vm1, v3, v2;
	v3 =	vsel vm1, $0x8, v3  }
0x12a: {  	v1 =	vsel vm1, v7, v1;
	vm0 =	vgt.f32 v5, v4  }
0x12b: {  	vm1 =	vgt.f32 v5, v1;
	v4 =	vsel vm0, v5, v4;
	v2 =	vsel vm0, $0x9, v2;
	v7 =	vld [tilespmem:s17+$0x2180]  }
0x12c: {  	v4 =	vsel vm1, v1, v4;
	v2 =	vsel vm1, v3, v2;
	v3 =	vsel vm1, $0x9, v3  }
0x12d: {  	v1 =	vsel vm1, v5, v1;
	vm0 =	vgt.f32 v6, v4  }
0x12e: {  	vm1 =	vgt.f32 v6, v1;
	v4 =	vsel vm0, v6, v4;
	v2 =	vsel vm0, $0xA, v2;
	v5 =	vld [tilespmem:s17+$0x2200]  }
0x12f: {  	v4 =	vsel vm1, v1, v4;
	v2 =	vsel vm1, v3, v2;
	v1 =	vsel vm1, v6, v1  }
0x130: {  	v3 =	vsel vm1, $0xA, v3;
	vm0 =	vgt.f32 v7, v4  }
0x131: {  	vm1 =	vgt.f32 v7, v1;
	v4 =	vsel vm0, v7, v4;
	v2 =	vsel vm0, $0xB, v2;
	v6 =	vld [tilespmem:s17+$0x2280]  }
0x132: {  	v4 =	vsel vm1, v1, v4;
	v2 =	vsel vm1, v3, v2;
	v1 =	vsel vm1, v7, v1  }
0x133: {  	v3 =	vsel vm1, $0xB, v3;
	vm0 =	vgt.f32 v5, v4  }
0x134: {  	vm1 =	vgt.f32 v5, v1;
	v4 =	vsel vm0, v5, v4;
	v2 =	vsel vm0, $0xC, v2;
	v7 =	vld [tilespmem:s17+$0x2300]  }
0x135: {  	v4 =	vsel vm1, v1, v4;
	v2 =	vsel vm1, v3, v2  }
0x136: {  	v1 =	vsel vm1, v5, v1;
	v3 =	vsel vm1, $0xC, v3;
	vm0 =	vgt.f32 v6, v4  }
0x137: {  	vm1 =	vgt.f32 v6, v1;
	v4 =	vsel vm0, v6, v4;
	v2 =	vsel vm0, $0xD, v2;
	v5 =	vld [tilespmem:s17+$0x2380]  }
0x138: {  	v4 =	vsel vm1, v1, v4;
	v2 =	vsel vm1, v3, v2  }
0x139: {  	v1 =	vsel vm1, v6, v1;
	v3 =	vsel vm1, $0xD, v3;
	vm0 =	vgt.f32 v7, v4  }
0x13a: {  	vm1 =	vgt.f32 v7, v1;
	v4 =	vsel vm0, v7, v4;
	v2 =	vsel vm0, $0xE, v2;
	v6 =	vld [tilespmem:s17+$0x4000]  }
0x13b: {  	v4 =	vsel vm1, v1, v4;
	v2 =	vsel vm1, v3, v2;
	v1 =	vsel vm1, v7, v1  }
0x13c: {  	v3 =	vsel vm1, $0xE, v3;
	vm0 =	vgt.f32 v5, v4  }
0x13d: {  	vm1 =	vgt.f32 v5, v1;
	v4 =	vsel vm0, v5, v4;
	v2 =	vsel vm0, $0xF, v2;
	v7 =	vld [tilespmem:s17+$0x4080]  }
0x13e: {  	v4 =	vsel vm1, v1, v4;
	v2 =	vsel vm1, v3, v2  }
0x13f: {  	v1 =	vsel vm1, v5, v1;
	v3 =	vsel vm1, $0xF, v3;
	vm0 =	vgt.f32 v6, v4  }
0x140: {  	vm1 =	vgt.f32 v6, v1;
	v4 =	vsel vm0, v6, v4;
	v2 =	vsel vm0, $0x10, v2;
	v5 =	vld [tilespmem:s17+$0x4100]  }
0x141: {  	v4 =	vsel vm1, v1, v4;
	v2 =	vsel vm1, v3, v2  }
0x142: {  	v1 =	vsel vm1, v6, v1;
	v3 =	vsel vm1, $0x10, v3;
	vm0 =	vgt.f32 v7, v4  }
0x143: {  	vm1 =	vgt.f32 v7, v1;
	v4 =	vsel vm0, v7, v4;
	v2 =	vsel vm0, $0x11, v2;
	v6 =	vld [tilespmem:s17+$0x4180]  }
0x144: {  	v4 =	vsel vm1, v1, v4;
	v2 =	vsel vm1, v3, v2  }
0x145: {  	v1 =	vsel vm1, v7, v1;
	vm0 =	vgt.f32 v5, v4  }
0x146: {  	v3 =	vsel vm1, $0x11, v3;
	vm1 =	vgt.f32 v5, v1;
	v4 =	vsel vm0, v5, v4;
	v7 =	vld [tilespmem:s17+$0x4200]  }
0x147: {  	v2 =	vsel vm0, $0x12, v2;
	v4 =	vsel vm1, v1, v4;
	v1 =	vsel vm1, v5, v1  }
0x148: {  	v2 =	vsel vm1, v3, v2;
	v3 =	vsel vm1, $0x12, v3;
	vm0 =	vgt.f32 v6, v4  }
0x149: {  	vm1 =	vgt.f32 v6, v1;
	v4 =	vsel vm0, v6, v4;
	v2 =	vsel vm0, $0x13, v2;
	v5 =	vld [tilespmem:s17+$0x4280]  }
0x14a: {  	v4 =	vsel vm1, v1, v4;
	v2 =	vsel vm1, v3, v2;
	v1 =	vsel vm1, v6, v1  }
0x14b: {  	v3 =	vsel vm1, $0x13, v3;
	vm0 =	vgt.f32 v7, v4  }
0x14c: {  	vm1 =	vgt.f32 v7, v1;
	v4 =	vsel vm0, v7, v4;
	v2 =	vsel vm0, $0x14, v2;
	v6 =	vld [tilespmem:s17+$0x4300]  }
0x14d: {  	v4 =	vsel vm1, v1, v4;
	v2 =	vsel vm1, v3, v2  }
0x14e: {  	v1 =	vsel vm1, v7, v1;
	v3 =	vsel vm1, $0x14, v3;
	vm0 =	vgt.f32 v5, v4  }
0x14f: {  	vm1 =	vgt.f32 v5, v1;
	v4 =	vsel vm0, v5, v4;
	v2 =	vsel vm0, $0x15, v2;
	v7 =	vld [tilespmem:s17+$0x4380]  }
0x150: {  	v4 =	vsel vm1, v1, v4;
	v2 =	vsel vm1, v3, v2;
	v3 =	vsel vm1, $0x15, v3  }
0x151: {  	v1 =	vsel vm1, v5, v1;
	vm0 =	vgt.f32 v6, v4  }
0x152: {  	vm1 =	vgt.f32 v6, v1;
	v4 =	vsel vm0, v6, v4;
	v2 =	vsel vm0, $0x16, v2;
	v5 =	vld [tilespmem:s17+$0x6000]  }
0x153: {  	v4 =	vsel vm1, v1, v4;
	v2 =	vsel vm1, v3, v2;
	v1 =	vsel vm1, v6, v1  }
0x154: {  	v3 =	vsel vm1, $0x16, v3;
	vm0 =	vgt.f32 v7, v4  }
0x155: {  	vm1 =	vgt.f32 v7, v1;
	v4 =	vsel vm0, v7, v4;
	v2 =	vsel vm0, $0x17, v2;
	v6 =	vld [tilespmem:s17+$0x6080]  }
0x156: {  	v4 =	vsel vm1, v1, v4;
	v2 =	vsel vm1, v3, v2;
	v1 =	vsel vm1, v7, v1  }
0x157: {  	v3 =	vsel vm1, $0x17, v3;
	vm0 =	vgt.f32 v5, v4  }
0x158: {  	vm1 =	vgt.f32 v5, v1;
	v4 =	vsel vm0, v5, v4;
	v2 =	vsel vm0, $0x18, v2;
	v7 =	vld [tilespmem:s17+$0x6100]  }
0x159: {  	v4 =	vsel vm1, v1, v4;
	v2 =	vsel vm1, v3, v2  }
0x15a: {  	v1 =	vsel vm1, v5, v1;
	v3 =	vsel vm1, $0x18, v3;
	vm0 =	vgt.f32 v6, v4  }
0x15b: {  	vm1 =	vgt.f32 v6, v1;
	v4 =	vsel vm0, v6, v4;
	v2 =	vsel vm0, $0x19, v2;
	v5 =	vld [tilespmem:s17+$0x6180]  }
0x15c: {  	v4 =	vsel vm1, v1, v4;
	v2 =	vsel vm1, v3, v2  }
0x15d: {  	v1 =	vsel vm1, v6, v1;
	v3 =	vsel vm1, $0x19, v3;
	vm0 =	vgt.f32 v7, v4  }
0x15e: {  	vm1 =	vgt.f32 v7, v1;
	v4 =	vsel vm0, v7, v4;
	v2 =	vsel vm0, $0x1A, v2;
	v6 =	vld [tilespmem:s17+$0x6200]  }
0x15f: {  	v4 =	vsel vm1, v1, v4;
	v1 =	vsel vm1, v7, v1;
	v7 =	vsel vm1, $0x1A, v3  }
0x160: {  	v2 =	vsel vm1, v3, v2;
	vm0 =	vgt.f32 v5, v4  }
0x161: {  	vm1 =	vgt.f32 v5, v1;
	v3 =	vsel vm0, v5, v4;
	v2 =	vsel vm0, $0x1B, v2;
	v4 =	vld [tilespmem:s17+$0x6280]  }
0x162: {  	v3 =	vsel vm1, v1, v3;
	v2 =	vsel vm1, v7, v2;
	v1 =	vsel vm1, v5, v1  }
0x163: {  	v5 =	vsel vm1, $0x1B, v7;
	vm0 =	vgt.f32 v6, v3  }
0x164: {  	vm1 =	vgt.f32 v6, v1;
	v3 =	vsel vm0, v6, v3;
	v2 =	vsel vm0, $0x1C, v2;
	v7 =	vld [tilespmem:s17+$0x6300]  }
0x165: {  	v3 =	vsel vm1, v1, v3;
	v2 =	vsel vm1, v5, v2;
	v1 =	vsel vm1, v6, v1  }
0x166: {  	v5 =	vsel vm1, $0x1C, v5;
	vm0 =	vgt.f32 v4, v3  }
0x167: {  	vm1 =	vgt.f32 v4, v1;
	v3 =	vsel vm0, v4, v3;
	v2 =	vsel vm0, $0x1D, v2;
	v6 =	vld [tilespmem:s17+$0x6380]  }
0x168: {  	v3 =	vsel vm1, v1, v3;
	v2 =	vsel vm1, v5, v2  }
0x169: {  	v1 =	vsel vm1, v4, v1;
	v4 =	vsel vm1, $0x1D, v5;
	vm0 =	vgt.f32 v7, v3  }
0x16a: {  	vm1 =	vgt.f32 v7, v1;
	v3 =	vsel vm0, v7, v3;
	v2 =	vsel vm0, $0x1E, v2;
	v5 =	vld [tilespmem:s17+$0x8000]  }
0x16b: {  	v3 =	vsel vm1, v1, v3;
	v2 =	vsel vm1, v4, v2  }
0x16c: {  	v1 =	vsel vm1, v7, v1;
	vm0 =	vgt.f32 v6, v3  }
0x16d: {  	v4 =	vsel vm1, $0x1E, v4;
	vm1 =	vgt.f32 v6, v1;
	v3 =	vsel vm0, v6, v3;
	v7 =	vld [tilespmem:s17+$0x8080]  }
0x16e: {  	v2 =	vsel vm0, $0x1F, v2;
	v8 =	vsel vm1, $0x1F, v4;
	v3 =	vsel vm1, v1, v3  }
0x16f: {  	v2 =	vsel vm1, v4, v2;
	v1 =	vsel vm1, v6, v1;
	vm0 =	vgt.f32 v5, v3  }
0x170: {  	vm1 =	vgt.f32 v5, v1;
	v3 =	vsel vm0, v5, v3;
	v2 =	vsel vm0, $0x20, v2;
	v4 =	vld [tilespmem:s17+$0x8100]  }
0x171: {  	v6 =	vsel vm1, $0x20, v8;
	v3 =	vsel vm1, v1, v3;
	v2 =	vsel vm1, v8, v2  }
0x172: {  	v1 =	vsel vm1, v5, v1;
	vm0 =	vgt.f32 v7, v3  }
0x173: {  	vm1 =	vgt.f32 v7, v1;
	v3 =	vsel vm0, v7, v3;
	v2 =	vsel vm0, $0x21, v2;
	v5 =	vld [tilespmem:s17+$0x8180]  }
0x174: {  	v3 =	vsel vm1, v1, v3;
	v2 =	vsel vm1, v6, v2;
	v6 =	vsel vm1, $0x21, v6  }
0x175: {  	v1 =	vsel vm1, v7, v1;
	vm0 =	vgt.f32 v4, v3  }
0x176: {  	vm1 =	vgt.f32 v4, v1;
	v3 =	vsel vm0, v4, v3;
	v2 =	vsel vm0, $0x22, v2;
	v7 =	vld [tilespmem:s17+$0x8200]  }
0x177: {  	v3 =	vsel vm1, v1, v3;
	v2 =	vsel vm1, v6, v2;
	v6 =	vsel vm1, $0x22, v6  }
0x178: {  	v1 =	vsel vm1, v4, v1;
	vm0 =	vgt.f32 v5, v3  }
0x179: {  	vm1 =	vgt.f32 v5, v1;
	v3 =	vsel vm0, v5, v3;
	v2 =	vsel vm0, $0x23, v2;
	v4 =	vld [tilespmem:s17+$0x8280]  }
0x17a: {  	v3 =	vsel vm1, v1, v3;
	v1 =	vsel vm1, v5, v1;
	v5 =	vsel vm1, $0x23, v6  }
0x17b: {  	v2 =	vsel vm1, v6, v2;
	vm0 =	vgt.f32 v7, v3  }
0x17c: {  	vm1 =	vgt.f32 v7, v1;
	v3 =	vsel vm0, v7, v3;
	v2 =	vsel vm0, $0x24, v2;
	v6 =	vld [tilespmem:s17+$0x8300]  }
0x17d: {  	v3 =	vsel vm1, v1, v3;
	v2 =	vsel vm1, v5, v2  }
0x17e: {  	v1 =	vsel vm1, v7, v1;
	v5 =	vsel vm1, $0x24, v5;
	vm0 =	vgt.f32 v4, v3  }
0x17f: {  	vm1 =	vgt.f32 v4, v1;
	v3 =	vsel vm0, v4, v3;
	v2 =	vsel vm0, $0x25, v2;
	v7 =	vld [tilespmem:s17+$0x8380]  }
0x180: {  	v3 =	vsel vm1, v1, v3;
	v2 =	vsel vm1, v5, v2  }
0x181: {  	v1 =	vsel vm1, v4, v1;
	v4 =	vsel vm1, $0x25, v5;
	vm0 =	vgt.f32 v6, v3  }
0x182: {  	vm1 =	vgt.f32 v6, v1;
	v3 =	vsel vm0, v6, v3;
	v2 =	vsel vm0, $0x26, v2;
	v5 =	vld [tilespmem:s17+$0xA000]  }
0x183: {  	v3 =	vsel vm1, v1, v3;
	v2 =	vsel vm1, v4, v2;
	v1 =	vsel vm1, v6, v1  }
0x184: {  	v4 =	vsel vm1, $0x26, v4;
	vm0 =	vgt.f32 v7, v3  }
0x185: {  	vm1 =	vgt.f32 v7, v1;
	v3 =	vsel vm0, v7, v3;
	v2 =	vsel vm0, $0x27, v2;
	v6 =	vld [tilespmem:s17+$0xA080]  }
0x186: {  	v3 =	vsel vm1, v1, v3;
	v2 =	vsel vm1, v4, v2;
	v1 =	vsel vm1, v7, v1  }
0x187: {  	vm0 =	vgt.f32 v5, v3  }
0x188: {  	vm2 =	vgt.f32 v5, v1;
	v3 =	vsel vm0, v5, v3;
	v2 =	vsel vm0, $0x28, v2;
	v7 =	vld [tilespmem:s17+$0xA100]  }
0x189: {  	v4 =	vsel vm1, $0x27, v4;
	v3 =	vsel vm2, v1, v3;
	v1 =	vsel vm2, v5, v1  }
0x18a: {  	v5 =	vsel vm2, $0x28, v4;
	vm0 =	vgt.f32 v6, v1;
	vm1 =	vgt.f32 v6, v3  }
0x18b: {  	v2 =	vsel vm2, v4, v2;
	v3 =	vsel vm1, v6, v3;
	v4 =	vsel vm0, $0x29, v5;
	v8 =	vld [tilespmem:s17+$0xA180]  }
0x18c: {  	v2 =	vsel vm1, $0x29, v2;
	v3 =	vsel vm0, v1, v3  }
0x18d: {  	v2 =	vsel vm0, v5, v2;
	v1 =	vsel vm0, v6, v1;
	vm0 =	vgt.f32 v7, v3  }
0x18e: {  	vm1 =	vgt.f32 v7, v1;
	v3 =	vsel vm0, v7, v3;
	v2 =	vsel vm0, $0x2A, v2;
	v5 =	vld [tilespmem:s17+$0xA200]  }
0x18f: {  	v3 =	vsel vm1, v1, v3;
	v2 =	vsel vm1, v4, v2;
	v4 =	vsel vm1, $0x2A, v4  }
0x190: {  	v1 =	vsel vm1, v7, v1;
	vm0 =	vgt.f32 v8, v3  }
0x191: {  	vm1 =	vgt.f32 v8, v1;
	v3 =	vsel vm0, v8, v3;
	v2 =	vsel vm0, $0x2B, v2;
	v6 =	vld [tilespmem:s17+$0xA280]  }
0x192: {  	v3 =	vsel vm1, v1, v3;
	v2 =	vsel vm1, v4, v2;
	v1 =	vsel vm1, v8, v1  }
0x193: {  	vm0 =	vgt.f32 v5, v3  }
0x194: {  	vm2 =	vgt.f32 v5, v1;
	v3 =	vsel vm0, v5, v3;
	v7 =	vld [tilespmem:s17+$0xA300]  }
0x195: {  	v3 =	vsel vm2, v1, v3  }
0x196: {  	v2 =	vsel vm0, $0x2C, v2;
	v1 =	vsel vm2, v5, v1;
	vm0 =	vgt.f32 v6, v3  }
0x197: {  	v4 =	vsel vm1, $0x2B, v4;
	vm1 =	vgt.f32 v6, v1;
	v3 =	vsel vm0, v6, v3;
	v5 =	vld [tilespmem:s17+$0xA380]  }
0x198: {  	v2 =	vsel vm2, v4, v2;
	v4 =	vsel vm2, $0x2C, v4;
	v3 =	vsel vm1, v1, v3  }
0x199: {  	v2 =	vsel vm0, $0x2D, v2;
	v1 =	vsel vm1, v6, v1;
	vm0 =	vgt.f32 v7, v3  }
0x19a: {  	v6 =	vsel vm1, $0x2D, v4;
	vm2 =	vgt.f32 v7, v1;
	v3 =	vsel vm0, v7, v3;
	v8 =	vld [tilespmem:s17+$0xC000]  }
0x19b: {  	v2 =	vsel vm1, v4, v2;
	v4 =	vsel vm2, $0x2E, v6;
	v3 =	vsel vm2, v1, v3  }
0x19c: {  	v2 =	vsel vm0, $0x2E, v2;
	v1 =	vsel vm2, v7, v1;
	vm0 =	vgt.f32 v5, v3  }
0x19d: {  	v2 =	vsel vm2, v6, v2;
	vm1 =	vgt.f32 v5, v1;
	v3 =	vsel vm0, v5, v3;
	v6 =	vld [tilespmem:s17+$0xC080]  }
0x19e: {  	v2 =	vsel vm0, $0x2F, v2;
	v3 =	vsel vm1, v1, v3  }
0x19f: {  	v1 =	vsel vm1, v5, v1;
	v5 =	vsel vm1, $0x2F, v4;
	vm0 =	vgt.f32 v8, v3  }
0x1a0: {  	v2 =	vsel vm1, v4, v2;
	vm1 =	vgt.f32 v8, v1;
	v3 =	vsel vm0, v8, v3;
	v4 =	vld [tilespmem:s17+$0xC100]  }
0x1a1: {  	v2 =	vsel vm0, $0x30, v2;
	v3 =	vsel vm1, v1, v3;
	v1 =	vsel vm1, v8, v1  }
0x1a2: {  	v2 =	vsel vm1, v5, v2;
	vm0 =	vgt.f32 v6, v3  }
0x1a3: {  	vm2 =	vgt.f32 v6, v1;
	v3 =	vsel vm0, v6, v3;
	v2 =	vsel vm0, $0x31, v2;
	v7 =	vld [tilespmem:s17+$0xC180]  }
0x1a4: {  	v5 =	vsel vm1, $0x30, v5;
	v3 =	vsel vm2, v1, v3;
	v1 =	vsel vm2, v6, v1  }
0x1a5: {  	v2 =	vsel vm2, v5, v2;
	v5 =	vsel vm2, $0x31, v5;
	vm0 =	vgt.f32 v4, v3  }
0x1a6: {  	vm1 =	vgt.f32 v4, v1;
	v3 =	vsel vm0, v4, v3;
	v2 =	vsel vm0, $0x32, v2;
	v6 =	vld [tilespmem:s17+$0xC200]  }
0x1a7: {  	v3 =	vsel vm1, v1, v3;
	v2 =	vsel vm1, v5, v2;
	v5 =	vsel vm1, $0x32, v5  }
0x1a8: {  	v1 =	vsel vm1, v4, v1;
	vm0 =	vgt.f32 v7, v3  }
0x1a9: {  	vm1 =	vgt.f32 v7, v1;
	v3 =	vsel vm0, v7, v3;
	v2 =	vsel vm0, $0x33, v2;
	v4 =	vld [tilespmem:s17+$0xC280]  }
0x1aa: {  	v3 =	vsel vm1, v1, v3;
	v2 =	vsel vm1, v5, v2;
	v5 =	vsel vm1, $0x33, v5  }
0x1ab: {  	v1 =	vsel vm1, v7, v1;
	vm0 =	vgt.f32 v6, v3  }
0x1ac: {  	vm1 =	vgt.f32 v6, v1;
	v3 =	vsel vm0, v6, v3;
	v2 =	vsel vm0, $0x34, v2;
	v7 =	vld [tilespmem:s17+$0xC300]  }
0x1ad: {  	v3 =	vsel vm1, v1, v3;
	v2 =	vsel vm1, v5, v2  }
0x1ae: {  	v1 =	vsel vm1, v6, v1;
	v5 =	vsel vm1, $0x34, v5;
	vm0 =	vgt.f32 v4, v3  }
0x1af: {  	vm1 =	vgt.f32 v4, v1;
	v3 =	vsel vm0, v4, v3;
	v2 =	vsel vm0, $0x35, v2;
	v6 =	vld [tilespmem:s17+$0xC380]  }
0x1b0: {  	v3 =	vsel vm1, v1, v3;
	v2 =	vsel vm1, v5, v2;
	v5 =	vsel vm1, $0x35, v5  }
0x1b1: {  	v1 =	vsel vm1, v4, v1;
	vm0 =	vgt.f32 v7, v3  }
0x1b2: {  	vm1 =	vgt.f32 v7, v1;
	v3 =	vsel vm0, v7, v3;
	v2 =	vsel vm0, $0x36, v2;
	v4 =	vld [tilespmem:s17+$0xE000]  }
0x1b3: {  	v3 =	vsel vm1, v1, v3;
	v2 =	vsel vm1, v5, v2;
	v5 =	vsel vm1, $0x36, v5  }
0x1b4: {  	v1 =	vsel vm1, v7, v1;
	vm0 =	vgt.f32 v6, v3  }
0x1b5: {  	vm1 =	vgt.f32 v6, v1;
	v3 =	vsel vm0, v6, v3;
	v2 =	vsel vm0, $0x37, v2;
	v7 =	vld [tilespmem:s17+$0xE080]  }
0x1b6: {  	v3 =	vsel vm1, v1, v3;
	v2 =	vsel vm1, v5, v2;
	v5 =	vsel vm1, $0x37, v5  }
0x1b7: {  	v1 =	vsel vm1, v6, v1;
	vm0 =	vgt.f32 v4, v3  }
0x1b8: {  	vm1 =	vgt.f32 v4, v1;
	v3 =	vsel vm0, v4, v3;
	v2 =	vsel vm0, $0x38, v2;
	v6 =	vld [tilespmem:s17+$0xE100]  }
0x1b9: {  	v3 =	vsel vm1, v1, v3;
	v2 =	vsel vm1, v5, v2  }
0x1ba: {  	v1 =	vsel vm1, v4, v1;
	vm0 =	vgt.f32 v7, v3  }
0x1bb: {  	vm2 =	vgt.f32 v7, v1;
	v3 =	vsel vm0, v7, v3;
	v2 =	vsel vm0, $0x39, v2;
	v4 =	vld [tilespmem:s17+$0xE180]  }
0x1bc: {  	v5 =	vsel vm1, $0x38, v5;
	v3 =	vsel vm2, v1, v3;
	v1 =	vsel vm2, v7, v1  }
0x1bd: {  	v7 =	vsel vm2, $0x39, v5;
	vm0 =	vgt.f32 v6, v1;
	vm1 =	vgt.f32 v6, v3  }
0x1be: {  	v2 =	vsel vm2, v5, v2;
	v3 =	vsel vm1, v6, v3;
	v5 =	vsel vm0, $0x3A, v7;
	v8 =	vld [tilespmem:s17+$0xE200]  }
0x1bf: {  	v2 =	vsel vm1, $0x3A, v2;
	v3 =	vsel vm0, v1, v3;
	v1 =	vsel vm0, v6, v1  }
0x1c0: {  	v2 =	vsel vm0, v7, v2;
	vm0 =	vgt.f32 v4, v3  }
0x1c1: {  	vm1 =	vgt.f32 v4, v1;
	v3 =	vsel vm0, v4, v3;
	v2 =	vsel vm0, $0x3B, v2;
	v6 =	vld [tilespmem:s17+$0xE280]  }
0x1c2: {  	v3 =	vsel vm1, v1, v3;
	v2 =	vsel vm1, v5, v2;
	v5 =	vsel vm1, $0x3B, v5  }
0x1c3: {  	v1 =	vsel vm1, v4, v1;
	vm0 =	vgt.f32 v8, v3  }
0x1c4: {  	vm1 =	vgt.f32 v8, v1;
	v3 =	vsel vm0, v8, v3;
	v2 =	vsel vm0, $0x3C, v2;
	v4 =	vld [tilespmem:s17+$0xE300]  }
0x1c5: {  	v3 =	vsel vm1, v1, v3;
	v2 =	vsel vm1, v5, v2  }
0x1c6: {  	v1 =	vsel vm1, v8, v1;
	v5 =	vsel vm1, $0x3C, v5;
	vm0 =	vgt.f32 v6, v3  }
0x1c7: {  	vm1 =	vgt.f32 v6, v1;
	v3 =	vsel vm0, v6, v3;
	v2 =	vsel vm0, $0x3D, v2;
	v7 =	vld [tilespmem:s17+$0xE380]  }
0x1c8: {  	v3 =	vsel vm1, v1, v3;
	v2 =	vsel vm1, v5, v2  }
0x1c9: {  	v1 =	vsel vm1, v6, v1;
	v5 =	vsel vm1, $0x3D, v5;
	vm0 =	vgt.f32 v4, v3  }
0x1ca: {  	vm1 =	vgt.f32 v4, v1;
	v3 =	vsel vm0, v4, v3;
	v2 =	vsel vm0, $0x3E, v2  }
0x1cb: {  	v3 =	vsel vm1, v1, v3;
	v2 =	vsel vm1, v5, v2  }
0x1cc: {  	s17 =	sshll.u32 s12, $0x5;
	s12 =	smov.u32 s16;
	v1 =	vsel vm1, v4, v1;
	v4 =	vsel vm1, $0x3E, v5;
	vm0 =	vgt.f32 v7, v3  }
0x1cd: {  	s16 =	sand.u32 $0xFFFFFF00, s17;
	vm1 =	vgt.f32 v7, v1;
	v3 =	vsel vm0, v7, v3;
	v2 =	vsel vm0, $0x3F, v2  }
0x1ce: {  	s16 =	sor.u32 s13, s16;
	v3 =	vsel vm1, v1, v3;
	v2 =	vsel vm1, v4, v2;
	v1 =	vsel vm1, v7, v1  }
0x1cf: {  	v4 =	vsel vm1, $0x3F, v4;
	v1 =	vsub.f32 v3, v1;
	[tilespmem:s16+$0x10880] =	vst v2  }
0x1d0: {  	[tilespmem:s16+$0x10800] =	vst v4  }
0x1d1: {  	v1 =	vmul.f32 $1.442695020e+00, v1;
	_ =	sdelay $0x1  }
0x1d2: {  	(erf) = vpow2.f32 v1;
	_ =	sdelay $0x8  }
0x1d3: {  	v1 =	vpop (erf)  }
0x1d4: {  	v1 =	vadd.f32 $1.000000000e+00, v1;
	_ =	sdelay $0x1  }
0x1d5: {  	(erf) = vrcp.f32 v1;
	_ =	sdelay $0x6  }
.Ltmp0:
0x1d6: {  	(pc) =	sbr.rel @p0 .LBB2_2-.Ltmp0, $4  }
0x1d7: {  	_ = 	snop  }
0x1d8: {  	v1 =	vpop (erf)  }
0x1d9: {  	s14 =	sadd.s32 $0x10, s14;
	s17 =	sshll.u32 s12, $0x7;
	[tilespmem:s16+$0x10000] =	vst v1;
	v1 =	vsub.f32 $1.000000000e+00, v1  }
0x1da: {  	s13 =	sand.u32 $0x70, s14;
	s17 =	sand.u32 $0x3FFFFC00, s17  }
0x1db: {  	s14 =	sor.u32 s13, s17;
	[tilespmem:s16+$0x10080] =	vst v1  }
0x1dc: {  	v1 =	vld [tilespmem:s14+$0x0]  }
0x1dd: {  	v2 =	vld [tilespmem:s14+$0x80];
	_ =	sdelay $0x3  }
0x1de: {  	v3 =	vld [tilespmem:s14+$0x100];
	vm0 =	vgt.f32 v1, $-Inf  }
0x1df: {  	vm8 =	vlt.f32 v2, $-Inf;
	vm1 =	vgt.f32 v2, $-Inf;
	v1 =	vnsel vm0, $0xFF800000, v1  }
0x1e0: {  	v4 =	vimm.s32 $0x0;
	vm14 =	vmor vm1, vm8;
	vm2 =	vgt.f32 v2, v1  }
0x1e1: {  	v5 =	vld [tilespmem:s14+$0x180];
	v61 =	vnsel vm14, $0xFF800000, v2;
	v4 =	vsel vm2, $0xFFFFFFFF, v4;
	vm1 =	vmneg vm2  }
0x1e2: {  	[tilespmem:$0x1F8A0] =	vst v4;
	v4 =	vsel vm1, v61, v1  }
0x1e3: {  	v1 =	vsel vm1, v1, v2;
	vm15 =	vgt.f32 v3, v4  }
0x1e4: {  	vm2 =	vgt.f32 v3, v1;
	v2 =	vsel vm15, v3, v4  }
0x1e5: {  	v62 =	vld [tilespmem:s14+$0x200];
	v2 =	vsel vm2, v1, v2  }
0x1e6: {  	v1 =	vsel vm2, v3, v1;
	v3 =	vimm.s32 $0x0;
	vm9 =	vgt.f32 v5, v2  }
0x1e7: {  	v3 =	vsel vm9, $0xFFFFFFFF, v3  }
0x1e8: {  	vm3 =	vgt.f32 v5, v1;
	v2 =	vsel vm9, v5, v2;
	[tilespmem:$0x1F8B0] =	vst v3;
	v3 =	vld [tilespmem:s14+$0x280]  }
0x1e9: {  	v2 =	vsel vm3, v1, v2  }
0x1ea: {  	v1 =	vsel vm3, v5, v1;
	vm10 =	vgt.f32 v62, v2  }
0x1eb: {  	v8 =	vld [tilespmem:s14+$0x300];
	vm4 =	vgt.f32 v62, v1;
	v2 =	vsel vm10, v62, v2  }
0x1ec: {  	v2 =	vsel vm4, v1, v2  }
0x1ed: {  	v1 =	vsel vm4, v62, v1;
	vm11 =	vgt.f32 v3, v2  }
0x1ee: {  	vm5 =	vgt.f32 v3, v1;
	v2 =	vsel vm11, v3, v2  }
0x1ef: {  	v10 =	vld [tilespmem:s14+$0x380];
	v2 =	vsel vm5, v1, v2  }
0x1f0: {  	v1 =	vsel vm5, v3, v1;
	v3 =	vimm.s32 $0x0;
	vm12 =	vgt.f32 v8, v2  }
0x1f1: {  	v3 =	vsel vm12, $0xFFFFFFFF, v3  }
0x1f2: {  	vm6 =	vgt.f32 v8, v1;
	v2 =	vsel vm12, v8, v2;
	[tilespmem:$0x1F8E0] =	vst v3;
	v3 =	vld [tilespmem:s14+$0x2000]  }
0x1f3: {  	v2 =	vsel vm6, v1, v2  }
0x1f4: {  	v1 =	vsel vm6, v8, v1;
	vm13 =	vgt.f32 v10, v2  }
0x1f5: {  	v12 =	vld [tilespmem:s14+$0x2080];
	vm7 =	vgt.f32 v10, v1;
	v2 =	vsel vm13, v10, v2  }
0x1f6: {  	v9 =	vimm.s32 $0x0;
	v13 =	vimm.s32 $0x0;
	v2 =	vsel vm7, v1, v2  }
0x1f7: {  	v4 =	vsel vm11, $0xFFFFFFFF, v9;
	v1 =	vsel vm7, v10, v1;
	vm8 =	vgt.f32 v3, v2  }
0x1f8: {  	[tilespmem:$0x1F8D0] =	vst v4;
	v4 =	vsel vm8, $0xFFFFFFFF, v13;
	v2 =	vsel vm8, v3, v2;
	vm8 =	vgt.f32 v3, v1  }
0x1f9: {  	v14 =	vld [tilespmem:s14+$0x2100];
	v2 =	vsel vm8, v1, v2  }
0x1fa: {  	v1 =	vsel vm8, v3, v1;
	v3 =	vimm.s32 $0x0;
	vm9 =	vgt.f32 v12, v2  }
0x1fb: {  	v63 =	vimm.s32 $0x0;
	v3 =	vsel vm9, $0xFFFFFFFF, v3  }
0x1fc: {  	v11 =	vimm.s32 $0x0;
	v2 =	vsel vm9, v12, v2;
	vm9 =	vgt.f32 v12, v1;
	[tilespmem:$0x1F910] =	vst v3;
	v3 =	vld [tilespmem:s14+$0x2180]  }
0x1fd: {  	v15 =	vimm.s32 $0x0;
	v5 =	vsel vm10, $0xFFFFFFFF, v63;
	v2 =	vsel vm9, v1, v2  }
0x1fe: {  	[tilespmem:$0x1F8C0] =	vst v5;
	v5 =	vsel vm13, $0xFFFFFFFF, v11;
	v1 =	vsel vm9, v12, v1;
	vm10 =	vgt.f32 v14, v2  }
0x1ff: {  	v16 =	vld [tilespmem:s14+$0x2200];
	[tilespmem:$0x1F8F0] =	vst v5;
	v5 =	vsel vm10, $0xFFFFFFFF, v15;
	v2 =	vsel vm10, v14, v2;
	vm10 =	vgt.f32 v14, v1  }
0x200: {  	v2 =	vsel vm10, v1, v2  }
0x201: {  	v17 =	vimm.s32 $0x0;
	v1 =	vsel vm10, v14, v1;
	vm11 =	vgt.f32 v3, v2  }
0x202: {  	[tilespmem:$0x1F900] =	vst v4;
	v4 =	vsel vm11, $0xFFFFFFFF, v17;
	v2 =	vsel vm11, v3, v2;
	vm11 =	vgt.f32 v3, v1  }
0x203: {  	v18 =	vld [tilespmem:s14+$0x2280];
	v2 =	vsel vm11, v1, v2  }
0x204: {  	v1 =	vsel vm11, v3, v1;
	v3 =	vimm.s32 $0x0;
	vm12 =	vgt.f32 v16, v2  }
0x205: {  	v3 =	vsel vm12, $0xFFFFFFFF, v3  }
0x206: {  	v19 =	vimm.s32 $0x0;
	v2 =	vsel vm12, v16, v2;
	vm12 =	vgt.f32 v16, v1;
	[tilespmem:$0x1F940] =	vst v3;
	v3 =	vld [tilespmem:s14+$0x2300]  }
0x207: {  	v21 =	vimm.s32 $0x0;
	v25 =	vimm.s32 $0x0;
	v2 =	vsel vm12, v1, v2  }
0x208: {  	v28 =	vimm.s32 $0x0;
	v1 =	vsel vm12, v16, v1;
	vm13 =	vgt.f32 v18, v2  }
0x209: {  	v20 =	vld [tilespmem:s14+$0x2380];
	[tilespmem:$0x1F920] =	vst v5;
	v5 =	vsel vm13, $0xFFFFFFFF, v19;
	v2 =	vsel vm13, v18, v2;
	vm13 =	vgt.f32 v18, v1  }
0x20a: {  	v31 =	vimm.s32 $0x0;
	v34 =	vimm.s32 $0x0;
	v2 =	vsel vm13, v1, v2  }
0x20b: {  	v37 =	vimm.s32 $0x0;
	v1 =	vsel vm13, v18, v1;
	vm0 =	vgt.f32 v3, v2  }
0x20c: {  	[tilespmem:$0x1F930] =	vst v4;
	v4 =	vsel vm0, $0xFFFFFFFF, v21;
	v2 =	vsel vm0, v3, v2;
	vm0 =	vgt.f32 v3, v1  }
0x20d: {  	v40 =	vimm.s32 $0x0;
	vm14 =	vmand vm14, vm1;
	v2 =	vsel vm0, v1, v2  }
0x20e: {  	v1 =	vsel vm0, v3, v1;
	v3 =	vimm.s32 $0x0;
	vm1 =	vgt.f32 v20, v2  }
0x20f: {  	v43 =	vimm.s32 $0x0;
	v46 =	vimm.s32 $0x0;
	v22 =	vld [tilespmem:s14+$0x4000];
	v3 =	vsel vm1, $0xFFFFFFFF, v3  }
0x210: {  	v49 =	vimm.s32 $0x0;
	v52 =	vimm.s32 $0x0;
	v55 =	vimm.s32 $0x0;
	[tilespmem:$0x1F970] =	vst v3;
	v3 =	vld [tilespmem:$0x1F8A0]  }
0x211: {  	v58 =	vimm.s32 $0x0;
	v61 =	vimm.s32 $0x0;
	v6 =	vsel vm14, $0x1, v0  }
0x212: {  	v6 =	vsel vm15, $0x2, v6;
	v23 =	vld [tilespmem:$0x1F8B0];
	v63 =	vimm.s32 $0x0;
	v8 =	vimm.s32 $0x0  }
0x213: {  	v11 =	vimm.s32 $0x0;
	v2 =	vsel vm1, v20, v2;
	vm1 =	vgt.f32 v20, v1  }
0x214: {  	v26 =	vld [tilespmem:$0x1F8C0];
	v14 =	vimm.s32 $0x0;
	v17 =	vimm.s32 $0x0;
	v2 =	vsel vm1, v1, v2  }
0x215: {  	v7 =	vld [tilespmem:s14+$0x4080];
	v1 =	vsel vm1, v20, v1;
	vm15 =	vgt.f32 v22, v2;
	vm14 =	vnez.u8 v3  }
0x216: {  	v20 =	vimm.s32 $0x0;
	v2 =	vsel vm15, v22, v2;
	v3 =	vsel vm14, $0x1, v0  }
0x217: {  	vm14 =	vnez.u8 v23;
	v23 =	vimm.s32 $0x0;
	v6 =	vsel vm2, v3, v6  }
0x218: {  	v29 =	vld [tilespmem:$0x1F8D0];
	[tilespmem:$0x1F950] =	vst v5;
	v3 =	vsel vm2, $0x2, v3;
	vm2 =	vgt.f32 v22, v1;
	v5 =	vsel vm14, $0x3, v6  }
0x219: {  	v24 =	vld [tilespmem:s14+$0x4100];
	v2 =	vsel vm2, v1, v2;
	v1 =	vsel vm2, v22, v1;
	vm14 =	vnez.u8 v26  }
0x21a: {  	v5 =	vsel vm3, v3, v5;
	v3 =	vsel vm3, $0x3, v3;
	vm3 =	vgt.f32 v7, v2  }
0x21b: {  	v32 =	vld [tilespmem:$0x1F8E0];
	[tilespmem:$0x1F960] =	vst v4;
	v4 =	vsel vm3, $0xFFFFFFFF, v25;
	v2 =	vsel vm3, v7, v2;
	vm3 =	vgt.f32 v7, v1  }
0x21c: {  	v27 =	vld [tilespmem:s14+$0x4180];
	v26 =	vimm.s32 $0x0;
	[tilespmem:$0x1F980] =	vst v4;
	v4 =	vsel vm14, $0x4, v5;
	v2 =	vsel vm3, v1, v2  }
0x21d: {  	v35 =	vld [tilespmem:$0x1F8F0];
	v1 =	vsel vm3, v7, v1;
	vm14 =	vnez.u8 v29;
	v29 =	vimm.s32 $0x0  }
0x21e: {  	v4 =	vsel vm4, v3, v4;
	v3 =	vsel vm4, $0x4, v3;
	vm4 =	vgt.f32 v24, v2  }
0x21f: {  	v7 =	vsel vm4, $0xFFFFFFFF, v28;
	v4 =	vsel vm14, $0x5, v4;
	v2 =	vsel vm4, v24, v2  }
0x220: {  	v38 =	vld [tilespmem:$0x1F900];
	vm4 =	vgt.f32 v24, v1;
	vm14 =	vnez.u8 v32;
	v4 =	vsel vm5, v3, v4  }
0x221: {  	v30 =	vld [tilespmem:s14+$0x4200];
	v2 =	vsel vm4, v1, v2;
	v3 =	vsel vm5, $0x5, v3;
	v1 =	vsel vm4, v24, v1  }
0x222: {  	vm5 =	vgt.f32 v27, v2;
	v4 =	vsel vm14, $0x6, v4;
	vm14 =	vnez.u8 v35  }
0x223: {  	v41 =	vld [tilespmem:$0x1F910];
	v6 =	vsel vm5, $0xFFFFFFFF, v31;
	v2 =	vsel vm5, v27, v2;
	vm5 =	vgt.f32 v27, v1  }
0x224: {  	v4 =	vsel vm6, v3, v4;
	v3 =	vsel vm6, $0x6, v3;
	v2 =	vsel vm5, v1, v2  }
0x225: {  	v33 =	vld [tilespmem:s14+$0x4280];
	v1 =	vsel vm5, v27, v1;
	v4 =	vsel vm14, $0x7, v4;
	vm14 =	vnez.u8 v38  }
0x226: {  	v44 =	vld [tilespmem:$0x1F920];
	vm6 =	vgt.f32 v30, v2;
	v4 =	vsel vm7, v3, v4;
	v3 =	vsel vm7, $0x7, v3  }
0x227: {  	v5 =	vsel vm6, $0xFFFFFFFF, v34;
	v2 =	vsel vm6, v30, v2;
	vm6 =	vgt.f32 v30, v1  }
0x228: {  	v4 =	vsel vm14, $0x8, v4;
	vm14 =	vnez.u8 v41;
	v34 =	vimm.s32 $0x0  }
0x229: {  	v36 =	vld [tilespmem:s14+$0x4300];
	v41 =	vimm.s32 $0x0;
	v2 =	vsel vm6, v1, v2;
	v1 =	vsel vm6, v30, v1  }
0x22a: {  	v47 =	vld [tilespmem:$0x1F930];
	v4 =	vsel vm8, v3, v4;
	v3 =	vsel vm8, $0x8, v3;
	vm7 =	vgt.f32 v33, v2  }
0x22b: {  	v4 =	vsel vm14, $0x9, v4;
	vm14 =	vnez.u8 v44;
	v44 =	vimm.s32 $0x0  }
0x22c: {  	v50 =	vld [tilespmem:$0x1F940];
	[tilespmem:$0x1F990] =	vst v7;
	v7 =	vsel vm7, $0xFFFFFFFF, v37;
	v2 =	vsel vm7, v33, v2;
	vm7 =	vgt.f32 v33, v1  }
0x22d: {  	v4 =	vsel vm9, v3, v4;
	v3 =	vsel vm9, $0x9, v3;
	v37 =	vimm.s32 $0x0  }
0x22e: {  	v39 =	vld [tilespmem:s14+$0x4380];
	v2 =	vsel vm7, v1, v2;
	v1 =	vsel vm7, v33, v1;
	v4 =	vsel vm14, $0xA, v4  }
0x22f: {  	v53 =	vld [tilespmem:$0x1F950];
	vm14 =	vnez.u8 v47;
	vm8 =	vgt.f32 v36, v2;
	v4 =	vsel vm10, v3, v4  }
0x230: {  	[tilespmem:$0x1F9A0] =	vst v6;
	v3 =	vsel vm10, $0xA, v3;
	v6 =	vsel vm8, $0xFFFFFFFF, v40;
	v2 =	vsel vm8, v36, v2  }
0x231: {  	v42 =	vld [tilespmem:s14+$0x6000];
	vm8 =	vgt.f32 v36, v1;
	v4 =	vsel vm14, $0xB, v4;
	vm14 =	vnez.u8 v50  }
0x232: {  	v56 =	vld [tilespmem:$0x1F960];
	v40 =	vimm.s32 $0x0;
	v2 =	vsel vm8, v1, v2;
	v1 =	vsel vm8, v36, v1  }
0x233: {  	v4 =	vsel vm11, v3, v4;
	v3 =	vsel vm11, $0xB, v3;
	vm9 =	vgt.f32 v39, v2  }
0x234: {  	[tilespmem:$0x1F9B0] =	vst v5;
	v4 =	vsel vm14, $0xC, v4;
	vm14 =	vnez.u8 v53;
	v5 =	vsel vm9, $0xFFFFFFFF, v43  }
0x235: {  	v59 =	vld [tilespmem:$0x1F970];
	v2 =	vsel vm9, v39, v2;
	vm9 =	vgt.f32 v39, v1;
	v4 =	vsel vm12, v3, v4  }
0x236: {  	v45 =	vld [tilespmem:s14+$0x6080];
	v3 =	vsel vm12, $0xC, v3;
	v2 =	vsel vm9, v1, v2;
	v1 =	vsel vm9, v39, v1  }
0x237: {  	v4 =	vsel vm14, $0xD, v4;
	vm14 =	vnez.u8 v56;
	vm10 =	vgt.f32 v42, v2  }
0x238: {  	[tilespmem:$0x1F9C0] =	vst v7;
	v4 =	vsel vm13, v3, v4;
	v3 =	vsel vm13, $0xD, v3;
	v7 =	vsel vm10, $0xFFFFFFFF, v46  }
0x239: {  	v48 =	vld [tilespmem:s14+$0x6100];
	v2 =	vsel vm10, v42, v2;
	vm10 =	vgt.f32 v42, v1;
	v4 =	vsel vm14, $0xE, v4  }
0x23a: {  	v9 =	vld [tilespmem:$0x1F980];
	vm14 =	vnez.u8 v59;
	v2 =	vsel vm10, v1, v2;
	v1 =	vsel vm10, v42, v1  }
0x23b: {  	v4 =	vsel vm0, v3, v4;
	v3 =	vsel vm0, $0xE, v3;
	vm11 =	vgt.f32 v45, v2  }
0x23c: {  	[tilespmem:$0x1F9D0] =	vst v6;
	v4 =	vsel vm14, $0xF, v4;
	v6 =	vsel vm11, $0xFFFFFFFF, v49;
	v2 =	vsel vm11, v45, v2  }
0x23d: {  	v12 =	vld [tilespmem:$0x1F990];
	vm11 =	vgt.f32 v45, v1;
	v4 =	vsel vm1, v3, v4;
	v3 =	vsel vm1, $0xF, v3  }
0x23e: {  	v51 =	vld [tilespmem:s14+$0x6180];
	v2 =	vsel vm11, v1, v2;
	v1 =	vsel vm11, v45, v1;
	v4 =	vsel vm15, $0x10, v4  }
0x23f: {  	v15 =	vld [tilespmem:$0x1F9A0];
	vm15 =	vnez.u8 v9;
	v45 =	vimm.s32 $0x0;
	vm12 =	vgt.f32 v48, v2  }
0x240: {  	[tilespmem:$0x1F9E0] =	vst v5;
	v4 =	vsel vm2, v3, v4;
	v3 =	vsel vm2, $0x10, v3;
	v5 =	vsel vm12, $0xFFFFFFFF, v52  }
0x241: {  	v2 =	vsel vm12, v48, v2;
	vm12 =	vgt.f32 v48, v1;
	v4 =	vsel vm15, $0x11, v4  }
0x242: {  	vm15 =	vnez.u8 v12;
	v2 =	vsel vm12, v1, v2;
	v1 =	vsel vm12, v48, v1  }
0x243: {  	v18 =	vld [tilespmem:$0x1F9B0];
	v4 =	vsel vm3, v3, v4;
	v3 =	vsel vm3, $0x11, v3;
	v48 =	vimm.s32 $0x0  }
0x244: {  	v54 =	vld [tilespmem:s14+$0x6200];
	vm13 =	vgt.f32 v51, v2;
	v4 =	vsel vm15, $0x12, v4;
	vm15 =	vnez.u8 v15  }
0x245: {  	[tilespmem:$0x1F9F0] =	vst v7;
	v15 =	vimm.s32 $0x0;
	v7 =	vsel vm13, $0xFFFFFFFF, v55;
	v2 =	vsel vm13, v51, v2  }
0x246: {  	v21 =	vld [tilespmem:$0x1F9C0];
	vm13 =	vgt.f32 v51, v1;
	v4 =	vsel vm4, v3, v4;
	v3 =	vsel vm4, $0x12, v3  }
0x247: {  	v2 =	vsel vm13, v1, v2;
	v1 =	vsel vm13, v51, v1;
	v4 =	vsel vm15, $0x13, v4  }
0x248: {  	v57 =	vld [tilespmem:s14+$0x6280];
	vm15 =	vnez.u8 v18;
	v51 =	vimm.s32 $0x0;
	v18 =	vimm.s32 $0x0  }
0x249: {  	v24 =	vld [tilespmem:$0x1F9D0];
	vm0 =	vgt.f32 v54, v2;
	vm14 =	vgt.f32 v54, v1;
	v4 =	vsel vm5, v3, v4  }
0x24a: {  	[tilespmem:$0x1FA00] =	vst v6;
	v3 =	vsel vm5, $0x13, v3;
	v6 =	vsel vm0, $0xFFFFFFFF, v58;
	v2 =	vsel vm0, v54, v2  }
0x24b: {  	v4 =	vsel vm15, $0x14, v4;
	vm15 =	vnez.u8 v21;
	v21 =	vimm.s32 $0x0  }
0x24c: {  	v27 =	vld [tilespmem:$0x1F9E0];
	v2 =	vsel vm14, v1, v2;
	v1 =	vsel vm14, v54, v1;
	v4 =	vsel vm6, v3, v4  }
0x24d: {  	v60 =	vld [tilespmem:s14+$0x6300];
	v3 =	vsel vm6, $0x14, v3;
	v54 =	vimm.s32 $0x0;
	vm0 =	vgt.f32 v57, v2  }
0x24e: {  	vm1 =	vgt.f32 v57, v1;
	v4 =	vsel vm15, $0x15, v4;
	vm15 =	vnez.u8 v24  }
0x24f: {  	v30 =	vld [tilespmem:$0x1F9F0];
	[tilespmem:$0x1FA10] =	vst v5;
	v5 =	vsel vm0, $0xFFFFFFFF, v61;
	v2 =	vsel vm0, v57, v2;
	v4 =	vsel vm7, v3, v4  }
0x250: {  	v3 =	vsel vm7, $0x15, v3;
	v61 =	vimm.s32 $0x0;
	v2 =	vsel vm1, v1, v2  }
0x251: {  	v62 =	vld [tilespmem:s14+$0x6380];
	v1 =	vsel vm1, v57, v1;
	v4 =	vsel vm15, $0x16, v4;
	vm15 =	vnez.u8 v27  }
0x252: {  	v32 =	vld [tilespmem:$0x1FA00];
	v57 =	vimm.s32 $0x0;
	vm0 =	vgt.f32 v60, v2;
	vm2 =	vgt.f32 v60, v1  }
0x253: {  	[tilespmem:$0x1FA20] =	vst v7;
	v4 =	vsel vm8, v3, v4;
	v3 =	vsel vm8, $0x16, v3;
	v7 =	vsel vm0, $0xFFFFFFFF, v63  }
0x254: {  	v2 =	vsel vm0, v60, v2;
	v4 =	vsel vm15, $0x17, v4;
	vm15 =	vnez.u8 v30  }
0x255: {  	v10 =	vld [tilespmem:s14+$0x8000];
	v2 =	vsel vm2, v1, v2;
	v1 =	vsel vm2, v60, v1;
	v4 =	vsel vm9, v3, v4  }
0x256: {  	v3 =	vsel vm9, $0x17, v3;
	v60 =	vimm.s32 $0x0;
	vm0 =	vgt.f32 v62, v2  }
0x257: {  	v35 =	vld [tilespmem:$0x1FA10];
	vm3 =	vgt.f32 v62, v1;
	v4 =	vsel vm15, $0x18, v4;
	vm15 =	vnez.u8 v32  }
0x258: {  	v13 =	vld [tilespmem:s14+$0x8080];
	[tilespmem:$0x1FA30] =	vst v6;
	v6 =	vsel vm0, $0xFFFFFFFF, v11;
	v2 =	vsel vm0, v62, v2;
	v4 =	vsel vm10, v3, v4  }
0x259: {  	v3 =	vsel vm10, $0x18, v3;
	v11 =	vimm.s32 $0x0;
	v2 =	vsel vm3, v1, v2  }
0x25a: {  	v1 =	vsel vm3, v62, v1;
	v4 =	vsel vm15, $0x19, v4;
	vm0 =	vgt.f32 v10, v2  }
0x25b: {  	v16 =	vld [tilespmem:s14+$0x8100];
	vm4 =	vgt.f32 v10, v1;
	v4 =	vsel vm11, v3, v4;
	v2 =	vsel vm0, v10, v2  }
0x25c: {  	v3 =	vsel vm11, $0x19, v3;
	vm11 =	vnez.u8 v35;
	v2 =	vsel vm4, v1, v2  }
0x25d: {  	v38 =	vld [tilespmem:$0x1FA20];
	[tilespmem:$0x1FA40] =	vst v5;
	v5 =	vsel vm0, $0xFFFFFFFF, v14;
	v1 =	vsel vm4, v10, v1;
	vm0 =	vgt.f32 v13, v2  }
0x25e: {  	v19 =	vld [tilespmem:s14+$0x8180];
	v35 =	vimm.s32 $0x0;
	vm5 =	vgt.f32 v13, v1;
	v2 =	vsel vm0, v13, v2  }
0x25f: {  	v4 =	vsel vm11, $0x1A, v4;
	v14 =	vimm.s32 $0x0;
	v2 =	vsel vm5, v1, v2  }
0x260: {  	[tilespmem:$0x1FA50] =	vst v7;
	v7 =	vsel vm0, $0xFFFFFFFF, v17;
	v1 =	vsel vm5, v13, v1;
	vm0 =	vgt.f32 v16, v2  }
0x261: {  	v22 =	vld [tilespmem:s14+$0x8200];
	v4 =	vsel vm12, v3, v4;
	vm6 =	vgt.f32 v16, v1;
	v2 =	vsel vm0, v16, v2  }
0x262: {  	v3 =	vsel vm12, $0x1A, v3;
	vm12 =	vnez.u8 v38;
	v2 =	vsel vm6, v1, v2  }
0x263: {  	v42 =	vld [tilespmem:$0x1FA30];
	[tilespmem:$0x1FA60] =	vst v6;
	v6 =	vsel vm0, $0xFFFFFFFF, v20;
	v1 =	vsel vm6, v16, v1;
	vm0 =	vgt.f32 v19, v2  }
0x264: {  	v25 =	vld [tilespmem:s14+$0x8280];
	v4 =	vsel vm12, $0x1B, v4;
	vm7 =	vgt.f32 v19, v1;
	v2 =	vsel vm0, v19, v2  }
0x265: {  	v38 =	vimm.s32 $0x0;
	v4 =	vsel vm13, v3, v4;
	v2 =	vsel vm7, v1, v2  }
0x266: {  	v46 =	vld [tilespmem:$0x1FA40];
	[tilespmem:$0x1FA70] =	vst v5;
	v5 =	vsel vm0, $0xFFFFFFFF, v23;
	v1 =	vsel vm7, v19, v1;
	vm0 =	vgt.f32 v22, v2  }
0x267: {  	v28 =	vld [tilespmem:s14+$0x8300];
	v3 =	vsel vm13, $0x1B, v3;
	vm8 =	vgt.f32 v22, v1;
	v2 =	vsel vm0, v22, v2  }
0x268: {  	vm13 =	vnez.u8 v42;
	v42 =	vimm.s32 $0x0;
	v2 =	vsel vm8, v1, v2  }
0x269: {  	[tilespmem:$0x1FA80] =	vst v7;
	v7 =	vsel vm0, $0xFFFFFFFF, v26;
	v1 =	vsel vm8, v22, v1;
	vm0 =	vgt.f32 v25, v2  }
0x26a: {  	v31 =	vld [tilespmem:s14+$0x8380];
	v4 =	vsel vm13, $0x1C, v4;
	vm9 =	vgt.f32 v25, v1;
	v2 =	vsel vm0, v25, v2  }
0x26b: {  	vm13 =	vnez.u8 v46;
	v4 =	vsel vm14, v3, v4;
	v2 =	vsel vm9, v1, v2  }
0x26c: {  	v3 =	vsel vm14, $0x1C, v3;
	v1 =	vsel vm9, v25, v1;
	vm10 =	vgt.f32 v28, v2  }
0x26d: {  	v33 =	vld [tilespmem:s14+$0xA000];
	v4 =	vsel vm13, $0x1D, v4;
	vm15 =	vgt.f32 v28, v1;
	v2 =	vsel vm10, v28, v2  }
0x26e: {  	v4 =	vsel vm1, v3, v4;
	v3 =	vsel vm1, $0x1D, v3;
	v2 =	vsel vm15, v1, v2  }
0x26f: {  	[tilespmem:$0x1FA90] =	vst v6;
	v6 =	vsel vm0, $0xFFFFFFFF, v29;
	v1 =	vsel vm15, v28, v1;
	vm0 =	vgt.f32 v31, v2  }
0x270: {  	v36 =	vld [tilespmem:s14+$0xA080];
	v23 =	vimm.s32 $0x0;
	vm11 =	vgt.f32 v31, v1;
	v2 =	vsel vm0, v31, v2  }
0x271: {  	[tilespmem:$0x1FAB0] =	vst v7;
	v28 =	vimm.s32 $0x0;
	v7 =	vsel vm0, $0xFFFFFFFF, v34;
	v2 =	vsel vm11, v1, v2  }
0x272: {  	v49 =	vld [tilespmem:$0x1FA50];
	v8 =	vsel vm11, $0xFFFFFFFF, v8;
	v1 =	vsel vm11, v31, v1;
	vm11 =	vgt.f32 v33, v2  }
0x273: {  	v39 =	vld [tilespmem:s14+$0xA100];
	[tilespmem:$0x1FAC0] =	vst v6;
	v6 =	vsel vm11, $0xFFFFFFFF, v37;
	v2 =	vsel vm11, v33, v2;
	vm11 =	vgt.f32 v33, v1  }
0x274: {  	[tilespmem:$0x1FAA0] =	vst v5;
	v31 =	vimm.s32 $0x0;
	v2 =	vsel vm11, v1, v2;
	v1 =	vsel vm11, v33, v1  }
0x275: {  	v43 =	vld [tilespmem:s14+$0xA180];
	[tilespmem:$0x1FAE0] =	vst v8;
	v8 =	vsel vm11, $0xFFFFFFFF, v40;
	vm12 =	vgt.f32 v36, v2;
	vm11 =	vgt.f32 v36, v1  }
0x276: {  	v26 =	vld [tilespmem:$0x1FAE0];
	[tilespmem:$0x1FB00] =	vst v8;
	v5 =	vsel vm12, $0xFFFFFFFF, v41;
	v2 =	vsel vm12, v36, v2;
	v8 =	vsel vm11, $0xFFFFFFFF, v44  }
0x277: {  	v2 =	vsel vm11, v1, v2;
	v1 =	vsel vm11, v36, v1;
	vm11 =	vnez.u8 v49  }
0x278: {  	v52 =	vld [tilespmem:$0x1FA60];
	v44 =	vimm.s32 $0x0;
	vm12 =	vgt.f32 v39, v2;
	v4 =	vsel vm11, $0x1E, v4  }
0x279: {  	v47 =	vld [tilespmem:s14+$0xA200];
	[tilespmem:$0x1FAD0] =	vst v7;
	v7 =	vsel vm12, $0xFFFFFFFF, v45;
	v2 =	vsel vm12, v39, v2;
	vm12 =	vgt.f32 v39, v1  }
0x27a: {  	v4 =	vsel vm2, v3, v4;
	v3 =	vsel vm2, $0x1E, v3;
	v2 =	vsel vm12, v1, v2  }
0x27b: {  	v55 =	vld [tilespmem:$0x1FA70];
	vm2 =	vnez.u8 v26;
	v1 =	vsel vm12, v39, v1;
	vm14 =	vgt.f32 v43, v2  }
0x27c: {  	[tilespmem:$0x1FAF0] =	vst v6;
	vm1 =	vgt.f32 v43, v1;
	v6 =	vsel vm14, $0xFFFFFFFF, v48;
	v2 =	vsel vm14, v43, v2  }
0x27d: {  	v50 =	vld [tilespmem:s14+$0xA280];
	vm14 =	vnez.u8 v52;
	v2 =	vsel vm1, v1, v2;
	v1 =	vsel vm1, v43, v1  }
0x27e: {  	v4 =	vsel vm14, $0x1F, v4;
	vm13 =	vgt.f32 v47, v2;
	vm14 =	vgt.f32 v47, v1  }
0x27f: {  	v58 =	vld [tilespmem:$0x1FA80];
	[tilespmem:$0x1FB10] =	vst v5;
	v4 =	vsel vm3, v3, v4;
	v3 =	vsel vm3, $0x1F, v3;
	v5 =	vsel vm13, $0xFFFFFFFF, v51  }
0x280: {  	v53 =	vld [tilespmem:s14+$0xA300];
	v2 =	vsel vm13, v47, v2;
	vm13 =	vnez.u8 v55;
	v51 =	vimm.s32 $0x0  }
0x281: {  	v62 =	vld [tilespmem:$0x1FA90];
	v2 =	vsel vm14, v1, v2;
	v1 =	vsel vm14, v47, v1;
	v4 =	vsel vm13, $0x20, v4  }
0x282: {  	v56 =	vld [tilespmem:s14+$0xA380];
	vm11 =	vgt.f32 v50, v2;
	vm3 =	vgt.f32 v50, v1;
	v4 =	vsel vm4, v3, v4  }
0x283: {  	v32 =	vld [tilespmem:$0x1FB10];
	[tilespmem:$0x1FB30] =	vst v7;
	v3 =	vsel vm4, $0x20, v3;
	v7 =	vsel vm11, $0xFFFFFFFF, v54;
	v2 =	vsel vm11, v50, v2  }
0x284: {  	v12 =	vld [tilespmem:$0x1FAA0];
	[tilespmem:$0x1FB20] =	vst v8;
	vm11 =	vnez.u8 v58;
	v2 =	vsel vm3, v1, v2;
	v1 =	vsel vm3, v50, v1  }
0x285: {  	v34 =	vld [tilespmem:$0x1FB20];
	v4 =	vsel vm11, $0x21, v4;
	vm4 =	vgt.f32 v53, v2;
	vm13 =	vgt.f32 v53, v1  }
0x286: {  	v4 =	vsel vm5, v3, v4;
	v3 =	vsel vm5, $0x21, v3;
	vm5 =	vnez.u8 v62  }
0x287: {  	v59 =	vld [tilespmem:s14+$0xC000];
	[tilespmem:$0x1FB40] =	vst v6;
	v6 =	vsel vm4, $0xFFFFFFFF, v57;
	v2 =	vsel vm4, v53, v2;
	v8 =	vsel vm13, $0xFFFFFFFF, v60  }
0x288: {  	v16 =	vld [tilespmem:$0x1FAB0];
	v4 =	vsel vm5, $0x22, v4;
	vm5 =	vnez.u8 v32;
	v2 =	vsel vm13, v1, v2  }
0x289: {  	v24 =	vld [tilespmem:$0x1FAD0];
	v1 =	vsel vm13, v53, v1;
	v4 =	vsel vm6, v3, v4;
	v3 =	vsel vm6, $0x22, v3  }
0x28a: {  	v19 =	vld [tilespmem:$0x1FAC0];
	vm13 =	vnez.u8 v12;
	vm6 =	vnez.u8 v34;
	vm4 =	vgt.f32 v56, v2  }
0x28b: {  	[tilespmem:$0x1FB50] =	vst v5;
	vm0 =	vgt.f32 v56, v1;
	v4 =	vsel vm13, $0x23, v4;
	v5 =	vsel vm4, $0xFFFFFFFF, v61  }
0x28c: {  	v27 =	vld [tilespmem:$0x1FAF0];
	v2 =	vsel vm4, v56, v2;
	v4 =	vsel vm7, v3, v4;
	v3 =	vsel vm7, $0x23, v3  }
0x28d: {  	vm7 =	vnez.u8 v16;
	v2 =	vsel vm0, v1, v2;
	v1 =	vsel vm0, v56, v1  }
0x28e: {  	v63 =	vld [tilespmem:s14+$0xC080];
	v4 =	vsel vm7, $0x24, v4;
	vm7 =	vnez.u8 v24;
	vm11 =	vgt.f32 v59, v2  }
0x28f: {  	v4 =	vsel vm8, v3, v4;
	v3 =	vsel vm8, $0x24, v3;
	vm8 =	vnez.u8 v19  }
0x290: {  	[tilespmem:$0x1FB60] =	vst v7;
	v7 =	vsel vm11, $0xFFFFFFFF, v11;
	v2 =	vsel vm11, v59, v2;
	vm11 =	vgt.f32 v59, v1  }
0x291: {  	v30 =	vld [tilespmem:$0x1FB00];
	[tilespmem:$0x1FB80] =	vst v8;
	v4 =	vsel vm8, $0x25, v4;
	vm8 =	vnez.u8 v27;
	v8 =	vsel vm11, $0xFFFFFFFF, v14  }
0x292: {  	v13 =	vld [tilespmem:s14+$0xC100];
	v2 =	vsel vm11, v1, v2;
	v1 =	vsel vm11, v59, v1;
	v4 =	vsel vm9, v3, v4  }
0x293: {  	v3 =	vsel vm9, $0x25, v3;
	vm13 =	vgt.f32 v63, v2;
	v4 =	vsel vm10, $0x26, v4  }
0x294: {  	[tilespmem:$0x1FB70] =	vst v6;
	v6 =	vsel vm13, $0xFFFFFFFF, v15;
	v2 =	vsel vm13, v63, v2;
	vm13 =	vgt.f32 v63, v1  }
0x295: {  	v17 =	vld [tilespmem:s14+$0xC180];
	v4 =	vsel vm15, v3, v4;
	v3 =	vsel vm15, $0x26, v3;
	v2 =	vsel vm13, v1, v2  }
0x296: {  	v1 =	vsel vm13, v63, v1;
	v4 =	vsel vm7, $0x27, v4;
	vm7 =	vnez.u8 v30  }
0x297: {  	vm11 =	vgt.f32 v13, v2;
	v4 =	vsel vm2, v3, v4;
	v3 =	vsel vm2, $0x27, v3  }
0x298: {  	v20 =	vld [tilespmem:s14+$0xC200];
	[tilespmem:$0x1FB90] =	vst v5;
	v5 =	vsel vm11, $0xFFFFFFFF, v18;
	v2 =	vsel vm11, v13, v2;
	vm11 =	vgt.f32 v13, v1  }
0x299: {  	v36 =	vld [tilespmem:$0x1FB30];
	v4 =	vsel vm8, $0x28, v4;
	v2 =	vsel vm11, v1, v2;
	v1 =	vsel vm11, v13, v1  }
0x29a: {  	v4 =	vsel vm7, v3, v4;
	v3 =	vsel vm7, $0x28, v3;
	vm9 =	vgt.f32 v17, v2  }
0x29b: {  	v22 =	vld [tilespmem:s14+$0xC280];
	vm10 =	vgt.f32 v17, v1;
	v4 =	vsel vm5, $0x29, v4;
	v2 =	vsel vm9, v17, v2  }
0x29c: {  	[tilespmem:$0x1FBA0] =	vst v7;
	v7 =	vsel vm9, $0xFFFFFFFF, v21;
	v4 =	vsel vm6, v3, v4;
	v2 =	vsel vm10, v1, v2  }
0x29d: {  	v3 =	vsel vm6, $0x29, v3;
	v1 =	vsel vm10, v17, v1;
	vm15 =	vgt.f32 v20, v2  }
0x29e: {  	v25 =	vld [tilespmem:s14+$0xC300];
	vm6 =	vnez.u8 v36;
	vm9 =	vgt.f32 v20, v1;
	v2 =	vsel vm15, v20, v2  }
0x29f: {  	v39 =	vld [tilespmem:$0x1FB40];
	v55 =	vimm.s32 $0x0;
	v4 =	vsel vm6, $0x2A, v4;
	v2 =	vsel vm9, v1, v2  }
0x2a0: {  	v41 =	vld [tilespmem:$0x1FB50];
	[tilespmem:$0x1FBC0] =	vst v6;
	v6 =	vsel vm15, $0xFFFFFFFF, v23;
	v1 =	vsel vm9, v20, v1;
	vm15 =	vgt.f32 v22, v2  }
0x2a1: {  	v29 =	vld [tilespmem:s14+$0xC380];
	[tilespmem:$0x1FBD0] =	vst v5;
	v5 =	vsel vm15, $0xFFFFFFFF, v28;
	v2 =	vsel vm15, v22, v2;
	vm15 =	vgt.f32 v22, v1  }
0x2a2: {  	v47 =	vimm.s32 $0x0;
	v4 =	vsel vm12, v3, v4;
	v2 =	vsel vm15, v1, v2  }
0x2a3: {  	v3 =	vsel vm12, $0x2A, v3;
	v1 =	vsel vm15, v22, v1;
	vm8 =	vgt.f32 v25, v2  }
0x2a4: {  	v33 =	vld [tilespmem:s14+$0xE000];
	vm12 =	vnez.u8 v39;
	vm7 =	vgt.f32 v25, v1;
	v2 =	vsel vm8, v25, v2  }
0x2a5: {  	vm4 =	vnez.u8 v41;
	v4 =	vsel vm12, $0x2B, v4;
	v2 =	vsel vm7, v1, v2  }
0x2a6: {  	v45 =	vld [tilespmem:$0x1FB60];
	[tilespmem:$0x1FBE0] =	vst v7;
	v7 =	vsel vm8, $0xFFFFFFFF, v31;
	v1 =	vsel vm7, v25, v1;
	vm8 =	vgt.f32 v29, v2  }
0x2a7: {  	v37 =	vld [tilespmem:s14+$0xE080];
	v4 =	vsel vm1, v3, v4;
	vm6 =	vgt.f32 v29, v1;
	v2 =	vsel vm8, v29, v2  }
0x2a8: {  	v3 =	vsel vm1, $0x2B, v3;
	v4 =	vsel vm4, $0x2C, v4;
	v2 =	vsel vm6, v1, v2  }
0x2a9: {  	[tilespmem:$0x1FBF0] =	vst v6;
	v6 =	vsel vm8, $0xFFFFFFFF, v35;
	v1 =	vsel vm6, v29, v1;
	vm8 =	vgt.f32 v33, v2  }
0x2aa: {  	v40 =	vld [tilespmem:s14+$0xE100];
	v4 =	vsel vm14, v3, v4;
	vm5 =	vgt.f32 v33, v1;
	v2 =	vsel vm8, v33, v2  }
0x2ab: {  	v3 =	vsel vm14, $0x2C, v3;
	vm14 =	vnez.u8 v45;
	v2 =	vsel vm5, v1, v2  }
0x2ac: {  	v48 =	vld [tilespmem:$0x1FB70];
	[tilespmem:$0x1FC00] =	vst v5;
	v5 =	vsel vm8, $0xFFFFFFFF, v38;
	v1 =	vsel vm5, v33, v1;
	vm8 =	vgt.f32 v37, v2  }
0x2ad: {  	v43 =	vld [tilespmem:s14+$0xE180];
	v4 =	vsel vm14, $0x2D, v4;
	vm4 =	vgt.f32 v37, v1;
	v2 =	vsel vm8, v37, v2  }
0x2ae: {  	v50 =	vld [tilespmem:$0x1FB80];
	v4 =	vsel vm3, v3, v4;
	v3 =	vsel vm3, $0x2D, v3;
	v2 =	vsel vm4, v1, v2  }
0x2af: {  	v46 =	vld [tilespmem:s14+$0xE200];
	[tilespmem:$0x1FC10] =	vst v7;
	v7 =	vsel vm8, $0xFFFFFFFF, v42;
	v1 =	vsel vm4, v37, v1;
	vm12 =	vgt.f32 v40, v2  }
0x2b0: {  	v52 =	vld [tilespmem:$0x1FB90];
	[tilespmem:$0x1FC20] =	vst v6;
	vm14 =	vgt.f32 v40, v1;
	v6 =	vsel vm12, $0xFFFFFFFF, v44;
	v2 =	vsel vm12, v40, v2  }
0x2b1: {  	vm12 =	vnez.u8 v48;
	v2 =	vsel vm14, v1, v2;
	v1 =	vsel vm14, v40, v1  }
0x2b2: {  	[tilespmem:$0x1FBB0] =	vst v8;
	v54 =	vld [tilespmem:$0x1FBA0];
	v4 =	vsel vm12, $0x2E, v4;
	vm8 =	vgt.f32 v43, v2;
	vm3 =	vgt.f32 v43, v1  }
0x2b3: {  	v56 =	vld [tilespmem:$0x1FBB0];
	[tilespmem:$0x1FC30] =	vst v5;
	v5 =	vsel vm8, $0xFFFFFFFF, v47;
	v2 =	vsel vm8, v43, v2;
	vm8 =	vnez.u8 v50  }
0x2b4: {  	v58 =	vld [tilespmem:$0x1FBC0];
	v4 =	vsel vm8, v3, v4;
	v2 =	vsel vm3, v1, v2;
	v3 =	vsel vm8, $0x2E, v3  }
0x2b5: {  	v49 =	vld [tilespmem:s14+$0xE280];
	v1 =	vsel vm3, v43, v1;
	vm8 =	vnez.u8 v52;
	vm12 =	vgt.f32 v46, v2  }
0x2b6: {  	[tilespmem:$0x1FC40] =	vst v7;
	v4 =	vsel vm8, $0x2F, v4;
	vm2 =	vgt.f32 v46, v1;
	v7 =	vsel vm12, $0xFFFFFFFF, v51  }
0x2b7: {  	v2 =	vsel vm12, v46, v2;
	v4 =	vsel vm0, v3, v4;
	v3 =	vsel vm0, $0x2F, v3  }
0x2b8: {  	v53 =	vld [tilespmem:s14+$0xE300];
	vm12 =	vnez.u8 v54;
	vm0 =	vnez.u8 v56;
	v2 =	vsel vm2, v1, v2  }
0x2b9: {  	v59 =	vld [tilespmem:$0x1FBD0];
	v4 =	vsel vm12, $0x30, v4;
	v1 =	vsel vm2, v46, v1;
	vm12 =	vnez.u8 v58  }
0x2ba: {  	v60 =	vld [tilespmem:$0x1FBE0];
	vm8 =	vgt.f32 v49, v2;
	v4 =	vsel vm0, v3, v4;
	vm1 =	vgt.f32 v49, v1  }
0x2bb: {  	v57 =	vld [tilespmem:s14+$0xE380];
	[tilespmem:$0x1FC50] =	vst v6;
	v3 =	vsel vm0, $0x30, v3;
	v6 =	vsel vm8, $0xFFFFFFFF, v55;
	v2 =	vsel vm8, v49, v2  }
0x2bc: {  	v4 =	vsel vm12, $0x31, v4;
	v2 =	vsel vm1, v1, v2;
	v1 =	vsel vm1, v49, v1  }
0x2bd: {  	v4 =	vsel vm13, v3, v4;
	v3 =	vsel vm13, $0x31, v3;
	vm8 =	vgt.f32 v53, v2  }
0x2be: {  	v61 =	vld [tilespmem:$0x1FBF0];
	vm13 =	vnez.u8 v59;
	vm0 =	vgt.f32 v53, v1;
	v2 =	vsel vm8, v53, v2  }
0x2bf: {  	vm12 =	vnez.u8 v60;
	v4 =	vsel vm13, $0x32, v4;
	v2 =	vsel vm0, v1, v2  }
0x2c0: {  	v62 =	vld [tilespmem:$0x1FC00];
	v4 =	vsel vm11, v3, v4;
	v1 =	vsel vm0, v53, v1;
	vm13 =	vgt.f32 v57, v2  }
0x2c1: {  	v3 =	vsel vm11, $0x32, v3;
	vm11 =	vgt.f32 v57, v1;
	v2 =	vsel vm13, v57, v2  }
0x2c2: {  	v4 =	vsel vm12, $0x33, v4;
	v2 =	vsel vm11, v1, v2;
	v1 =	vsel vm11, v57, v1  }
0x2c3: {  	vm12 =	vnez.u8 v61;
	v1 =	vsub.f32 v2, v1;
	v2 =	vsel vm10, v3, v4  }
0x2c4: {  	v3 =	vsel vm10, $0x33, v3;
	v2 =	vsel vm12, $0x34, v2  }
0x2c5: {  	vm12 =	vnez.u8 v62;
	v2 =	vsel vm9, v3, v2;
	v1 =	vmul.f32 $1.442695020e+00, v1  }
0x2c6: {  	v3 =	vsel vm9, $0x34, v3;
	v2 =	vsel vm12, $0x35, v2  }
0x2c7: {  	(erf) = vpow2.f32 v1;
	v1 =	vsel vm15, v3, v2;
	v2 =	vsel vm15, $0x35, v3;
	v3 =	vld [tilespmem:$0x1FC10];
	_ =	sdelay $0x4  }
0x2c8: {  	vm15 =	vnez.u8 v3;
	v3 =	vld [tilespmem:$0x1FC20];
	_ =	sdelay $0x4  }
0x2c9: {  	vm12 =	vnez.u8 v3;
	v3 =	vld [tilespmem:$0x1FC30];
	_ =	sdelay $0x4  }
0x2ca: {  	v1 =	vsel vm15, $0x36, v1;
	vm15 =	vnez.u8 v3;
	v3 =	vld [tilespmem:$0x1FC40];
	_ =	sdelay $0x4  }
0x2cb: {  	vm9 =	vnez.u8 v3;
	v3 =	vld [tilespmem:$0x1FC50];
	_ =	sdelay $0x4  }
0x2cc: {  	v1 =	vsel vm7, v2, v1;
	vm10 =	vnez.u8 v3;
	v3 =	vpop (erf)  }
0x2cd: {  	v2 =	vsel vm7, $0x36, v2;
	v1 =	vsel vm12, $0x37, v1;
	v3 =	vadd.f32 $1.000000000e+00, v3  }
0x2ce: {  	[tilespmem:$0x1FC70] =	vst v7;
	v1 =	vsel vm6, v2, v1  }
0x2cf: {  	[tilespmem:$0x1FC60] =	vst v5;
	v2 =	vsel vm6, $0x37, v2;
	v1 =	vsel vm15, $0x38, v1;
	(erf) = vrcp.f32 v3;
	v3 =	vld [tilespmem:$0x1FC70]  }
0x2d0: {  	v63 =	vld [tilespmem:$0x1FC60];
	v1 =	vsel vm5, v2, v1  }
0x2d1: {  	v2 =	vsel vm5, $0x38, v2;
	v1 =	vsel vm9, $0x39, v1  }
0x2d2: {  	v1 =	vsel vm4, v2, v1  }
0x2d3: {  	[tilespmem:$0x1FC80] =	vst v6;
	v2 =	vsel vm4, $0x39, v2;
	v1 =	vsel vm10, $0x3A, v1  }
0x2d4: {  	v1 =	vsel vm14, v2, v1;
	v2 =	vsel vm14, $0x3A, v2;
	vm14 =	vnez.u8 v3;
	v3 =	vld [tilespmem:$0x1FC80]  }
0x2d5: {  	vm12 =	vnez.u8 v63  }
0x2d6: {  	v1 =	vsel vm12, $0x3B, v1  }
0x2d7: {  	v1 =	vsel vm3, v2, v1  }
0x2d8: {  	v2 =	vsel vm3, $0x3B, v2;
	v1 =	vsel vm14, $0x3C, v1  }
0x2d9: {  	v1 =	vsel vm2, v2, v1;
	vm15 =	vnez.u8 v3  }
0x2da: {  	v2 =	vsel vm2, $0x3C, v2;
	v1 =	vsel vm15, $0x3D, v1  }
0x2db: {  	v1 =	vsel vm1, v2, v1  }
0x2dc: {  	v2 =	vsel vm1, $0x3D, v2;
	v1 =	vsel vm8, $0x3E, v1  }
0x2dd: {  	v1 =	vsel vm0, v2, v1  }
0x2de: {  	v2 =	vsel vm0, $0x3E, v2;
	v1 =	vsel vm13, $0x3F, v1  }
0x2df: {  	s12 =	sshll.u32 s12, $0x5;
	v1 =	vsel vm11, v2, v1  }
0x2e0: {  	s12 =	sand.u32 $0xFFFFFF00, s12  }
0x2e1: {  	s12 =	sor.u32 s13, s12  }
0x2e2: {  	v2 =	vsel vm11, $0x3F, v2;
	[tilespmem:s12+$0x10880] =	vst v1;
	v1 =	vpop (erf)  }
0x2e3: {  	[tilespmem:s12+$0x10800] =	vst v2;
	v2 =	vsub.f32 $1.000000000e+00, v1  }
0x2e4: {  	[tilespmem:s12+$0x10000] =	vst v1  }
0x2e5: {  	[tilespmem:s12+$0x10080] =	vst v2  }
0x2e6: {  	[hbm4b:s4+s2] =	stream.linear.scatter [tilespmem:s8], [sflag:$0x1], $0x800, $0x38;
	[tilespmem:$0x11000] =	vst v63  }
0x2e7: {  	s11 =	sadd.s32 $0x1, s11;
	_ =	swait.ge [sflag:s9], $0x800  }
0x2e8: {  	p0 =	sne.s32 s11, s6;
	[sflag:s9] =	ssyncset.done $0x0  }
.Ltmp1:
0x2e9: {  	[sflag:s9] =	ssyncadd.s32 $0xFFFFF800;
	(pc) =	sbr.rel @p0 .LBB2_1-.Ltmp1, $4  }
0x2ea: {  	[hbm4b:s5+s2] =	stream.linear.scatter [tilespmem:s10], [sflag:$0x1], $0x800, $0x38;
	[tilespmem:$0x11000] =	vst v63  }
0x2eb: {  	_ =	swait.ge [sflag:s9], $0x800  }
0x2ec: {  	[sflag:s9] =	ssyncset.done $0x0  }
0x2ed: {  	[sflag:s9] =	ssyncadd.s32 $0xFFFFF800  }
0x2ee: {  	_ =	sfence.sel $0x180000  }
0x2ef: {  	[bflag:$0x0] =	sbarrier.arrive $0xFFFF  }
0x2f0: {  	p0 =	sne.s32 s1, $0x0;
	_ =	strace $0x90000047  }
0x2f1: {  	s0 =	sadd.s32 @!p0 $0x100000, s0;
	[bflag:$0x2] =	sbarrier.arrive $0xFFFF  }
0x2f2: {  	[sflag:s0] =	ssyncadd.tile.s32 @!p0 $0x1;
	_ =	shalt  }
.Lfunc_end2:
_tile_overlayer_lowered:
.L_overlay_start_2:
0x2f3: {  	(tag) =	ssettag $0x2  }
0x2f4: {  	s0 =	rddreg [dreg:$0x0];
	s2 =	stileid.u32  }
0x2f5: {  	s1 =	rddreg [dreg:$0x1];
	p0 =	sne.s32 s2, $0x0  }
0x2f6: {  	s3 =	rddreg [dreg:$0x2];
	[bflag:$0x3] =	sbarrier.arrive $0xFFFF;
	s2 =	simm.s32 @!p0 $0x1C01  }
0x2f7: {  	[timem:s3], [sflag:s2] =	dma.local @!p0 [hbm:s0], s1  }
0x2f8: {  	s0 =	simm.s32 @!p0 $0x1  }
0x2f9: {  	_ =	swait.ge @!p0 [sflag:s0], s1  }
0x2fa: {  	s1 =	ssub.s32 @!p0 $0x0, s1;
	[sflag:s0] =	ssyncset.done @!p0 $0x0  }
0x2fb: {  	[sflag:s0] =	ssyncadd.s32 @!p0 s1  }
0x2fc: {  	[bflag:$0x3] =	sbarrier.arrive $0xFFFF  }
0x2fd: {  	_ =	shalt  }

</sc_bundles>
